<compile_context>
chip_gen: v7x
topology: tpu7x:2x2x1
jax: 0.10.2.dev20260603
libtpu: 0.0.44.dev20260713+nightly
codegen_flags: <defaults>
</compile_context>

<pallas_src>
import functools

import jax
import jax.numpy as jnp
from jax import lax
from jax.experimental import pallas as pl
from jax.experimental.pallas import tpu as pltpu
from jax.experimental.pallas import tpu_sc as plsc

N = 10000
E = 320000
D = 128
B = 100
G = 10
F1 = 32
F2 = 16

NC = 2
NS = 16
CHUNK = 128
NB = 8

EDGE_CHUNKS = (((E + CHUNK - 1) // CHUNK + NC * NS * NB - 1)
               // (NC * NS * NB)) * NC * NS * NB
EP = EDGE_CHUNKS * CHUNK

RB = 2048
NRB = (N + RB - 1) // RB

NROWS = NRB * RB


def _mesh():
    return plsc.VectorSubcoreMesh(core_axis_name="c", subcore_axis_name="s")


def _make_aggregate(n_chunks, n_rows, F):
    cpt = n_chunks // (NC * NS)
    rps = n_rows // NS

    @functools.partial(
        pl.kernel,
        out_type=jax.ShapeDtypeStruct((NC, n_rows, F), jnp.float32),
        mesh=_mesh(),
        compiler_params=pltpu.CompilerParams(use_tc_tiling_on_sc=False),
        scratch_types=[
            pltpu.VMEM((cpt, CHUNK), jnp.int32),
            pltpu.VMEM((cpt, CHUNK), jnp.int32),
        ] + [pltpu.VMEM((CHUNK, F), jnp.float32) for _ in range(NB)] + [
            pltpu.VMEM((rps, F), jnp.float32),
            pltpu.VMEM_SHARED((n_rows, F), jnp.float32),
        ] + [pltpu.SemaphoreType.DMA for _ in range(2 * NB)],
    )
    def agg(table, src3d, dst3d, zeros, out, sidx, didx, *rest):
        rows = rest[:NB]
        stage, acc = rest[NB], rest[NB + 1]
        gs = rest[NB + 2:2 * NB + 2]
        ss = rest[2 * NB + 2:]
        c = lax.axis_index("c")
        s = lax.axis_index("s")
        wid = c * NS + s
        pltpu.sync_copy(zeros.at[pl.ds(s * rps, rps)], stage)
        pltpu.sync_copy(stage, acc.at[pl.ds(s * rps, rps)])
        pltpu.sync_copy(src3d.at[wid], sidx)
        pltpu.sync_copy(dst3d.at[wid], didx)
        plsc.subcore_barrier()

        for b in range(NB):
            pltpu.async_copy(table.at[sidx.at[b]], rows[b], gs[b])

        nt = cpt // NB

        def outer(t, carry):
            g0 = t * NB
            for b in range(NB):
                j = g0 + b
                pltpu.make_async_copy(table.at[sidx.at[j]], rows[b],
                                      gs[b]).wait()
                pltpu.async_copy(rows[b], acc.at[didx.at[j]], ss[b], add=True)

            @pl.when(t < nt - 1)
            def _():
                for b in range(NB):
                    pltpu.make_async_copy(rows[b], acc.at[didx.at[g0 + b]],
                                          ss[b]).wait()
                    pltpu.async_copy(table.at[sidx.at[g0 + NB + b]], rows[b],
                                     gs[b])

            return carry

        lax.fori_loop(0, nt, outer, 0)
        for b in range(NB):
            pltpu.make_async_copy(rows[b], acc.at[didx.at[0]], ss[b]).wait()
        plsc.subcore_barrier()
        pltpu.sync_copy(acc.at[pl.ds(s * rps, rps)], stage)
        pltpu.sync_copy(stage, out.at[c, pl.ds(s * rps, rps)])

    return agg


def _make_degree(n_chunks, n_rows):
    cpt = n_chunks // (NC * NS)
    rps = n_rows // NS

    @functools.partial(
        pl.kernel,
        out_type=jax.ShapeDtypeStruct((NC * n_rows,), jnp.float32),
        mesh=_mesh(),
        compiler_params=pltpu.CompilerParams(use_tc_tiling_on_sc=False),
        scratch_types=[
            pltpu.VMEM((cpt, CHUNK), jnp.int32),
            pltpu.VMEM((CHUNK,), jnp.float32),
            pltpu.VMEM((rps,), jnp.float32),
            pltpu.VMEM_SHARED((n_rows,), jnp.float32),
            pltpu.SemaphoreType.DMA,
        ],
    )
    def deg(dst3d, zeros, out, didx, ones_v, stage, acc, sem):
        c = lax.axis_index("c")
        s = lax.axis_index("s")
        wid = c * NS + s
        for k in range(CHUNK // 16):
            ones_v[pl.ds(k * 16, 16)] = jnp.ones((16,), jnp.float32)
        pltpu.sync_copy(zeros.at[pl.ds(s * rps, rps)], stage)
        pltpu.sync_copy(stage, acc.at[pl.ds(s * rps, rps)])
        pltpu.sync_copy(dst3d.at[wid], didx)
        plsc.subcore_barrier()

        def fire(j, carry):
            pltpu.async_copy(ones_v, acc.at[didx.at[j]], sem, add=True)
            return carry

        lax.fori_loop(0, cpt, fire, 0)

        def drain(j, carry):
            pltpu.make_async_copy(ones_v, acc.at[didx.at[j]], sem).wait()
            return carry

        lax.fori_loop(0, cpt, drain, 0)
        plsc.subcore_barrier()
        pltpu.sync_copy(acc.at[pl.ds(s * rps, rps)], stage)
        pltpu.sync_copy(stage, out.at[pl.ds(c * n_rows + s * rps, rps)])

    return deg


def _stage_a(x, W1, dega, degb):

    def body(xb, w1, da, db, g1o, dvo):
        dinv = lax.rsqrt(1.0 + da[...] + db[...])
        h = jnp.dot(xb[...], w1[...], preferred_element_type=jnp.float32)
        g1o[...] = dinv[:, None] * h
        dvo[...] = dinv

    return pl.pallas_call(
        body,
        grid=(NRB,),
        in_specs=[
            pl.BlockSpec((RB, D), lambda i: (i, 0)),
            pl.BlockSpec((D, F1), lambda i: (0, 0)),
            pl.BlockSpec((RB,), lambda i: (i,)),
            pl.BlockSpec((RB,), lambda i: (i,)),
        ],
        out_specs=[
            pl.BlockSpec((RB, F1), lambda i: (i, 0)),
            pl.BlockSpec((RB,), lambda i: (i,)),
        ],
        out_shape=[
            jax.ShapeDtypeStruct((N, F1), jnp.float32),
            jax.ShapeDtypeStruct((N,), jnp.float32),
        ],
    )(x, W1, dega, degb)


def _acc_dma(acc_hbm, j, bufs, sems, slot):
    return pltpu.make_async_copy(
        acc_hbm.at[:, pl.ds(j * RB, RB), :], bufs.at[slot], sems.at[slot])


def _stage_b(acc, g1, dinv, b1, W2):

    def body(acc_hbm, g1b, dvb, b1b, w2, g2o, bufs, sems):
        i = pl.program_id(0)
        slot = lax.rem(i, 2)

        @pl.when(i == 0)
        def _():
            _acc_dma(acc_hbm, 0, bufs, sems, 0).start()

        @pl.when(i + 1 < NRB)
        def _():
            _acc_dma(acc_hbm, i + 1, bufs, sems, 1 - slot).start()

        _acc_dma(acc_hbm, i, bufs, sems, slot).wait()
        a = bufs[slot]
        dv = dvb[...][:, None]
        h = jnp.maximum(dv * (a[0] + a[1] + g1b[...]) + b1b[...], 0.0)
        g2o[...] = dv * jnp.dot(h, w2[...], preferred_element_type=jnp.float32)

    return pl.pallas_call(
        body,
        grid=(NRB,),
        in_specs=[
            pl.BlockSpec(memory_space=pl.ANY),
            pl.BlockSpec((RB, F1), lambda i: (i, 0)),
            pl.BlockSpec((RB,), lambda i: (i,)),
            pl.BlockSpec((1, F1), lambda i: (0, 0)),
            pl.BlockSpec((F1, F2), lambda i: (0, 0)),
        ],
        out_specs=pl.BlockSpec((RB, F2), lambda i: (i, 0)),
        out_shape=jax.ShapeDtypeStruct((N, F2), jnp.float32),
        scratch_shapes=[
            pltpu.VMEM((2, NC, RB, F1), jnp.float32),
            pltpu.SemaphoreType.DMA((2,)),
        ],
    )(acc, g1, dinv, b1, W2)


def _stage_e(acc, g2, dinv, b2, pa, pb, Wf, bf):

    def body(acc_hbm, g2b, dvb, b2b, pab, pbb, wfb, bfb, outb, pools, bufs,
             sems):
        i = pl.program_id(0)
        slot = lax.rem(i, 2)

        @pl.when(i == 0)
        def _():
            pools[...] = jnp.zeros((B, F2), jnp.float32)
            _acc_dma(acc_hbm, 0, bufs, sems, 0).start()

        @pl.when(i + 1 < NRB)
        def _():
            _acc_dma(acc_hbm, i + 1, bufs, sems, 1 - slot).start()

        _acc_dma(acc_hbm, i, bufs, sems, slot).wait()
        a = bufs[slot]
        h2 = jnp.maximum(
            dvb[...][:, None] * (a[0] + a[1] + g2b[...]) + b2b[...], 0.0)
        valid = (i * RB + lax.broadcasted_iota(jnp.int32, (RB, 1), 0)) < N
        h2 = jnp.where(valid, h2, 0.0)
        nid = i * RB + lax.broadcasted_iota(jnp.int32, (1, RB), 1)
        sel = ((pbb[...] <= nid) & (nid < pab[...])).astype(jnp.float32)
        pools[...] += lax.dot_general(
            sel, h2, (((1,), (0,)), ((), ())),
            preferred_element_type=jnp.float32,
            precision=lax.Precision.HIGHEST)

        @pl.when(i == NRB - 1)
        def _():
            cnt = jnp.maximum(pab[...] - pbb[...], 1).astype(jnp.float32)
            mean = pools[...] / cnt
            z = jnp.dot(mean, wfb[...],
                        preferred_element_type=jnp.float32) + bfb[...]
            m = jnp.max(z, axis=1, keepdims=True)
            outb[...] = z - (m + jnp.log(jnp.sum(jnp.exp(z - m), axis=1,
                                                 keepdims=True)))

    return pl.pallas_call(
        body,
        grid=(NRB,),
        in_specs=[
            pl.BlockSpec(memory_space=pl.ANY),
            pl.BlockSpec((RB, F2), lambda i: (i, 0)),
            pl.BlockSpec((RB,), lambda i: (i,)),
            pl.BlockSpec((1, F2), lambda i: (0, 0)),
            pl.BlockSpec((B, 1), lambda i: (0, 0)),
            pl.BlockSpec((B, 1), lambda i: (0, 0)),
            pl.BlockSpec((F2, G), lambda i: (0, 0)),
            pl.BlockSpec((1, G), lambda i: (0, 0)),
        ],
        out_specs=pl.BlockSpec((B, G), lambda i: (0, 0)),
        out_shape=jax.ShapeDtypeStruct((B, G), jnp.float32),
        scratch_shapes=[
            pltpu.VMEM((B, F2), jnp.float32),
            pltpu.VMEM((2, NC, RB, F2), jnp.float32),
            pltpu.SemaphoreType.DMA((2,)),
        ],
    )(acc, g2, dinv, b2, pa, pb, Wf, bf)


_agg_edges_f1 = _make_aggregate(EDGE_CHUNKS, NROWS, F1)
_agg_edges_f2 = _make_aggregate(EDGE_CHUNKS, NROWS, F2)
_degree = _make_degree(EDGE_CHUNKS, NROWS)


def kernel(x, edge_index, ptr, W1, b1, W2, b2, Wf, bf):
    src = edge_index[0].astype(jnp.int32)
    dst = edge_index[1].astype(jnp.int32)
    ptr = ptr.astype(jnp.int32)

    pad = EP - E
    pad_src = jnp.arange(pad, dtype=jnp.int32) % N
    pad_dst = N + (jnp.arange(pad, dtype=jnp.int32) % (NROWS - N))
    src2d = jnp.concatenate([src, pad_src]).reshape(
        NC * NS, EDGE_CHUNKS // (NC * NS), CHUNK)
    dst2d = jnp.concatenate([dst, pad_dst]).reshape(
        NC * NS, EDGE_CHUNKS // (NC * NS), CHUNK)

    zeros_deg = jnp.zeros((NROWS,), jnp.float32)
    zeros_f1 = jnp.zeros((NROWS, F1), jnp.float32)
    zeros_f2 = jnp.zeros((NROWS, F2), jnp.float32)

    degp = _degree(dst2d, zeros_deg)
    dega = degp[:N]
    degb = degp[NROWS:NROWS + N]

    g1, dinv = _stage_a(x, W1, dega, degb)

    acc1 = _agg_edges_f1(g1, src2d, dst2d, zeros_f1)
    g2 = _stage_b(acc1, g1, dinv, b1.reshape(1, F1), W2)

    acc2 = _agg_edges_f2(g2, src2d, dst2d, zeros_f2)

    pa = ptr[1:B + 1].reshape(B, 1)
    pb = ptr[0:B].reshape(B, 1)
    return _stage_e(acc2, g2, dinv, b2.reshape(1, F2),
                    pa, pb, Wf, bf.reshape(1, G))

# --- scband reference (transcript-rebuilt; emitter-appended) ---
"""Pipeline reference for scband-gcn-19026705121731 (READ-ONLY COPY).

The authoritative reference and input builder live on the scoring server;
editing this copy changes nothing except your own understanding.
"""

import jax, jax.numpy as jnp
import numpy as np

N = 10000
E = 320000
D = 128
B = 100
GESTURES = 10


def setup_inputs(seed: int = 0) -> dict:
    key = jax.random.key(seed)
    ks = jax.random.split(key, 8)
    x = jax.random.normal(ks[0], (N, D), dtype=jnp.float32)
    edge_index = jax.random.randint(ks[1], (2, E), 0, N)
    ptr = jnp.sort(jax.random.randint(ks[2], (B + 1,), 0, N))
    ptr = ptr.at[0].set(0).at[-1].set(N)
    W1 = jax.random.normal(ks[3], (D, 32), dtype=jnp.float32) * (1.0 / np.sqrt(D))
    b1 = jnp.zeros((32,), dtype=jnp.float32)
    W2 = jax.random.normal(ks[4], (32, 16), dtype=jnp.float32) * (1.0 / np.sqrt(32.0))
    b2 = jnp.zeros((16,), dtype=jnp.float32)
    Wf = jax.random.normal(ks[5], (16, GESTURES), dtype=jnp.float32) * (1.0 / np.sqrt(16.0))
    bf = jnp.zeros((GESTURES,), dtype=jnp.float32)
    return {"x": x, "edge_index": edge_index, "ptr": ptr, "W1": W1, "b1": b1, "W2": W2, "b2": b2, "Wf": Wf, "bf": bf}


def _prep(edge_index, n):
    # GCNConv default: add self-loops, symmetric normalization D^-1/2 A_hat D^-1/2
    loop = jnp.arange(n, dtype=edge_index.dtype)
    src = jnp.concatenate([edge_index[0], loop])
    dst = jnp.concatenate([edge_index[1], loop])
    deg = jnp.zeros((n,), dtype=jnp.float32).at[dst].add(1.0)
    dinv = jnp.where(deg > 0, jax.lax.rsqrt(jnp.maximum(deg, 1e-12)), 0.0)
    norm = dinv[src] * dinv[dst]
    return src, dst, norm


def _gcn_conv(x, src, dst, norm, W, b):
    h = x @ W
    msg = h[src] * norm[:, None]
    out = jnp.zeros((x.shape[0], W.shape[1]), dtype=x.dtype).at[dst].add(msg)
    return out + b


def reference(x, edge_index, ptr, W1, b1, W2, b2, Wf, bf):
    n = x.shape[0]
    src, dst, norm = _prep(edge_index, n)
    h = jax.nn.relu(_gcn_conv(x, src, dst, norm, W1, b1))
    # F.dropout(training=self.training): identity in eval mode
    h = jax.nn.relu(_gcn_conv(h, src, dst, norm, W2, b2))
    counts = ptr[1:] - ptr[:-1]
    seg = jnp.repeat(jnp.arange(B), counts, total_repeat_length=n)
    sums = jax.ops.segment_sum(h, seg, num_segments=B)
    mean = sums / jnp.maximum(counts, 1).astype(jnp.float32)[:, None]
    logits = mean @ Wf + bf
    return jax.nn.log_softmax(logits, axis=1)

if __name__ == "__main__":
    import jax
    _d = setup_inputs()
    print(jax.jit(kernel)(*tuple(_d.values())))

</pallas_src>

<mosaic_0001>
#map = affine_map<(d0, d1) -> (0, 0)>
#map1 = affine_map<(d0, d1) -> (0, 0, 0)>
module attributes {stable_mosaic.version = 14 : i64} {
  func.func @agg(%arg0: i32, %arg1: i32, %arg2: memref<10000x16xf32, #tpu.memory_space<hbm>>, %arg3: memref<32x80x128xi32, #tpu.memory_space<hbm>>, %arg4: memref<32x80x128xi32, #tpu.memory_space<hbm>>, %arg5: memref<10240x16xf32, #tpu.memory_space<hbm>>, %arg6: memref<2x10240x16xf32, #tpu.memory_space<hbm>>, %arg7: memref<80x128xi32, #tpu.memory_space<vmem>>, %arg8: memref<80x128xi32, #tpu.memory_space<vmem>>, %arg9: memref<128x16xf32, #tpu.memory_space<vmem>>, %arg10: memref<128x16xf32, #tpu.memory_space<vmem>>, %arg11: memref<128x16xf32, #tpu.memory_space<vmem>>, %arg12: memref<128x16xf32, #tpu.memory_space<vmem>>, %arg13: memref<128x16xf32, #tpu.memory_space<vmem>>, %arg14: memref<128x16xf32, #tpu.memory_space<vmem>>, %arg15: memref<128x16xf32, #tpu.memory_space<vmem>>, %arg16: memref<128x16xf32, #tpu.memory_space<vmem>>, %arg17: memref<640x16xf32, #tpu.memory_space<vmem>>, %arg18: memref<10240x16xf32, #tpu.memory_space<vmem_shared>>, %arg19: memref<!tpu.dma_semaphore, #tpu.memory_space<semaphore_mem>>, %arg20: memref<!tpu.dma_semaphore, #tpu.memory_space<semaphore_mem>>, %arg21: memref<!tpu.dma_semaphore, #tpu.memory_space<semaphore_mem>>, %arg22: memref<!tpu.dma_semaphore, #tpu.memory_space<semaphore_mem>>, %arg23: memref<!tpu.dma_semaphore, #tpu.memory_space<semaphore_mem>>, %arg24: memref<!tpu.dma_semaphore, #tpu.memory_space<semaphore_mem>>, %arg25: memref<!tpu.dma_semaphore, #tpu.memory_space<semaphore_mem>>, %arg26: memref<!tpu.dma_semaphore, #tpu.memory_space<semaphore_mem>>, %arg27: memref<!tpu.dma_semaphore, #tpu.memory_space<semaphore_mem>>, %arg28: memref<!tpu.dma_semaphore, #tpu.memory_space<semaphore_mem>>, %arg29: memref<!tpu.dma_semaphore, #tpu.memory_space<semaphore_mem>>, %arg30: memref<!tpu.dma_semaphore, #tpu.memory_space<semaphore_mem>>, %arg31: memref<!tpu.dma_semaphore, #tpu.memory_space<semaphore_mem>>, %arg32: memref<!tpu.dma_semaphore, #tpu.memory_space<semaphore_mem>>, %arg33: memref<!tpu.dma_semaphore, #tpu.memory_space<semaphore_mem>>, %arg34: memref<!tpu.dma_semaphore, #tpu.memory_space<semaphore_mem>>) attributes {dimension_semantics = [#tpu.dimension_semantics<core_parallel>, #tpu.dimension_semantics<subcore_parallel>], iteration_bounds = array<i64: 2, 16>, scalar_prefetch = 0 : i64, scratch_operands = 28 : i64, tpu.core_type = #tpu.core_type<sc_vector_subcore>, window_params = [{transform_indices = #map}, {transform_indices = #map1}, {transform_indices = #map1}, {transform_indices = #map}, {transform_indices = #map1}]} {
    %mul3A = arith.constant 16 : i32
    %mul3A_0 = arith.muli %arg0, %mul3A : i32
    %add3A = arith.addi %mul3A_0, %arg1 : i32
    %mul3A_1 = arith.constant 640 : i32
    %mul3A_2 = arith.muli %arg1, %mul3A_1 : i32
    "tpu.region"() ({
      %run_scoped3A = tpu.sem_alloc : memref<!tpu.dma_semaphore, #tpu.memory_space<semaphore_mem>>
      %dma_start3A_125 = arith.constant 0 : i32
      %dma_start3A_126 = tpu.memref_slice %arg5[%mul3A_2, %dma_start3A_125] : memref<10240x16xf32, #tpu.memory_space<hbm>> -> memref<640x16xf32, #tpu.memory_space<hbm>>
      %dma_start3A_127 = arith.constant 0 : i32
      %dma_start3A_128 = tpu.memref_slice %arg5[%mul3A_2, %dma_start3A_127] : memref<10240x16xf32, #tpu.memory_space<hbm>> -> memref<640x16xf32, #tpu.memory_space<hbm>>
      tpu.enqueue_dma source(%dma_start3A_128 : memref<640x16xf32, #tpu.memory_space<hbm>>) target(%arg17 : memref<640x16xf32, #tpu.memory_space<vmem>>) target_semaphore(%run_scoped3A : memref<!tpu.dma_semaphore, #tpu.memory_space<semaphore_mem>>)
      %dma_wait3A_129 = arith.constant 0 : i32
      %dma_wait3A_130 = tpu.memref_slice %arg5[%mul3A_2, %dma_wait3A_129] : memref<10240x16xf32, #tpu.memory_space<hbm>> -> memref<640x16xf32, #tpu.memory_space<hbm>>
      %dma_wait3A_131 = arith.constant 0 : i32
      %dma_wait3A_132 = tpu.memref_slice %arg5[%mul3A_2, %dma_wait3A_131] : memref<10240x16xf32, #tpu.memory_space<hbm>> -> memref<640x16xf32, #tpu.memory_space<hbm>>
      tpu.wait_dma2 semaphore(%run_scoped3A : memref<!tpu.dma_semaphore, #tpu.memory_space<semaphore_mem>>) src(%dma_wait3A_132 : memref<640x16xf32, #tpu.memory_space<hbm>>) dst(%arg17 : memref<640x16xf32, #tpu.memory_space<vmem>>)
      tpu.yield
    }) : () -> ()
    %mul3A_3 = arith.constant 640 : i32
    %mul3A_4 = arith.muli %arg1, %mul3A_3 : i32
    "tpu.region"() ({
      %run_scoped3A = tpu.sem_alloc : memref<!tpu.dma_semaphore, #tpu.memory_space<semaphore_mem>>
      %dma_start3A_125 = arith.constant 0 : i32
      %dma_start3A_126 = tpu.memref_slice %arg18[%mul3A_4, %dma_start3A_125] : memref<10240x16xf32, #tpu.memory_space<vmem_shared>> -> memref<640x16xf32, #tpu.memory_space<vmem_shared>>
      %dma_start3A_127 = arith.constant 0 : i32
      %dma_start3A_128 = tpu.memref_slice %arg18[%mul3A_4, %dma_start3A_127] : memref<10240x16xf32, #tpu.memory_space<vmem_shared>> -> memref<640x16xf32, #tpu.memory_space<vmem_shared>>
      tpu.enqueue_dma source(%arg17 : memref<640x16xf32, #tpu.memory_space<vmem>>) target(%dma_start3A_128 : memref<640x16xf32, #tpu.memory_space<vmem_shared>>) target_semaphore(%run_scoped3A : memref<!tpu.dma_semaphore, #tpu.memory_space<semaphore_mem>>)
      %dma_wait3A_129 = arith.constant 0 : i32
      %dma_wait3A_130 = tpu.memref_slice %arg18[%mul3A_4, %dma_wait3A_129] : memref<10240x16xf32, #tpu.memory_space<vmem_shared>> -> memref<640x16xf32, #tpu.memory_space<vmem_shared>>
      %dma_wait3A_131 = arith.constant 0 : i32
      %dma_wait3A_132 = tpu.memref_slice %arg18[%mul3A_4, %dma_wait3A_131] : memref<10240x16xf32, #tpu.memory_space<vmem_shared>> -> memref<640x16xf32, #tpu.memory_space<vmem_shared>>
      tpu.wait_dma2 semaphore(%run_scoped3A : memref<!tpu.dma_semaphore, #tpu.memory_space<semaphore_mem>>) src(%arg17 : memref<640x16xf32, #tpu.memory_space<vmem>>) dst(%dma_wait3A_132 : memref<640x16xf32, #tpu.memory_space<vmem_shared>>)
      tpu.yield
    }) : () -> ()
    "tpu.region"() ({
      %run_scoped3A = tpu.sem_alloc : memref<!tpu.dma_semaphore, #tpu.memory_space<semaphore_mem>>
      %dma_start3A_125 = arith.constant 0 : i32
      %dma_start3A_126 = arith.constant 0 : i32
      %dma_start3A_127 = tpu.memref_slice %arg3[%add3A, %dma_start3A_125, %dma_start3A_126] : memref<32x80x128xi32, #tpu.memory_space<hbm>> -> memref<1x80x128xi32, #tpu.memory_space<hbm>>
      %dma_start3A_128 = tpu.memref_squeeze %dma_start3A_127 : memref<1x80x128xi32, #tpu.memory_space<hbm>> -> memref<80x128xi32, #tpu.memory_space<hbm>>
      %dma_start3A_129 = arith.constant 0 : i32
      %dma_start3A_130 = arith.constant 0 : i32
      %dma_start3A_131 = tpu.memref_slice %arg3[%add3A, %dma_start3A_129, %dma_start3A_130] : memref<32x80x128xi32, #tpu.memory_space<hbm>> -> memref<1x80x128xi32, #tpu.memory_space<hbm>>
      %dma_start3A_132 = tpu.memref_squeeze %dma_start3A_131 : memref<1x80x128xi32, #tpu.memory_space<hbm>> -> memref<80x128xi32, #tpu.memory_space<hbm>>
      tpu.enqueue_dma source(%dma_start3A_132 : memref<80x128xi32, #tpu.memory_space<hbm>>) target(%arg7 : memref<80x128xi32, #tpu.memory_space<vmem>>) target_semaphore(%run_scoped3A : memref<!tpu.dma_semaphore, #tpu.memory_space<semaphore_mem>>)
      %dma_wait3A_133 = arith.constant 0 : i32
      %dma_wait3A_134 = arith.constant 0 : i32
      %dma_wait3A_135 = tpu.memref_slice %arg3[%add3A, %dma_wait3A_133, %dma_wait3A_134] : memref<32x80x128xi32, #tpu.memory_space<hbm>> -> memref<1x80x128xi32, #tpu.memory_space<hbm>>
      %dma_wait3A_136 = tpu.memref_squeeze %dma_wait3A_135 : memref<1x80x128xi32, #tpu.memory_space<hbm>> -> memref<80x128xi32, #tpu.memory_space<hbm>>
      %dma_wait3A_137 = arith.constant 0 : i32
      %dma_wait3A_138 = arith.constant 0 : i32
      %dma_wait3A_139 = tpu.memref_slice %arg3[%add3A, %dma_wait3A_137, %dma_wait3A_138] : memref<32x80x128xi32, #tpu.memory_space<hbm>> -> memref<1x80x128xi32, #tpu.memory_space<hbm>>
      %dma_wait3A_140 = tpu.memref_squeeze %dma_wait3A_139 : memref<1x80x128xi32, #tpu.memory_space<hbm>> -> memref<80x128xi32, #tpu.memory_space<hbm>>
      tpu.wait_dma2 semaphore(%run_scoped3A : memref<!tpu.dma_semaphore, #tpu.memory_space<semaphore_mem>>) src(%dma_wait3A_140 : memref<80x128xi32, #tpu.memory_space<hbm>>) dst(%arg7 : memref<80x128xi32, #tpu.memory_space<vmem>>)
      tpu.yield
    }) : () -> ()
    "tpu.region"() ({
      %run_scoped3A = tpu.sem_alloc : memref<!tpu.dma_semaphore, #tpu.memory_space<semaphore_mem>>
      %dma_start3A_125 = arith.constant 0 : i32
      %dma_start3A_126 = arith.constant 0 : i32
      %dma_start3A_127 = tpu.memref_slice %arg4[%add3A, %dma_start3A_125, %dma_start3A_126] : memref<32x80x128xi32, #tpu.memory_space<hbm>> -> memref<1x80x128xi32, #tpu.memory_space<hbm>>
      %dma_start3A_128 = tpu.memref_squeeze %dma_start3A_127 : memref<1x80x128xi32, #tpu.memory_space<hbm>> -> memref<80x128xi32, #tpu.memory_space<hbm>>
      %dma_start3A_129 = arith.constant 0 : i32
      %dma_start3A_130 = arith.constant 0 : i32
      %dma_start3A_131 = tpu.memref_slice %arg4[%add3A, %dma_start3A_129, %dma_start3A_130] : memref<32x80x128xi32, #tpu.memory_space<hbm>> -> memref<1x80x128xi32, #tpu.memory_space<hbm>>
      %dma_start3A_132 = tpu.memref_squeeze %dma_start3A_131 : memref<1x80x128xi32, #tpu.memory_space<hbm>> -> memref<80x128xi32, #tpu.memory_space<hbm>>
      tpu.enqueue_dma source(%dma_start3A_132 : memref<80x128xi32, #tpu.memory_space<hbm>>) target(%arg8 : memref<80x128xi32, #tpu.memory_space<vmem>>) target_semaphore(%run_scoped3A : memref<!tpu.dma_semaphore, #tpu.memory_space<semaphore_mem>>)
      %dma_wait3A_133 = arith.constant 0 : i32
      %dma_wait3A_134 = arith.constant 0 : i32
      %dma_wait3A_135 = tpu.memref_slice %arg4[%add3A, %dma_wait3A_133, %dma_wait3A_134] : memref<32x80x128xi32, #tpu.memory_space<hbm>> -> memref<1x80x128xi32, #tpu.memory_space<hbm>>
      %dma_wait3A_136 = tpu.memref_squeeze %dma_wait3A_135 : memref<1x80x128xi32, #tpu.memory_space<hbm>> -> memref<80x128xi32, #tpu.memory_space<hbm>>
      %dma_wait3A_137 = arith.constant 0 : i32
      %dma_wait3A_138 = arith.constant 0 : i32
      %dma_wait3A_139 = tpu.memref_slice %arg4[%add3A, %dma_wait3A_137, %dma_wait3A_138] : memref<32x80x128xi32, #tpu.memory_space<hbm>> -> memref<1x80x128xi32, #tpu.memory_space<hbm>>
      %dma_wait3A_140 = tpu.memref_squeeze %dma_wait3A_139 : memref<1x80x128xi32, #tpu.memory_space<hbm>> -> memref<80x128xi32, #tpu.memory_space<hbm>>
      tpu.wait_dma2 semaphore(%run_scoped3A : memref<!tpu.dma_semaphore, #tpu.memory_space<semaphore_mem>>) src(%dma_wait3A_140 : memref<80x128xi32, #tpu.memory_space<hbm>>) dst(%arg8 : memref<80x128xi32, #tpu.memory_space<vmem>>)
      tpu.yield
    }) : () -> ()
    %barrier3A = arith.constant 0 : index
    tpu.barrier barrier_id(%barrier3A)
    %dma_start3A = arith.constant 0 : i32
    %dma_start3A_5 = arith.constant 0 : i32
    %dma_start3A_6 = tpu.memref_slice %arg7[%dma_start3A, %dma_start3A_5] : memref<80x128xi32, #tpu.memory_space<vmem>> -> memref<1x128xi32, #tpu.memory_space<vmem>>
    %dma_start3A_7 = tpu.memref_squeeze %dma_start3A_6 : memref<1x128xi32, #tpu.memory_space<vmem>> -> memref<128xi32, #tpu.memory_space<vmem>>
    %dma_start3A_8 = arith.constant 0 : i32
    %dma_start3A_9 = arith.constant 0 : i32
    %dma_start3A_10 = tpu.memref_slice %arg2[%dma_start3A_8, %dma_start3A_9] : memref<10000x16xf32, #tpu.memory_space<hbm>> -> memref<10000x16xf32, #tpu.memory_space<hbm>>
    tpu.enqueue_indirect_dma source(%dma_start3A_10 : memref<10000x16xf32, #tpu.memory_space<hbm>>) target(%arg9 : memref<128x16xf32, #tpu.memory_space<vmem>>) offsets(%dma_start3A_7 : memref<128xi32, #tpu.memory_space<vmem>>) semaphore(%arg19 : memref<!tpu.dma_semaphore, #tpu.memory_space<semaphore_mem>>)
    %dma_start3A_11 = arith.constant 1 : i32
    %dma_start3A_12 = arith.constant 0 : i32
    %dma_start3A_13 = tpu.memref_slice %arg7[%dma_start3A_11, %dma_start3A_12] : memref<80x128xi32, #tpu.memory_space<vmem>> -> memref<1x128xi32, #tpu.memory_space<vmem>>
    %dma_start3A_14 = tpu.memref_squeeze %dma_start3A_13 : memref<1x128xi32, #tpu.memory_space<vmem>> -> memref<128xi32, #tpu.memory_space<vmem>>
    %dma_start3A_15 = arith.constant 0 : i32
    %dma_start3A_16 = arith.constant 0 : i32
    %dma_start3A_17 = tpu.memref_slice %arg2[%dma_start3A_15, %dma_start3A_16] : memref<10000x16xf32, #tpu.memory_space<hbm>> -> memref<10000x16xf32, #tpu.memory_space<hbm>>
    tpu.enqueue_indirect_dma source(%dma_start3A_17 : memref<10000x16xf32, #tpu.memory_space<hbm>>) target(%arg10 : memref<128x16xf32, #tpu.memory_space<vmem>>) offsets(%dma_start3A_14 : memref<128xi32, #tpu.memory_space<vmem>>) semaphore(%arg20 : memref<!tpu.dma_semaphore, #tpu.memory_space<semaphore_mem>>)
    %dma_start3A_18 = arith.constant 2 : i32
    %dma_start3A_19 = arith.constant 0 : i32
    %dma_start3A_20 = tpu.memref_slice %arg7[%dma_start3A_18, %dma_start3A_19] : memref<80x128xi32, #tpu.memory_space<vmem>> -> memref<1x128xi32, #tpu.memory_space<vmem>>
    %dma_start3A_21 = tpu.memref_squeeze %dma_start3A_20 : memref<1x128xi32, #tpu.memory_space<vmem>> -> memref<128xi32, #tpu.memory_space<vmem>>
    %dma_start3A_22 = arith.constant 0 : i32
    %dma_start3A_23 = arith.constant 0 : i32
    %dma_start3A_24 = tpu.memref_slice %arg2[%dma_start3A_22, %dma_start3A_23] : memref<10000x16xf32, #tpu.memory_space<hbm>> -> memref<10000x16xf32, #tpu.memory_space<hbm>>
    tpu.enqueue_indirect_dma source(%dma_start3A_24 : memref<10000x16xf32, #tpu.memory_space<hbm>>) target(%arg11 : memref<128x16xf32, #tpu.memory_space<vmem>>) offsets(%dma_start3A_21 : memref<128xi32, #tpu.memory_space<vmem>>) semaphore(%arg21 : memref<!tpu.dma_semaphore, #tpu.memory_space<semaphore_mem>>)
    %dma_start3A_25 = arith.constant 3 : i32
    %dma_start3A_26 = arith.constant 0 : i32
    %dma_start3A_27 = tpu.memref_slice %arg7[%dma_start3A_25, %dma_start3A_26] : memref<80x128xi32, #tpu.memory_space<vmem>> -> memref<1x128xi32, #tpu.memory_space<vmem>>
    %dma_start3A_28 = tpu.memref_squeeze %dma_start3A_27 : memref<1x128xi32, #tpu.memory_space<vmem>> -> memref<128xi32, #tpu.memory_space<vmem>>
    %dma_start3A_29 = arith.constant 0 : i32
    %dma_start3A_30 = arith.constant 0 : i32
    %dma_start3A_31 = tpu.memref_slice %arg2[%dma_start3A_29, %dma_start3A_30] : memref<10000x16xf32, #tpu.memory_space<hbm>> -> memref<10000x16xf32, #tpu.memory_space<hbm>>
    tpu.enqueue_indirect_dma source(%dma_start3A_31 : memref<10000x16xf32, #tpu.memory_space<hbm>>) target(%arg12 : memref<128x16xf32, #tpu.memory_space<vmem>>) offsets(%dma_start3A_28 : memref<128xi32, #tpu.memory_space<vmem>>) semaphore(%arg22 : memref<!tpu.dma_semaphore, #tpu.memory_space<semaphore_mem>>)
    %dma_start3A_32 = arith.constant 4 : i32
    %dma_start3A_33 = arith.constant 0 : i32
    %dma_start3A_34 = tpu.memref_slice %arg7[%dma_start3A_32, %dma_start3A_33] : memref<80x128xi32, #tpu.memory_space<vmem>> -> memref<1x128xi32, #tpu.memory_space<vmem>>
    %dma_start3A_35 = tpu.memref_squeeze %dma_start3A_34 : memref<1x128xi32, #tpu.memory_space<vmem>> -> memref<128xi32, #tpu.memory_space<vmem>>
    %dma_start3A_36 = arith.constant 0 : i32
    %dma_start3A_37 = arith.constant 0 : i32
    %dma_start3A_38 = tpu.memref_slice %arg2[%dma_start3A_36, %dma_start3A_37] : memref<10000x16xf32, #tpu.memory_space<hbm>> -> memref<10000x16xf32, #tpu.memory_space<hbm>>
    tpu.enqueue_indirect_dma source(%dma_start3A_38 : memref<10000x16xf32, #tpu.memory_space<hbm>>) target(%arg13 : memref<128x16xf32, #tpu.memory_space<vmem>>) offsets(%dma_start3A_35 : memref<128xi32, #tpu.memory_space<vmem>>) semaphore(%arg23 : memref<!tpu.dma_semaphore, #tpu.memory_space<semaphore_mem>>)
    %dma_start3A_39 = arith.constant 5 : i32
    %dma_start3A_40 = arith.constant 0 : i32
    %dma_start3A_41 = tpu.memref_slice %arg7[%dma_start3A_39, %dma_start3A_40] : memref<80x128xi32, #tpu.memory_space<vmem>> -> memref<1x128xi32, #tpu.memory_space<vmem>>
    %dma_start3A_42 = tpu.memref_squeeze %dma_start3A_41 : memref<1x128xi32, #tpu.memory_space<vmem>> -> memref<128xi32, #tpu.memory_space<vmem>>
    %dma_start3A_43 = arith.constant 0 : i32
    %dma_start3A_44 = arith.constant 0 : i32
    %dma_start3A_45 = tpu.memref_slice %arg2[%dma_start3A_43, %dma_start3A_44] : memref<10000x16xf32, #tpu.memory_space<hbm>> -> memref<10000x16xf32, #tpu.memory_space<hbm>>
    tpu.enqueue_indirect_dma source(%dma_start3A_45 : memref<10000x16xf32, #tpu.memory_space<hbm>>) target(%arg14 : memref<128x16xf32, #tpu.memory_space<vmem>>) offsets(%dma_start3A_42 : memref<128xi32, #tpu.memory_space<vmem>>) semaphore(%arg24 : memref<!tpu.dma_semaphore, #tpu.memory_space<semaphore_mem>>)
    %dma_start3A_46 = arith.constant 6 : i32
    %dma_start3A_47 = arith.constant 0 : i32
    %dma_start3A_48 = tpu.memref_slice %arg7[%dma_start3A_46, %dma_start3A_47] : memref<80x128xi32, #tpu.memory_space<vmem>> -> memref<1x128xi32, #tpu.memory_space<vmem>>
    %dma_start3A_49 = tpu.memref_squeeze %dma_start3A_48 : memref<1x128xi32, #tpu.memory_space<vmem>> -> memref<128xi32, #tpu.memory_space<vmem>>
    %dma_start3A_50 = arith.constant 0 : i32
    %dma_start3A_51 = arith.constant 0 : i32
    %dma_start3A_52 = tpu.memref_slice %arg2[%dma_start3A_50, %dma_start3A_51] : memref<10000x16xf32, #tpu.memory_space<hbm>> -> memref<10000x16xf32, #tpu.memory_space<hbm>>
    tpu.enqueue_indirect_dma source(%dma_start3A_52 : memref<10000x16xf32, #tpu.memory_space<hbm>>) target(%arg15 : memref<128x16xf32, #tpu.memory_space<vmem>>) offsets(%dma_start3A_49 : memref<128xi32, #tpu.memory_space<vmem>>) semaphore(%arg25 : memref<!tpu.dma_semaphore, #tpu.memory_space<semaphore_mem>>)
    %dma_start3A_53 = arith.constant 7 : i32
    %dma_start3A_54 = arith.constant 0 : i32
    %dma_start3A_55 = tpu.memref_slice %arg7[%dma_start3A_53, %dma_start3A_54] : memref<80x128xi32, #tpu.memory_space<vmem>> -> memref<1x128xi32, #tpu.memory_space<vmem>>
    %dma_start3A_56 = tpu.memref_squeeze %dma_start3A_55 : memref<1x128xi32, #tpu.memory_space<vmem>> -> memref<128xi32, #tpu.memory_space<vmem>>
    %dma_start3A_57 = arith.constant 0 : i32
    %dma_start3A_58 = arith.constant 0 : i32
    %dma_start3A_59 = tpu.memref_slice %arg2[%dma_start3A_57, %dma_start3A_58] : memref<10000x16xf32, #tpu.memory_space<hbm>> -> memref<10000x16xf32, #tpu.memory_space<hbm>>
    tpu.enqueue_indirect_dma source(%dma_start3A_59 : memref<10000x16xf32, #tpu.memory_space<hbm>>) target(%arg16 : memref<128x16xf32, #tpu.memory_space<vmem>>) offsets(%dma_start3A_56 : memref<128xi32, #tpu.memory_space<vmem>>) semaphore(%arg26 : memref<!tpu.dma_semaphore, #tpu.memory_space<semaphore_mem>>)
    %scan3A = arith.constant 0 : i32
    %scan3A_60 = arith.constant 0 : i32
    %scan3A_61 = arith.constant 10 : i32
    %scan3A_62 = arith.addi %scan3A_60, %scan3A_61 : i32
    %scan3A_63 = arith.constant 1 : i32
    scf.for %scan3A_125 = %scan3A_60 to %scan3A_62 step %scan3A_63  : i32 {
      %mul3A_126 = arith.constant 8 : i32
      %mul3A_127 = arith.muli %scan3A_125, %mul3A_126 : i32
      %add3A_128 = arith.constant 0 : i32
      %add3A_129 = arith.addi %mul3A_127, %add3A_128 : i32
      %dma_wait3A_130 = arith.constant 0 : i32
      %dma_wait3A_131 = tpu.memref_slice %arg7[%add3A_129, %dma_wait3A_130] : memref<80x128xi32, #tpu.memory_space<vmem>> -> memref<1x128xi32, #tpu.memory_space<vmem>>
      %dma_wait3A_132 = tpu.memref_squeeze %dma_wait3A_131 : memref<1x128xi32, #tpu.memory_space<vmem>> -> memref<128xi32, #tpu.memory_space<vmem>>
      %dma_wait3A_133 = arith.constant 0 : i32
      %dma_wait3A_134 = arith.constant 0 : i32
      %dma_wait3A_135 = tpu.memref_slice %arg2[%dma_wait3A_133, %dma_wait3A_134] : memref<10000x16xf32, #tpu.memory_space<hbm>> -> memref<10000x16xf32, #tpu.memory_space<hbm>>
      tpu.wait_indirect_dma semaphore(%arg19 : memref<!tpu.dma_semaphore, #tpu.memory_space<semaphore_mem>>) src(%dma_wait3A_135 : memref<10000x16xf32, #tpu.memory_space<hbm>>) dst(%arg9 : memref<128x16xf32, #tpu.memory_space<vmem>>)
      %dma_start3A_136 = arith.constant 0 : i32
      %dma_start3A_137 = tpu.memref_slice %arg8[%add3A_129, %dma_start3A_136] : memref<80x128xi32, #tpu.memory_space<vmem>> -> memref<1x128xi32, #tpu.memory_space<vmem>>
      %dma_start3A_138 = tpu.memref_squeeze %dma_start3A_137 : memref<1x128xi32, #tpu.memory_space<vmem>> -> memref<128xi32, #tpu.memory_space<vmem>>
      %dma_start3A_139 = arith.constant 0 : i32
      %dma_start3A_140 = arith.constant 0 : i32
      %dma_start3A_141 = tpu.memref_slice %arg18[%dma_start3A_139, %dma_start3A_140] : memref<10240x16xf32, #tpu.memory_space<vmem_shared>> -> memref<10240x16xf32, #tpu.memory_space<vmem_shared>>
      tpu.enqueue_indirect_dma source(%arg9 : memref<128x16xf32, #tpu.memory_space<vmem>>) target(%dma_start3A_141 : memref<10240x16xf32, #tpu.memory_space<vmem_shared>>) offsets(%dma_start3A_138 : memref<128xi32, #tpu.memory_space<vmem>>) semaphore(%arg27 : memref<!tpu.dma_semaphore, #tpu.memory_space<semaphore_mem>>) {add = true}
      %add3A_142 = arith.constant 1 : i32
      %add3A_143 = arith.addi %mul3A_127, %add3A_142 : i32
      %dma_wait3A_144 = arith.constant 0 : i32
      %dma_wait3A_145 = tpu.memref_slice %arg7[%add3A_143, %dma_wait3A_144] : memref<80x128xi32, #tpu.memory_space<vmem>> -> memref<1x128xi32, #tpu.memory_space<vmem>>
      %dma_wait3A_146 = tpu.memref_squeeze %dma_wait3A_145 : memref<1x128xi32, #tpu.memory_space<vmem>> -> memref<128xi32, #tpu.memory_space<vmem>>
      %dma_wait3A_147 = arith.constant 0 : i32
      %dma_wait3A_148 = arith.constant 0 : i32
      %dma_wait3A_149 = tpu.memref_slice %arg2[%dma_wait3A_147, %dma_wait3A_148] : memref<10000x16xf32, #tpu.memory_space<hbm>> -> memref<10000x16xf32, #tpu.memory_space<hbm>>
      tpu.wait_indirect_dma semaphore(%arg20 : memref<!tpu.dma_semaphore, #tpu.memory_space<semaphore_mem>>) src(%dma_wait3A_149 : memref<10000x16xf32, #tpu.memory_space<hbm>>) dst(%arg10 : memref<128x16xf32, #tpu.memory_space<vmem>>)
      %dma_start3A_150 = arith.constant 0 : i32
      %dma_start3A_151 = tpu.memref_slice %arg8[%add3A_143, %dma_start3A_150] : memref<80x128xi32, #tpu.memory_space<vmem>> -> memref<1x128xi32, #tpu.memory_space<vmem>>
      %dma_start3A_152 = tpu.memref_squeeze %dma_start3A_151 : memref<1x128xi32, #tpu.memory_space<vmem>> -> memref<128xi32, #tpu.memory_space<vmem>>
      %dma_start3A_153 = arith.constant 0 : i32
      %dma_start3A_154 = arith.constant 0 : i32
      %dma_start3A_155 = tpu.memref_slice %arg18[%dma_start3A_153, %dma_start3A_154] : memref<10240x16xf32, #tpu.memory_space<vmem_shared>> -> memref<10240x16xf32, #tpu.memory_space<vmem_shared>>
      tpu.enqueue_indirect_dma source(%arg10 : memref<128x16xf32, #tpu.memory_space<vmem>>) target(%dma_start3A_155 : memref<10240x16xf32, #tpu.memory_space<vmem_shared>>) offsets(%dma_start3A_152 : memref<128xi32, #tpu.memory_space<vmem>>) semaphore(%arg28 : memref<!tpu.dma_semaphore, #tpu.memory_space<semaphore_mem>>) {add = true}
      %add3A_156 = arith.constant 2 : i32
      %add3A_157 = arith.addi %mul3A_127, %add3A_156 : i32
      %dma_wait3A_158 = arith.constant 0 : i32
      %dma_wait3A_159 = tpu.memref_slice %arg7[%add3A_157, %dma_wait3A_158] : memref<80x128xi32, #tpu.memory_space<vmem>> -> memref<1x128xi32, #tpu.memory_space<vmem>>
      %dma_wait3A_160 = tpu.memref_squeeze %dma_wait3A_159 : memref<1x128xi32, #tpu.memory_space<vmem>> -> memref<128xi32, #tpu.memory_space<vmem>>
      %dma_wait3A_161 = arith.constant 0 : i32
      %dma_wait3A_162 = arith.constant 0 : i32
      %dma_wait3A_163 = tpu.memref_slice %arg2[%dma_wait3A_161, %dma_wait3A_162] : memref<10000x16xf32, #tpu.memory_space<hbm>> -> memref<10000x16xf32, #tpu.memory_space<hbm>>
      tpu.wait_indirect_dma semaphore(%arg21 : memref<!tpu.dma_semaphore, #tpu.memory_space<semaphore_mem>>) src(%dma_wait3A_163 : memref<10000x16xf32, #tpu.memory_space<hbm>>) dst(%arg11 : memref<128x16xf32, #tpu.memory_space<vmem>>)
      %dma_start3A_164 = arith.constant 0 : i32
      %dma_start3A_165 = tpu.memref_slice %arg8[%add3A_157, %dma_start3A_164] : memref<80x128xi32, #tpu.memory_space<vmem>> -> memref<1x128xi32, #tpu.memory_space<vmem>>
      %dma_start3A_166 = tpu.memref_squeeze %dma_start3A_165 : memref<1x128xi32, #tpu.memory_space<vmem>> -> memref<128xi32, #tpu.memory_space<vmem>>
      %dma_start3A_167 = arith.constant 0 : i32
      %dma_start3A_168 = arith.constant 0 : i32
      %dma_start3A_169 = tpu.memref_slice %arg18[%dma_start3A_167, %dma_start3A_168] : memref<10240x16xf32, #tpu.memory_space<vmem_shared>> -> memref<10240x16xf32, #tpu.memory_space<vmem_shared>>
      tpu.enqueue_indirect_dma source(%arg11 : memref<128x16xf32, #tpu.memory_space<vmem>>) target(%dma_start3A_169 : memref<10240x16xf32, #tpu.memory_space<vmem_shared>>) offsets(%dma_start3A_166 : memref<128xi32, #tpu.memory_space<vmem>>) semaphore(%arg29 : memref<!tpu.dma_semaphore, #tpu.memory_space<semaphore_mem>>) {add = true}
      %add3A_170 = arith.constant 3 : i32
      %add3A_171 = arith.addi %mul3A_127, %add3A_170 : i32
      %dma_wait3A_172 = arith.constant 0 : i32
      %dma_wait3A_173 = tpu.memref_slice %arg7[%add3A_171, %dma_wait3A_172] : memref<80x128xi32, #tpu.memory_space<vmem>> -> memref<1x128xi32, #tpu.memory_space<vmem>>
      %dma_wait3A_174 = tpu.memref_squeeze %dma_wait3A_173 : memref<1x128xi32, #tpu.memory_space<vmem>> -> memref<128xi32, #tpu.memory_space<vmem>>
      %dma_wait3A_175 = arith.constant 0 : i32
      %dma_wait3A_176 = arith.constant 0 : i32
      %dma_wait3A_177 = tpu.memref_slice %arg2[%dma_wait3A_175, %dma_wait3A_176] : memref<10000x16xf32, #tpu.memory_space<hbm>> -> memref<10000x16xf32, #tpu.memory_space<hbm>>
      tpu.wait_indirect_dma semaphore(%arg22 : memref<!tpu.dma_semaphore, #tpu.memory_space<semaphore_mem>>) src(%dma_wait3A_177 : memref<10000x16xf32, #tpu.memory_space<hbm>>) dst(%arg12 : memref<128x16xf32, #tpu.memory_space<vmem>>)
      %dma_start3A_178 = arith.constant 0 : i32
      %dma_start3A_179 = tpu.memref_slice %arg8[%add3A_171, %dma_start3A_178] : memref<80x128xi32, #tpu.memory_space<vmem>> -> memref<1x128xi32, #tpu.memory_space<vmem>>
      %dma_start3A_180 = tpu.memref_squeeze %dma_start3A_179 : memref<1x128xi32, #tpu.memory_space<vmem>> -> memref<128xi32, #tpu.memory_space<vmem>>
      %dma_start3A_181 = arith.constant 0 : i32
      %dma_start3A_182 = arith.constant 0 : i32
      %dma_start3A_183 = tpu.memref_slice %arg18[%dma_start3A_181, %dma_start3A_182] : memref<10240x16xf32, #tpu.memory_space<vmem_shared>> -> memref<10240x16xf32, #tpu.memory_space<vmem_shared>>
      tpu.enqueue_indirect_dma source(%arg12 : memref<128x16xf32, #tpu.memory_space<vmem>>) target(%dma_start3A_183 : memref<10240x16xf32, #tpu.memory_space<vmem_shared>>) offsets(%dma_start3A_180 : memref<128xi32, #tpu.memory_space<vmem>>) semaphore(%arg30 : memref<!tpu.dma_semaphore, #tpu.memory_space<semaphore_mem>>) {add = true}
      %add3A_184 = arith.constant 4 : i32
      %add3A_185 = arith.addi %mul3A_127, %add3A_184 : i32
      %dma_wait3A_186 = arith.constant 0 : i32
      %dma_wait3A_187 = tpu.memref_slice %arg7[%add3A_185, %dma_wait3A_186] : memref<80x128xi32, #tpu.memory_space<vmem>> -> memref<1x128xi32, #tpu.memory_space<vmem>>
      %dma_wait3A_188 = tpu.memref_squeeze %dma_wait3A_187 : memref<1x128xi32, #tpu.memory_space<vmem>> -> memref<128xi32, #tpu.memory_space<vmem>>
      %dma_wait3A_189 = arith.constant 0 : i32
      %dma_wait3A_190 = arith.constant 0 : i32
      %dma_wait3A_191 = tpu.memref_slice %arg2[%dma_wait3A_189, %dma_wait3A_190] : memref<10000x16xf32, #tpu.memory_space<hbm>> -> memref<10000x16xf32, #tpu.memory_space<hbm>>
      tpu.wait_indirect_dma semaphore(%arg23 : memref<!tpu.dma_semaphore, #tpu.memory_space<semaphore_mem>>) src(%dma_wait3A_191 : memref<10000x16xf32, #tpu.memory_space<hbm>>) dst(%arg13 : memref<128x16xf32, #tpu.memory_space<vmem>>)
      %dma_start3A_192 = arith.constant 0 : i32
      %dma_start3A_193 = tpu.memref_slice %arg8[%add3A_185, %dma_start3A_192] : memref<80x128xi32, #tpu.memory_space<vmem>> -> memref<1x128xi32, #tpu.memory_space<vmem>>
      %dma_start3A_194 = tpu.memref_squeeze %dma_start3A_193 : memref<1x128xi32, #tpu.memory_space<vmem>> -> memref<128xi32, #tpu.memory_space<vmem>>
      %dma_start3A_195 = arith.constant 0 : i32
      %dma_start3A_196 = arith.constant 0 : i32
      %dma_start3A_197 = tpu.memref_slice %arg18[%dma_start3A_195, %dma_start3A_196] : memref<10240x16xf32, #tpu.memory_space<vmem_shared>> -> memref<10240x16xf32, #tpu.memory_space<vmem_shared>>
      tpu.enqueue_indirect_dma source(%arg13 : memref<128x16xf32, #tpu.memory_space<vmem>>) target(%dma_start3A_197 : memref<10240x16xf32, #tpu.memory_space<vmem_shared>>) offsets(%dma_start3A_194 : memref<128xi32, #tpu.memory_space<vmem>>) semaphore(%arg31 : memref<!tpu.dma_semaphore, #tpu.memory_space<semaphore_mem>>) {add = true}
      %add3A_198 = arith.constant 5 : i32
      %add3A_199 = arith.addi %mul3A_127, %add3A_198 : i32
      %dma_wait3A_200 = arith.constant 0 : i32
      %dma_wait3A_201 = tpu.memref_slice %arg7[%add3A_199, %dma_wait3A_200] : memref<80x128xi32, #tpu.memory_space<vmem>> -> memref<1x128xi32, #tpu.memory_space<vmem>>
      %dma_wait3A_202 = tpu.memref_squeeze %dma_wait3A_201 : memref<1x128xi32, #tpu.memory_space<vmem>> -> memref<128xi32, #tpu.memory_space<vmem>>
      %dma_wait3A_203 = arith.constant 0 : i32
      %dma_wait3A_204 = arith.constant 0 : i32
      %dma_wait3A_205 = tpu.memref_slice %arg2[%dma_wait3A_203, %dma_wait3A_204] : memref<10000x16xf32, #tpu.memory_space<hbm>> -> memref<10000x16xf32, #tpu.memory_space<hbm>>
      tpu.wait_indirect_dma semaphore(%arg24 : memref<!tpu.dma_semaphore, #tpu.memory_space<semaphore_mem>>) src(%dma_wait3A_205 : memref<10000x16xf32, #tpu.memory_space<hbm>>) dst(%arg14 : memref<128x16xf32, #tpu.memory_space<vmem>>)
      %dma_start3A_206 = arith.constant 0 : i32
      %dma_start3A_207 = tpu.memref_slice %arg8[%add3A_199, %dma_start3A_206] : memref<80x128xi32, #tpu.memory_space<vmem>> -> memref<1x128xi32, #tpu.memory_space<vmem>>
      %dma_start3A_208 = tpu.memref_squeeze %dma_start3A_207 : memref<1x128xi32, #tpu.memory_space<vmem>> -> memref<128xi32, #tpu.memory_space<vmem>>
      %dma_start3A_209 = arith.constant 0 : i32
      %dma_start3A_210 = arith.constant 0 : i32
      %dma_start3A_211 = tpu.memref_slice %arg18[%dma_start3A_209, %dma_start3A_210] : memref<10240x16xf32, #tpu.memory_space<vmem_shared>> -> memref<10240x16xf32, #tpu.memory_space<vmem_shared>>
      tpu.enqueue_indirect_dma source(%arg14 : memref<128x16xf32, #tpu.memory_space<vmem>>) target(%dma_start3A_211 : memref<10240x16xf32, #tpu.memory_space<vmem_shared>>) offsets(%dma_start3A_208 : memref<128xi32, #tpu.memory_space<vmem>>) semaphore(%arg32 : memref<!tpu.dma_semaphore, #tpu.memory_space<semaphore_mem>>) {add = true}
      %add3A_212 = arith.constant 6 : i32
      %add3A_213 = arith.addi %mul3A_127, %add3A_212 : i32
      %dma_wait3A_214 = arith.constant 0 : i32
      %dma_wait3A_215 = tpu.memref_slice %arg7[%add3A_213, %dma_wait3A_214] : memref<80x128xi32, #tpu.memory_space<vmem>> -> memref<1x128xi32, #tpu.memory_space<vmem>>
      %dma_wait3A_216 = tpu.memref_squeeze %dma_wait3A_215 : memref<1x128xi32, #tpu.memory_space<vmem>> -> memref<128xi32, #tpu.memory_space<vmem>>
      %dma_wait3A_217 = arith.constant 0 : i32
      %dma_wait3A_218 = arith.constant 0 : i32
      %dma_wait3A_219 = tpu.memref_slice %arg2[%dma_wait3A_217, %dma_wait3A_218] : memref<10000x16xf32, #tpu.memory_space<hbm>> -> memref<10000x16xf32, #tpu.memory_space<hbm>>
      tpu.wait_indirect_dma semaphore(%arg25 : memref<!tpu.dma_semaphore, #tpu.memory_space<semaphore_mem>>) src(%dma_wait3A_219 : memref<10000x16xf32, #tpu.memory_space<hbm>>) dst(%arg15 : memref<128x16xf32, #tpu.memory_space<vmem>>)
      %dma_start3A_220 = arith.constant 0 : i32
      %dma_start3A_221 = tpu.memref_slice %arg8[%add3A_213, %dma_start3A_220] : memref<80x128xi32, #tpu.memory_space<vmem>> -> memref<1x128xi32, #tpu.memory_space<vmem>>
      %dma_start3A_222 = tpu.memref_squeeze %dma_start3A_221 : memref<1x128xi32, #tpu.memory_space<vmem>> -> memref<128xi32, #tpu.memory_space<vmem>>
      %dma_start3A_223 = arith.constant 0 : i32
      %dma_start3A_224 = arith.constant 0 : i32
      %dma_start3A_225 = tpu.memref_slice %arg18[%dma_start3A_223, %dma_start3A_224] : memref<10240x16xf32, #tpu.memory_space<vmem_shared>> -> memref<10240x16xf32, #tpu.memory_space<vmem_shared>>
      tpu.enqueue_indirect_dma source(%arg15 : memref<128x16xf32, #tpu.memory_space<vmem>>) target(%dma_start3A_225 : memref<10240x16xf32, #tpu.memory_space<vmem_shared>>) offsets(%dma_start3A_222 : memref<128xi32, #tpu.memory_space<vmem>>) semaphore(%arg33 : memref<!tpu.dma_semaphore, #tpu.memory_space<semaphore_mem>>) {add = true}
      %add3A_226 = arith.constant 7 : i32
      %add3A_227 = arith.addi %mul3A_127, %add3A_226 : i32
      %dma_wait3A_228 = arith.constant 0 : i32
      %dma_wait3A_229 = tpu.memref_slice %arg7[%add3A_227, %dma_wait3A_228] : memref<80x128xi32, #tpu.memory_space<vmem>> -> memref<1x128xi32, #tpu.memory_space<vmem>>
      %dma_wait3A_230 = tpu.memref_squeeze %dma_wait3A_229 : memref<1x128xi32, #tpu.memory_space<vmem>> -> memref<128xi32, #tpu.memory_space<vmem>>
      %dma_wait3A_231 = arith.constant 0 : i32
      %dma_wait3A_232 = arith.constant 0 : i32
      %dma_wait3A_233 = tpu.memref_slice %arg2[%dma_wait3A_231, %dma_wait3A_232] : memref<10000x16xf32, #tpu.memory_space<hbm>> -> memref<10000x16xf32, #tpu.memory_space<hbm>>
      tpu.wait_indirect_dma semaphore(%arg26 : memref<!tpu.dma_semaphore, #tpu.memory_space<semaphore_mem>>) src(%dma_wait3A_233 : memref<10000x16xf32, #tpu.memory_space<hbm>>) dst(%arg16 : memref<128x16xf32, #tpu.memory_space<vmem>>)
      %dma_start3A_234 = arith.constant 0 : i32
      %dma_start3A_235 = tpu.memref_slice %arg8[%add3A_227, %dma_start3A_234] : memref<80x128xi32, #tpu.memory_space<vmem>> -> memref<1x128xi32, #tpu.memory_space<vmem>>
      %dma_start3A_236 = tpu.memref_squeeze %dma_start3A_235 : memref<1x128xi32, #tpu.memory_space<vmem>> -> memref<128xi32, #tpu.memory_space<vmem>>
      %dma_start3A_237 = arith.constant 0 : i32
      %dma_start3A_238 = arith.constant 0 : i32
      %dma_start3A_239 = tpu.memref_slice %arg18[%dma_start3A_237, %dma_start3A_238] : memref<10240x16xf32, #tpu.memory_space<vmem_shared>> -> memref<10240x16xf32, #tpu.memory_space<vmem_shared>>
      tpu.enqueue_indirect_dma source(%arg16 : memref<128x16xf32, #tpu.memory_space<vmem>>) target(%dma_start3A_239 : memref<10240x16xf32, #tpu.memory_space<vmem_shared>>) offsets(%dma_start3A_236 : memref<128xi32, #tpu.memory_space<vmem>>) semaphore(%arg34 : memref<!tpu.dma_semaphore, #tpu.memory_space<semaphore_mem>>) {add = true}
      %lt3A = arith.constant 9 : i32
      %lt3A_240 = arith.cmpi slt, %scan3A_125, %lt3A : i32
      %convert_element_type3A = arith.extui %lt3A_240 : i1 to i32
      %cond3A = arith.constant 0 : i32
      %cond3A_241 = arith.cmpi ne, %convert_element_type3A, %cond3A : i32
      scf.if %cond3A_241 {
        %add3A_242 = arith.constant 0 : i32
        %add3A_243 = arith.addi %mul3A_127, %add3A_242 : i32
        %dma_wait3A_244 = arith.constant 0 : i32
        %dma_wait3A_245 = tpu.memref_slice %arg8[%add3A_243, %dma_wait3A_244] : memref<80x128xi32, #tpu.memory_space<vmem>> -> memref<1x128xi32, #tpu.memory_space<vmem>>
        %dma_wait3A_246 = tpu.memref_squeeze %dma_wait3A_245 : memref<1x128xi32, #tpu.memory_space<vmem>> -> memref<128xi32, #tpu.memory_space<vmem>>
        %dma_wait3A_247 = arith.constant 0 : i32
        %dma_wait3A_248 = arith.constant 0 : i32
        %dma_wait3A_249 = tpu.memref_slice %arg18[%dma_wait3A_247, %dma_wait3A_248] : memref<10240x16xf32, #tpu.memory_space<vmem_shared>> -> memref<10240x16xf32, #tpu.memory_space<vmem_shared>>
        tpu.wait_indirect_dma semaphore(%arg27 : memref<!tpu.dma_semaphore, #tpu.memory_space<semaphore_mem>>) src(%arg9 : memref<128x16xf32, #tpu.memory_space<vmem>>) dst(%dma_wait3A_249 : memref<10240x16xf32, #tpu.memory_space<vmem_shared>>)
        %add3A_250 = arith.constant 8 : i32
        %add3A_251 = arith.addi %mul3A_127, %add3A_250 : i32
        %add3A_252 = arith.constant 0 : i32
        %add3A_253 = arith.addi %add3A_251, %add3A_252 : i32
        %dma_start3A_254 = arith.constant 0 : i32
        %dma_start3A_255 = tpu.memref_slice %arg7[%add3A_253, %dma_start3A_254] : memref<80x128xi32, #tpu.memory_space<vmem>> -> memref<1x128xi32, #tpu.memory_space<vmem>>
        %dma_start3A_256 = tpu.memref_squeeze %dma_start3A_255 : memref<1x128xi32, #tpu.memory_space<vmem>> -> memref<128xi32, #tpu.memory_space<vmem>>
        %dma_start3A_257 = arith.constant 0 : i32
        %dma_start3A_258 = arith.constant 0 : i32
        %dma_start3A_259 = tpu.memref_slice %arg2[%dma_start3A_257, %dma_start3A_258] : memref<10000x16xf32, #tpu.memory_space<hbm>> -> memref<10000x16xf32, #tpu.memory_space<hbm>>
        tpu.enqueue_indirect_dma source(%dma_start3A_259 : memref<10000x16xf32, #tpu.memory_space<hbm>>) target(%arg9 : memref<128x16xf32, #tpu.memory_space<vmem>>) offsets(%dma_start3A_256 : memref<128xi32, #tpu.memory_space<vmem>>) semaphore(%arg19 : memref<!tpu.dma_semaphore, #tpu.memory_space<semaphore_mem>>)
        %add3A_260 = arith.constant 1 : i32
        %add3A_261 = arith.addi %mul3A_127, %add3A_260 : i32
        %dma_wait3A_262 = arith.constant 0 : i32
        %dma_wait3A_263 = tpu.memref_slice %arg8[%add3A_261, %dma_wait3A_262] : memref<80x128xi32, #tpu.memory_space<vmem>> -> memref<1x128xi32, #tpu.memory_space<vmem>>
        %dma_wait3A_264 = tpu.memref_squeeze %dma_wait3A_263 : memref<1x128xi32, #tpu.memory_space<vmem>> -> memref<128xi32, #tpu.memory_space<vmem>>
        %dma_wait3A_265 = arith.constant 0 : i32
        %dma_wait3A_266 = arith.constant 0 : i32
        %dma_wait3A_267 = tpu.memref_slice %arg18[%dma_wait3A_265, %dma_wait3A_266] : memref<10240x16xf32, #tpu.memory_space<vmem_shared>> -> memref<10240x16xf32, #tpu.memory_space<vmem_shared>>
        tpu.wait_indirect_dma semaphore(%arg28 : memref<!tpu.dma_semaphore, #tpu.memory_space<semaphore_mem>>) src(%arg10 : memref<128x16xf32, #tpu.memory_space<vmem>>) dst(%dma_wait3A_267 : memref<10240x16xf32, #tpu.memory_space<vmem_shared>>)
        %add3A_268 = arith.constant 8 : i32
        %add3A_269 = arith.addi %mul3A_127, %add3A_268 : i32
        %add3A_270 = arith.constant 1 : i32
        %add3A_271 = arith.addi %add3A_269, %add3A_270 : i32
        %dma_start3A_272 = arith.constant 0 : i32
        %dma_start3A_273 = tpu.memref_slice %arg7[%add3A_271, %dma_start3A_272] : memref<80x128xi32, #tpu.memory_space<vmem>> -> memref<1x128xi32, #tpu.memory_space<vmem>>
        %dma_start3A_274 = tpu.memref_squeeze %dma_start3A_273 : memref<1x128xi32, #tpu.memory_space<vmem>> -> memref<128xi32, #tpu.memory_space<vmem>>
        %dma_start3A_275 = arith.constant 0 : i32
        %dma_start3A_276 = arith.constant 0 : i32
        %dma_start3A_277 = tpu.memref_slice %arg2[%dma_start3A_275, %dma_start3A_276] : memref<10000x16xf32, #tpu.memory_space<hbm>> -> memref<10000x16xf32, #tpu.memory_space<hbm>>
        tpu.enqueue_indirect_dma source(%dma_start3A_277 : memref<10000x16xf32, #tpu.memory_space<hbm>>) target(%arg10 : memref<128x16xf32, #tpu.memory_space<vmem>>) offsets(%dma_start3A_274 : memref<128xi32, #tpu.memory_space<vmem>>) semaphore(%arg20 : memref<!tpu.dma_semaphore, #tpu.memory_space<semaphore_mem>>)
        %add3A_278 = arith.constant 2 : i32
        %add3A_279 = arith.addi %mul3A_127, %add3A_278 : i32
        %dma_wait3A_280 = arith.constant 0 : i32
        %dma_wait3A_281 = tpu.memref_slice %arg8[%add3A_279, %dma_wait3A_280] : memref<80x128xi32, #tpu.memory_space<vmem>> -> memref<1x128xi32, #tpu.memory_space<vmem>>
        %dma_wait3A_282 = tpu.memref_squeeze %dma_wait3A_281 : memref<1x128xi32, #tpu.memory_space<vmem>> -> memref<128xi32, #tpu.memory_space<vmem>>
        %dma_wait3A_283 = arith.constant 0 : i32
        %dma_wait3A_284 = arith.constant 0 : i32
        %dma_wait3A_285 = tpu.memref_slice %arg18[%dma_wait3A_283, %dma_wait3A_284] : memref<10240x16xf32, #tpu.memory_space<vmem_shared>> -> memref<10240x16xf32, #tpu.memory_space<vmem_shared>>
        tpu.wait_indirect_dma semaphore(%arg29 : memref<!tpu.dma_semaphore, #tpu.memory_space<semaphore_mem>>) src(%arg11 : memref<128x16xf32, #tpu.memory_space<vmem>>) dst(%dma_wait3A_285 : memref<10240x16xf32, #tpu.memory_space<vmem_shared>>)
        %add3A_286 = arith.constant 8 : i32
        %add3A_287 = arith.addi %mul3A_127, %add3A_286 : i32
        %add3A_288 = arith.constant 2 : i32
        %add3A_289 = arith.addi %add3A_287, %add3A_288 : i32
        %dma_start3A_290 = arith.constant 0 : i32
        %dma_start3A_291 = tpu.memref_slice %arg7[%add3A_289, %dma_start3A_290] : memref<80x128xi32, #tpu.memory_space<vmem>> -> memref<1x128xi32, #tpu.memory_space<vmem>>
        %dma_start3A_292 = tpu.memref_squeeze %dma_start3A_291 : memref<1x128xi32, #tpu.memory_space<vmem>> -> memref<128xi32, #tpu.memory_space<vmem>>
        %dma_start3A_293 = arith.constant 0 : i32
        %dma_start3A_294 = arith.constant 0 : i32
        %dma_start3A_295 = tpu.memref_slice %arg2[%dma_start3A_293, %dma_start3A_294] : memref<10000x16xf32, #tpu.memory_space<hbm>> -> memref<10000x16xf32, #tpu.memory_space<hbm>>
        tpu.enqueue_indirect_dma source(%dma_start3A_295 : memref<10000x16xf32, #tpu.memory_space<hbm>>) target(%arg11 : memref<128x16xf32, #tpu.memory_space<vmem>>) offsets(%dma_start3A_292 : memref<128xi32, #tpu.memory_space<vmem>>) semaphore(%arg21 : memref<!tpu.dma_semaphore, #tpu.memory_space<semaphore_mem>>)
        %add3A_296 = arith.constant 3 : i32
        %add3A_297 = arith.addi %mul3A_127, %add3A_296 : i32
        %dma_wait3A_298 = arith.constant 0 : i32
        %dma_wait3A_299 = tpu.memref_slice %arg8[%add3A_297, %dma_wait3A_298] : memref<80x128xi32, #tpu.memory_space<vmem>> -> memref<1x128xi32, #tpu.memory_space<vmem>>
        %dma_wait3A_300 = tpu.memref_squeeze %dma_wait3A_299 : memref<1x128xi32, #tpu.memory_space<vmem>> -> memref<128xi32, #tpu.memory_space<vmem>>
        %dma_wait3A_301 = arith.constant 0 : i32
        %dma_wait3A_302 = arith.constant 0 : i32
        %dma_wait3A_303 = tpu.memref_slice %arg18[%dma_wait3A_301, %dma_wait3A_302] : memref<10240x16xf32, #tpu.memory_space<vmem_shared>> -> memref<10240x16xf32, #tpu.memory_space<vmem_shared>>
        tpu.wait_indirect_dma semaphore(%arg30 : memref<!tpu.dma_semaphore, #tpu.memory_space<semaphore_mem>>) src(%arg12 : memref<128x16xf32, #tpu.memory_space<vmem>>) dst(%dma_wait3A_303 : memref<10240x16xf32, #tpu.memory_space<vmem_shared>>)
        %add3A_304 = arith.constant 8 : i32
        %add3A_305 = arith.addi %mul3A_127, %add3A_304 : i32
        %add3A_306 = arith.constant 3 : i32
        %add3A_307 = arith.addi %add3A_305, %add3A_306 : i32
        %dma_start3A_308 = arith.constant 0 : i32
        %dma_start3A_309 = tpu.memref_slice %arg7[%add3A_307, %dma_start3A_308] : memref<80x128xi32, #tpu.memory_space<vmem>> -> memref<1x128xi32, #tpu.memory_space<vmem>>
        %dma_start3A_310 = tpu.memref_squeeze %dma_start3A_309 : memref<1x128xi32, #tpu.memory_space<vmem>> -> memref<128xi32, #tpu.memory_space<vmem>>
        %dma_start3A_311 = arith.constant 0 : i32
        %dma_start3A_312 = arith.constant 0 : i32
        %dma_start3A_313 = tpu.memref_slice %arg2[%dma_start3A_311, %dma_start3A_312] : memref<10000x16xf32, #tpu.memory_space<hbm>> -> memref<10000x16xf32, #tpu.memory_space<hbm>>
        tpu.enqueue_indirect_dma source(%dma_start3A_313 : memref<10000x16xf32, #tpu.memory_space<hbm>>) target(%arg12 : memref<128x16xf32, #tpu.memory_space<vmem>>) offsets(%dma_start3A_310 : memref<128xi32, #tpu.memory_space<vmem>>) semaphore(%arg22 : memref<!tpu.dma_semaphore, #tpu.memory_space<semaphore_mem>>)
        %add3A_314 = arith.constant 4 : i32
        %add3A_315 = arith.addi %mul3A_127, %add3A_314 : i32
        %dma_wait3A_316 = arith.constant 0 : i32
        %dma_wait3A_317 = tpu.memref_slice %arg8[%add3A_315, %dma_wait3A_316] : memref<80x128xi32, #tpu.memory_space<vmem>> -> memref<1x128xi32, #tpu.memory_space<vmem>>
        %dma_wait3A_318 = tpu.memref_squeeze %dma_wait3A_317 : memref<1x128xi32, #tpu.memory_space<vmem>> -> memref<128xi32, #tpu.memory_space<vmem>>
        %dma_wait3A_319 = arith.constant 0 : i32
        %dma_wait3A_320 = arith.constant 0 : i32
        %dma_wait3A_321 = tpu.memref_slice %arg18[%dma_wait3A_319, %dma_wait3A_320] : memref<10240x16xf32, #tpu.memory_space<vmem_shared>> -> memref<10240x16xf32, #tpu.memory_space<vmem_shared>>
        tpu.wait_indirect_dma semaphore(%arg31 : memref<!tpu.dma_semaphore, #tpu.memory_space<semaphore_mem>>) src(%arg13 : memref<128x16xf32, #tpu.memory_space<vmem>>) dst(%dma_wait3A_321 : memref<10240x16xf32, #tpu.memory_space<vmem_shared>>)
        %add3A_322 = arith.constant 8 : i32
        %add3A_323 = arith.addi %mul3A_127, %add3A_322 : i32
        %add3A_324 = arith.constant 4 : i32
        %add3A_325 = arith.addi %add3A_323, %add3A_324 : i32
        %dma_start3A_326 = arith.constant 0 : i32
        %dma_start3A_327 = tpu.memref_slice %arg7[%add3A_325, %dma_start3A_326] : memref<80x128xi32, #tpu.memory_space<vmem>> -> memref<1x128xi32, #tpu.memory_space<vmem>>
        %dma_start3A_328 = tpu.memref_squeeze %dma_start3A_327 : memref<1x128xi32, #tpu.memory_space<vmem>> -> memref<128xi32, #tpu.memory_space<vmem>>
        %dma_start3A_329 = arith.constant 0 : i32
        %dma_start3A_330 = arith.constant 0 : i32
        %dma_start3A_331 = tpu.memref_slice %arg2[%dma_start3A_329, %dma_start3A_330] : memref<10000x16xf32, #tpu.memory_space<hbm>> -> memref<10000x16xf32, #tpu.memory_space<hbm>>
        tpu.enqueue_indirect_dma source(%dma_start3A_331 : memref<10000x16xf32, #tpu.memory_space<hbm>>) target(%arg13 : memref<128x16xf32, #tpu.memory_space<vmem>>) offsets(%dma_start3A_328 : memref<128xi32, #tpu.memory_space<vmem>>) semaphore(%arg23 : memref<!tpu.dma_semaphore, #tpu.memory_space<semaphore_mem>>)
        %add3A_332 = arith.constant 5 : i32
        %add3A_333 = arith.addi %mul3A_127, %add3A_332 : i32
        %dma_wait3A_334 = arith.constant 0 : i32
        %dma_wait3A_335 = tpu.memref_slice %arg8[%add3A_333, %dma_wait3A_334] : memref<80x128xi32, #tpu.memory_space<vmem>> -> memref<1x128xi32, #tpu.memory_space<vmem>>
        %dma_wait3A_336 = tpu.memref_squeeze %dma_wait3A_335 : memref<1x128xi32, #tpu.memory_space<vmem>> -> memref<128xi32, #tpu.memory_space<vmem>>
        %dma_wait3A_337 = arith.constant 0 : i32
        %dma_wait3A_338 = arith.constant 0 : i32
        %dma_wait3A_339 = tpu.memref_slice %arg18[%dma_wait3A_337, %dma_wait3A_338] : memref<10240x16xf32, #tpu.memory_space<vmem_shared>> -> memref<10240x16xf32, #tpu.memory_space<vmem_shared>>
        tpu.wait_indirect_dma semaphore(%arg32 : memref<!tpu.dma_semaphore, #tpu.memory_space<semaphore_mem>>) src(%arg14 : memref<128x16xf32, #tpu.memory_space<vmem>>) dst(%dma_wait3A_339 : memref<10240x16xf32, #tpu.memory_space<vmem_shared>>)
        %add3A_340 = arith.constant 8 : i32
        %add3A_341 = arith.addi %mul3A_127, %add3A_340 : i32
        %add3A_342 = arith.constant 5 : i32
        %add3A_343 = arith.addi %add3A_341, %add3A_342 : i32
        %dma_start3A_344 = arith.constant 0 : i32
        %dma_start3A_345 = tpu.memref_slice %arg7[%add3A_343, %dma_start3A_344] : memref<80x128xi32, #tpu.memory_space<vmem>> -> memref<1x128xi32, #tpu.memory_space<vmem>>
        %dma_start3A_346 = tpu.memref_squeeze %dma_start3A_345 : memref<1x128xi32, #tpu.memory_space<vmem>> -> memref<128xi32, #tpu.memory_space<vmem>>
        %dma_start3A_347 = arith.constant 0 : i32
        %dma_start3A_348 = arith.constant 0 : i32
        %dma_start3A_349 = tpu.memref_slice %arg2[%dma_start3A_347, %dma_start3A_348] : memref<10000x16xf32, #tpu.memory_space<hbm>> -> memref<10000x16xf32, #tpu.memory_space<hbm>>
        tpu.enqueue_indirect_dma source(%dma_start3A_349 : memref<10000x16xf32, #tpu.memory_space<hbm>>) target(%arg14 : memref<128x16xf32, #tpu.memory_space<vmem>>) offsets(%dma_start3A_346 : memref<128xi32, #tpu.memory_space<vmem>>) semaphore(%arg24 : memref<!tpu.dma_semaphore, #tpu.memory_space<semaphore_mem>>)
        %add3A_350 = arith.constant 6 : i32
        %add3A_351 = arith.addi %mul3A_127, %add3A_350 : i32
        %dma_wait3A_352 = arith.constant 0 : i32
        %dma_wait3A_353 = tpu.memref_slice %arg8[%add3A_351, %dma_wait3A_352] : memref<80x128xi32, #tpu.memory_space<vmem>> -> memref<1x128xi32, #tpu.memory_space<vmem>>
        %dma_wait3A_354 = tpu.memref_squeeze %dma_wait3A_353 : memref<1x128xi32, #tpu.memory_space<vmem>> -> memref<128xi32, #tpu.memory_space<vmem>>
        %dma_wait3A_355 = arith.constant 0 : i32
        %dma_wait3A_356 = arith.constant 0 : i32
        %dma_wait3A_357 = tpu.memref_slice %arg18[%dma_wait3A_355, %dma_wait3A_356] : memref<10240x16xf32, #tpu.memory_space<vmem_shared>> -> memref<10240x16xf32, #tpu.memory_space<vmem_shared>>
        tpu.wait_indirect_dma semaphore(%arg33 : memref<!tpu.dma_semaphore, #tpu.memory_space<semaphore_mem>>) src(%arg15 : memref<128x16xf32, #tpu.memory_space<vmem>>) dst(%dma_wait3A_357 : memref<10240x16xf32, #tpu.memory_space<vmem_shared>>)
        %add3A_358 = arith.constant 8 : i32
        %add3A_359 = arith.addi %mul3A_127, %add3A_358 : i32
        %add3A_360 = arith.constant 6 : i32
        %add3A_361 = arith.addi %add3A_359, %add3A_360 : i32
        %dma_start3A_362 = arith.constant 0 : i32
        %dma_start3A_363 = tpu.memref_slice %arg7[%add3A_361, %dma_start3A_362] : memref<80x128xi32, #tpu.memory_space<vmem>> -> memref<1x128xi32, #tpu.memory_space<vmem>>
        %dma_start3A_364 = tpu.memref_squeeze %dma_start3A_363 : memref<1x128xi32, #tpu.memory_space<vmem>> -> memref<128xi32, #tpu.memory_space<vmem>>
        %dma_start3A_365 = arith.constant 0 : i32
        %dma_start3A_366 = arith.constant 0 : i32
        %dma_start3A_367 = tpu.memref_slice %arg2[%dma_start3A_365, %dma_start3A_366] : memref<10000x16xf32, #tpu.memory_space<hbm>> -> memref<10000x16xf32, #tpu.memory_space<hbm>>
        tpu.enqueue_indirect_dma source(%dma_start3A_367 : memref<10000x16xf32, #tpu.memory_space<hbm>>) target(%arg15 : memref<128x16xf32, #tpu.memory_space<vmem>>) offsets(%dma_start3A_364 : memref<128xi32, #tpu.memory_space<vmem>>) semaphore(%arg25 : memref<!tpu.dma_semaphore, #tpu.memory_space<semaphore_mem>>)
        %add3A_368 = arith.constant 7 : i32
        %add3A_369 = arith.addi %mul3A_127, %add3A_368 : i32
        %dma_wait3A_370 = arith.constant 0 : i32
        %dma_wait3A_371 = tpu.memref_slice %arg8[%add3A_369, %dma_wait3A_370] : memref<80x128xi32, #tpu.memory_space<vmem>> -> memref<1x128xi32, #tpu.memory_space<vmem>>
        %dma_wait3A_372 = tpu.memref_squeeze %dma_wait3A_371 : memref<1x128xi32, #tpu.memory_space<vmem>> -> memref<128xi32, #tpu.memory_space<vmem>>
        %dma_wait3A_373 = arith.constant 0 : i32
        %dma_wait3A_374 = arith.constant 0 : i32
        %dma_wait3A_375 = tpu.memref_slice %arg18[%dma_wait3A_373, %dma_wait3A_374] : memref<10240x16xf32, #tpu.memory_space<vmem_shared>> -> memref<10240x16xf32, #tpu.memory_space<vmem_shared>>
        tpu.wait_indirect_dma semaphore(%arg34 : memref<!tpu.dma_semaphore, #tpu.memory_space<semaphore_mem>>) src(%arg16 : memref<128x16xf32, #tpu.memory_space<vmem>>) dst(%dma_wait3A_375 : memref<10240x16xf32, #tpu.memory_space<vmem_shared>>)
        %add3A_376 = arith.constant 8 : i32
        %add3A_377 = arith.addi %mul3A_127, %add3A_376 : i32
        %add3A_378 = arith.constant 7 : i32
        %add3A_379 = arith.addi %add3A_377, %add3A_378 : i32
        %dma_start3A_380 = arith.constant 0 : i32
        %dma_start3A_381 = tpu.memref_slice %arg7[%add3A_379, %dma_start3A_380] : memref<80x128xi32, #tpu.memory_space<vmem>> -> memref<1x128xi32, #tpu.memory_space<vmem>>
        %dma_start3A_382 = tpu.memref_squeeze %dma_start3A_381 : memref<1x128xi32, #tpu.memory_space<vmem>> -> memref<128xi32, #tpu.memory_space<vmem>>
        %dma_start3A_383 = arith.constant 0 : i32
        %dma_start3A_384 = arith.constant 0 : i32
        %dma_start3A_385 = tpu.memref_slice %arg2[%dma_start3A_383, %dma_start3A_384] : memref<10000x16xf32, #tpu.memory_space<hbm>> -> memref<10000x16xf32, #tpu.memory_space<hbm>>
        tpu.enqueue_indirect_dma source(%dma_start3A_385 : memref<10000x16xf32, #tpu.memory_space<hbm>>) target(%arg16 : memref<128x16xf32, #tpu.memory_space<vmem>>) offsets(%dma_start3A_382 : memref<128xi32, #tpu.memory_space<vmem>>) semaphore(%arg26 : memref<!tpu.dma_semaphore, #tpu.memory_space<semaphore_mem>>)
      } else {
      }
    }
    %scan3A_64 = arith.constant 10 : i32
    %dma_wait3A = arith.constant 0 : i32
    %dma_wait3A_65 = arith.constant 0 : i32
    %dma_wait3A_66 = tpu.memref_slice %arg8[%dma_wait3A, %dma_wait3A_65] : memref<80x128xi32, #tpu.memory_space<vmem>> -> memref<1x128xi32, #tpu.memory_space<vmem>>
    %dma_wait3A_67 = tpu.memref_squeeze %dma_wait3A_66 : memref<1x128xi32, #tpu.memory_space<vmem>> -> memref<128xi32, #tpu.memory_space<vmem>>
    %dma_wait3A_68 = arith.constant 0 : i32
    %dma_wait3A_69 = arith.constant 0 : i32
    %dma_wait3A_70 = tpu.memref_slice %arg18[%dma_wait3A_68, %dma_wait3A_69] : memref<10240x16xf32, #tpu.memory_space<vmem_shared>> -> memref<10240x16xf32, #tpu.memory_space<vmem_shared>>
    tpu.wait_indirect_dma semaphore(%arg27 : memref<!tpu.dma_semaphore, #tpu.memory_space<semaphore_mem>>) src(%arg9 : memref<128x16xf32, #tpu.memory_space<vmem>>) dst(%dma_wait3A_70 : memref<10240x16xf32, #tpu.memory_space<vmem_shared>>)
    %dma_wait3A_71 = arith.constant 0 : i32
    %dma_wait3A_72 = arith.constant 0 : i32
    %dma_wait3A_73 = tpu.memref_slice %arg8[%dma_wait3A_71, %dma_wait3A_72] : memref<80x128xi32, #tpu.memory_space<vmem>> -> memref<1x128xi32, #tpu.memory_space<vmem>>
    %dma_wait3A_74 = tpu.memref_squeeze %dma_wait3A_73 : memref<1x128xi32, #tpu.memory_space<vmem>> -> memref<128xi32, #tpu.memory_space<vmem>>
    %dma_wait3A_75 = arith.constant 0 : i32
    %dma_wait3A_76 = arith.constant 0 : i32
    %dma_wait3A_77 = tpu.memref_slice %arg18[%dma_wait3A_75, %dma_wait3A_76] : memref<10240x16xf32, #tpu.memory_space<vmem_shared>> -> memref<10240x16xf32, #tpu.memory_space<vmem_shared>>
    tpu.wait_indirect_dma semaphore(%arg28 : memref<!tpu.dma_semaphore, #tpu.memory_space<semaphore_mem>>) src(%arg10 : memref<128x16xf32, #tpu.memory_space<vmem>>) dst(%dma_wait3A_77 : memref<10240x16xf32, #tpu.memory_space<vmem_shared>>)
    %dma_wait3A_78 = arith.constant 0 : i32
    %dma_wait3A_79 = arith.constant 0 : i32
    %dma_wait3A_80 = tpu.memref_slice %arg8[%dma_wait3A_78, %dma_wait3A_79] : memref<80x128xi32, #tpu.memory_space<vmem>> -> memref<1x128xi32, #tpu.memory_space<vmem>>
    %dma_wait3A_81 = tpu.memref_squeeze %dma_wait3A_80 : memref<1x128xi32, #tpu.memory_space<vmem>> -> memref<128xi32, #tpu.memory_space<vmem>>
    %dma_wait3A_82 = arith.constant 0 : i32
    %dma_wait3A_83 = arith.constant 0 : i32
    %dma_wait3A_84 = tpu.memref_slice %arg18[%dma_wait3A_82, %dma_wait3A_83] : memref<10240x16xf32, #tpu.memory_space<vmem_shared>> -> memref<10240x16xf32, #tpu.memory_space<vmem_shared>>
    tpu.wait_indirect_dma semaphore(%arg29 : memref<!tpu.dma_semaphore, #tpu.memory_space<semaphore_mem>>) src(%arg11 : memref<128x16xf32, #tpu.memory_space<vmem>>) dst(%dma_wait3A_84 : memref<10240x16xf32, #tpu.memory_space<vmem_shared>>)
    %dma_wait3A_85 = arith.constant 0 : i32
    %dma_wait3A_86 = arith.constant 0 : i32
    %dma_wait3A_87 = tpu.memref_slice %arg8[%dma_wait3A_85, %dma_wait3A_86] : memref<80x128xi32, #tpu.memory_space<vmem>> -> memref<1x128xi32, #tpu.memory_space<vmem>>
    %dma_wait3A_88 = tpu.memref_squeeze %dma_wait3A_87 : memref<1x128xi32, #tpu.memory_space<vmem>> -> memref<128xi32, #tpu.memory_space<vmem>>
    %dma_wait3A_89 = arith.constant 0 : i32
    %dma_wait3A_90 = arith.constant 0 : i32
    %dma_wait3A_91 = tpu.memref_slice %arg18[%dma_wait3A_89, %dma_wait3A_90] : memref<10240x16xf32, #tpu.memory_space<vmem_shared>> -> memref<10240x16xf32, #tpu.memory_space<vmem_shared>>
    tpu.wait_indirect_dma semaphore(%arg30 : memref<!tpu.dma_semaphore, #tpu.memory_space<semaphore_mem>>) src(%arg12 : memref<128x16xf32, #tpu.memory_space<vmem>>) dst(%dma_wait3A_91 : memref<10240x16xf32, #tpu.memory_space<vmem_shared>>)
    %dma_wait3A_92 = arith.constant 0 : i32
    %dma_wait3A_93 = arith.constant 0 : i32
    %dma_wait3A_94 = tpu.memref_slice %arg8[%dma_wait3A_92, %dma_wait3A_93] : memref<80x128xi32, #tpu.memory_space<vmem>> -> memref<1x128xi32, #tpu.memory_space<vmem>>
    %dma_wait3A_95 = tpu.memref_squeeze %dma_wait3A_94 : memref<1x128xi32, #tpu.memory_space<vmem>> -> memref<128xi32, #tpu.memory_space<vmem>>
    %dma_wait3A_96 = arith.constant 0 : i32
    %dma_wait3A_97 = arith.constant 0 : i32
    %dma_wait3A_98 = tpu.memref_slice %arg18[%dma_wait3A_96, %dma_wait3A_97] : memref<10240x16xf32, #tpu.memory_space<vmem_shared>> -> memref<10240x16xf32, #tpu.memory_space<vmem_shared>>
    tpu.wait_indirect_dma semaphore(%arg31 : memref<!tpu.dma_semaphore, #tpu.memory_space<semaphore_mem>>) src(%arg13 : memref<128x16xf32, #tpu.memory_space<vmem>>) dst(%dma_wait3A_98 : memref<10240x16xf32, #tpu.memory_space<vmem_shared>>)
    %dma_wait3A_99 = arith.constant 0 : i32
    %dma_wait3A_100 = arith.constant 0 : i32
    %dma_wait3A_101 = tpu.memref_slice %arg8[%dma_wait3A_99, %dma_wait3A_100] : memref<80x128xi32, #tpu.memory_space<vmem>> -> memref<1x128xi32, #tpu.memory_space<vmem>>
    %dma_wait3A_102 = tpu.memref_squeeze %dma_wait3A_101 : memref<1x128xi32, #tpu.memory_space<vmem>> -> memref<128xi32, #tpu.memory_space<vmem>>
    %dma_wait3A_103 = arith.constant 0 : i32
    %dma_wait3A_104 = arith.constant 0 : i32
    %dma_wait3A_105 = tpu.memref_slice %arg18[%dma_wait3A_103, %dma_wait3A_104] : memref<10240x16xf32, #tpu.memory_space<vmem_shared>> -> memref<10240x16xf32, #tpu.memory_space<vmem_shared>>
    tpu.wait_indirect_dma semaphore(%arg32 : memref<!tpu.dma_semaphore, #tpu.memory_space<semaphore_mem>>) src(%arg14 : memref<128x16xf32, #tpu.memory_space<vmem>>) dst(%dma_wait3A_105 : memref<10240x16xf32, #tpu.memory_space<vmem_shared>>)
    %dma_wait3A_106 = arith.constant 0 : i32
    %dma_wait3A_107 = arith.constant 0 : i32
    %dma_wait3A_108 = tpu.memref_slice %arg8[%dma_wait3A_106, %dma_wait3A_107] : memref<80x128xi32, #tpu.memory_space<vmem>> -> memref<1x128xi32, #tpu.memory_space<vmem>>
    %dma_wait3A_109 = tpu.memref_squeeze %dma_wait3A_108 : memref<1x128xi32, #tpu.memory_space<vmem>> -> memref<128xi32, #tpu.memory_space<vmem>>
    %dma_wait3A_110 = arith.constant 0 : i32
    %dma_wait3A_111 = arith.constant 0 : i32
    %dma_wait3A_112 = tpu.memref_slice %arg18[%dma_wait3A_110, %dma_wait3A_111] : memref<10240x16xf32, #tpu.memory_space<vmem_shared>> -> memref<10240x16xf32, #tpu.memory_space<vmem_shared>>
    tpu.wait_indirect_dma semaphore(%arg33 : memref<!tpu.dma_semaphore, #tpu.memory_space<semaphore_mem>>) src(%arg15 : memref<128x16xf32, #tpu.memory_space<vmem>>) dst(%dma_wait3A_112 : memref<10240x16xf32, #tpu.memory_space<vmem_shared>>)
    %dma_wait3A_113 = arith.constant 0 : i32
    %dma_wait3A_114 = arith.constant 0 : i32
    %dma_wait3A_115 = tpu.memref_slice %arg8[%dma_wait3A_113, %dma_wait3A_114] : memref<80x128xi32, #tpu.memory_space<vmem>> -> memref<1x128xi32, #tpu.memory_space<vmem>>
    %dma_wait3A_116 = tpu.memref_squeeze %dma_wait3A_115 : memref<1x128xi32, #tpu.memory_space<vmem>> -> memref<128xi32, #tpu.memory_space<vmem>>
    %dma_wait3A_117 = arith.constant 0 : i32
    %dma_wait3A_118 = arith.constant 0 : i32
    %dma_wait3A_119 = tpu.memref_slice %arg18[%dma_wait3A_117, %dma_wait3A_118] : memref<10240x16xf32, #tpu.memory_space<vmem_shared>> -> memref<10240x16xf32, #tpu.memory_space<vmem_shared>>
    tpu.wait_indirect_dma semaphore(%arg34 : memref<!tpu.dma_semaphore, #tpu.memory_space<semaphore_mem>>) src(%arg16 : memref<128x16xf32, #tpu.memory_space<vmem>>) dst(%dma_wait3A_119 : memref<10240x16xf32, #tpu.memory_space<vmem_shared>>)
    %barrier3A_120 = arith.constant 0 : index
    tpu.barrier barrier_id(%barrier3A_120)
    %mul3A_121 = arith.constant 640 : i32
    %mul3A_122 = arith.muli %arg1, %mul3A_121 : i32
    "tpu.region"() ({
      %run_scoped3A = tpu.sem_alloc : memref<!tpu.dma_semaphore, #tpu.memory_space<semaphore_mem>>
      %dma_start3A_125 = arith.constant 0 : i32
      %dma_start3A_126 = tpu.memref_slice %arg18[%mul3A_122, %dma_start3A_125] : memref<10240x16xf32, #tpu.memory_space<vmem_shared>> -> memref<640x16xf32, #tpu.memory_space<vmem_shared>>
      %dma_start3A_127 = arith.constant 0 : i32
      %dma_start3A_128 = tpu.memref_slice %arg18[%mul3A_122, %dma_start3A_127] : memref<10240x16xf32, #tpu.memory_space<vmem_shared>> -> memref<640x16xf32, #tpu.memory_space<vmem_shared>>
      tpu.enqueue_dma source(%dma_start3A_128 : memref<640x16xf32, #tpu.memory_space<vmem_shared>>) target(%arg17 : memref<640x16xf32, #tpu.memory_space<vmem>>) target_semaphore(%run_scoped3A : memref<!tpu.dma_semaphore, #tpu.memory_space<semaphore_mem>>)
      %dma_wait3A_129 = arith.constant 0 : i32
      %dma_wait3A_130 = tpu.memref_slice %arg18[%mul3A_122, %dma_wait3A_129] : memref<10240x16xf32, #tpu.memory_space<vmem_shared>> -> memref<640x16xf32, #tpu.memory_space<vmem_shared>>
      %dma_wait3A_131 = arith.constant 0 : i32
      %dma_wait3A_132 = tpu.memref_slice %arg18[%mul3A_122, %dma_wait3A_131] : memref<10240x16xf32, #tpu.memory_space<vmem_shared>> -> memref<640x16xf32, #tpu.memory_space<vmem_shared>>
      tpu.wait_dma2 semaphore(%run_scoped3A : memref<!tpu.dma_semaphore, #tpu.memory_space<semaphore_mem>>) src(%dma_wait3A_132 : memref<640x16xf32, #tpu.memory_space<vmem_shared>>) dst(%arg17 : memref<640x16xf32, #tpu.memory_space<vmem>>)
      tpu.yield
    }) : () -> ()
    %mul3A_123 = arith.constant 640 : i32
    %mul3A_124 = arith.muli %arg1, %mul3A_123 : i32
    "tpu.region"() ({
      %run_scoped3A = tpu.sem_alloc : memref<!tpu.dma_semaphore, #tpu.memory_space<semaphore_mem>>
      %dma_start3A_125 = arith.constant 0 : i32
      %dma_start3A_126 = tpu.memref_slice %arg6[%arg0, %mul3A_124, %dma_start3A_125] : memref<2x10240x16xf32, #tpu.memory_space<hbm>> -> memref<1x640x16xf32, #tpu.memory_space<hbm>>
      %dma_start3A_127 = tpu.memref_squeeze %dma_start3A_126 : memref<1x640x16xf32, #tpu.memory_space<hbm>> -> memref<640x16xf32, #tpu.memory_space<hbm>>
      %dma_start3A_128 = arith.constant 0 : i32
      %dma_start3A_129 = tpu.memref_slice %arg6[%arg0, %mul3A_124, %dma_start3A_128] : memref<2x10240x16xf32, #tpu.memory_space<hbm>> -> memref<1x640x16xf32, #tpu.memory_space<hbm>>
      %dma_start3A_130 = tpu.memref_squeeze %dma_start3A_129 : memref<1x640x16xf32, #tpu.memory_space<hbm>> -> memref<640x16xf32, #tpu.memory_space<hbm>>
      tpu.enqueue_dma source(%arg17 : memref<640x16xf32, #tpu.memory_space<vmem>>) target(%dma_start3A_130 : memref<640x16xf32, #tpu.memory_space<hbm>>) target_semaphore(%run_scoped3A : memref<!tpu.dma_semaphore, #tpu.memory_space<semaphore_mem>>)
      %dma_wait3A_131 = arith.constant 0 : i32
      %dma_wait3A_132 = tpu.memref_slice %arg6[%arg0, %mul3A_124, %dma_wait3A_131] : memref<2x10240x16xf32, #tpu.memory_space<hbm>> -> memref<1x640x16xf32, #tpu.memory_space<hbm>>
      %dma_wait3A_133 = tpu.memref_squeeze %dma_wait3A_132 : memref<1x640x16xf32, #tpu.memory_space<hbm>> -> memref<640x16xf32, #tpu.memory_space<hbm>>
      %dma_wait3A_134 = arith.constant 0 : i32
      %dma_wait3A_135 = tpu.memref_slice %arg6[%arg0, %mul3A_124, %dma_wait3A_134] : memref<2x10240x16xf32, #tpu.memory_space<hbm>> -> memref<1x640x16xf32, #tpu.memory_space<hbm>>
      %dma_wait3A_136 = tpu.memref_squeeze %dma_wait3A_135 : memref<1x640x16xf32, #tpu.memory_space<hbm>> -> memref<640x16xf32, #tpu.memory_space<hbm>>
      tpu.wait_dma2 semaphore(%run_scoped3A : memref<!tpu.dma_semaphore, #tpu.memory_space<semaphore_mem>>) src(%arg17 : memref<640x16xf32, #tpu.memory_space<vmem>>) dst(%dma_wait3A_136 : memref<640x16xf32, #tpu.memory_space<hbm>>)
      tpu.yield
    }) : () -> ()
    return
  }
}

#map = affine_map<(d0, d1) -> (0, 0, 0)>
#map1 = affine_map<(d0, d1) -> (0)>
module attributes {stable_mosaic.version = 14 : i64} {
  func.func @deg(%arg0: i32, %arg1: i32, %arg2: memref<32x80x128xi32, #tpu.memory_space<hbm>>, %arg3: memref<10240xf32, #tpu.memory_space<hbm>>, %arg4: memref<20480xf32, #tpu.memory_space<hbm>>, %arg5: memref<80x128xi32, #tpu.memory_space<vmem>>, %arg6: memref<128xf32, #tpu.memory_space<vmem>>, %arg7: memref<640xf32, #tpu.memory_space<vmem>>, %arg8: memref<10240xf32, #tpu.memory_space<vmem_shared>>, %arg9: memref<!tpu.dma_semaphore, #tpu.memory_space<semaphore_mem>>) attributes {dimension_semantics = [#tpu.dimension_semantics<core_parallel>, #tpu.dimension_semantics<subcore_parallel>], iteration_bounds = array<i64: 2, 16>, scalar_prefetch = 0 : i64, scratch_operands = 5 : i64, tpu.core_type = #tpu.core_type<sc_vector_subcore>, window_params = [{transform_indices = #map}, {transform_indices = #map1}, {transform_indices = #map1}]} {
    %mul3A = arith.constant 16 : i32
    %mul3A_0 = arith.muli %arg0, %mul3A : i32
    %add3A = arith.addi %mul3A_0, %arg1 : i32
    %broadcast_in_dim3A = arith.constant 1.000000e+00 : f32
    %broadcast_in_dim3A_1 = vector.broadcast %broadcast_in_dim3A : f32 to vector<16xf32>
    %swap3A = arith.constant 0 : index
    %swap3A_2 = tpu.vector_load %arg6[%swap3A] {strides = array<i32>} : memref<128xf32, #tpu.memory_space<vmem>>, vector<16xf32>,
    %swap3A_3 = vector.shape_cast %swap3A_2 : vector<16xf32> to vector<16xf32>
    %swap3A_4 = vector.shape_cast %broadcast_in_dim3A_1 : vector<16xf32> to vector<16xf32>
    tpu.vector_store %arg6[%swap3A], %swap3A_4 {strides = array<i32>} : memref<128xf32, #tpu.memory_space<vmem>>, vector<16xf32>,
    %broadcast_in_dim3A_5 = arith.constant 1.000000e+00 : f32
    %broadcast_in_dim3A_6 = vector.broadcast %broadcast_in_dim3A_5 : f32 to vector<16xf32>
    %swap3A_7 = arith.constant 16 : index
    %swap3A_8 = tpu.vector_load %arg6[%swap3A_7] {strides = array<i32>} : memref<128xf32, #tpu.memory_space<vmem>>, vector<16xf32>,
    %swap3A_9 = vector.shape_cast %swap3A_8 : vector<16xf32> to vector<16xf32>
    %swap3A_10 = vector.shape_cast %broadcast_in_dim3A_6 : vector<16xf32> to vector<16xf32>
    tpu.vector_store %arg6[%swap3A_7], %swap3A_10 {strides = array<i32>} : memref<128xf32, #tpu.memory_space<vmem>>, vector<16xf32>,
    %broadcast_in_dim3A_11 = arith.constant 1.000000e+00 : f32
    %broadcast_in_dim3A_12 = vector.broadcast %broadcast_in_dim3A_11 : f32 to vector<16xf32>
    %swap3A_13 = arith.constant 32 : index
    %swap3A_14 = tpu.vector_load %arg6[%swap3A_13] {strides = array<i32>} : memref<128xf32, #tpu.memory_space<vmem>>, vector<16xf32>,
    %swap3A_15 = vector.shape_cast %swap3A_14 : vector<16xf32> to vector<16xf32>
    %swap3A_16 = vector.shape_cast %broadcast_in_dim3A_12 : vector<16xf32> to vector<16xf32>
    tpu.vector_store %arg6[%swap3A_13], %swap3A_16 {strides = array<i32>} : memref<128xf32, #tpu.memory_space<vmem>>, vector<16xf32>,
    %broadcast_in_dim3A_17 = arith.constant 1.000000e+00 : f32
    %broadcast_in_dim3A_18 = vector.broadcast %broadcast_in_dim3A_17 : f32 to vector<16xf32>
    %swap3A_19 = arith.constant 48 : index
    %swap3A_20 = tpu.vector_load %arg6[%swap3A_19] {strides = array<i32>} : memref<128xf32, #tpu.memory_space<vmem>>, vector<16xf32>,
    %swap3A_21 = vector.shape_cast %swap3A_20 : vector<16xf32> to vector<16xf32>
    %swap3A_22 = vector.shape_cast %broadcast_in_dim3A_18 : vector<16xf32> to vector<16xf32>
    tpu.vector_store %arg6[%swap3A_19], %swap3A_22 {strides = array<i32>} : memref<128xf32, #tpu.memory_space<vmem>>, vector<16xf32>,
    %broadcast_in_dim3A_23 = arith.constant 1.000000e+00 : f32
    %broadcast_in_dim3A_24 = vector.broadcast %broadcast_in_dim3A_23 : f32 to vector<16xf32>
    %swap3A_25 = arith.constant 64 : index
    %swap3A_26 = tpu.vector_load %arg6[%swap3A_25] {strides = array<i32>} : memref<128xf32, #tpu.memory_space<vmem>>, vector<16xf32>,
    %swap3A_27 = vector.shape_cast %swap3A_26 : vector<16xf32> to vector<16xf32>
    %swap3A_28 = vector.shape_cast %broadcast_in_dim3A_24 : vector<16xf32> to vector<16xf32>
    tpu.vector_store %arg6[%swap3A_25], %swap3A_28 {strides = array<i32>} : memref<128xf32, #tpu.memory_space<vmem>>, vector<16xf32>,
    %broadcast_in_dim3A_29 = arith.constant 1.000000e+00 : f32
    %broadcast_in_dim3A_30 = vector.broadcast %broadcast_in_dim3A_29 : f32 to vector<16xf32>
    %swap3A_31 = arith.constant 80 : index
    %swap3A_32 = tpu.vector_load %arg6[%swap3A_31] {strides = array<i32>} : memref<128xf32, #tpu.memory_space<vmem>>, vector<16xf32>,
    %swap3A_33 = vector.shape_cast %swap3A_32 : vector<16xf32> to vector<16xf32>
    %swap3A_34 = vector.shape_cast %broadcast_in_dim3A_30 : vector<16xf32> to vector<16xf32>
    tpu.vector_store %arg6[%swap3A_31], %swap3A_34 {strides = array<i32>} : memref<128xf32, #tpu.memory_space<vmem>>, vector<16xf32>,
    %broadcast_in_dim3A_35 = arith.constant 1.000000e+00 : f32
    %broadcast_in_dim3A_36 = vector.broadcast %broadcast_in_dim3A_35 : f32 to vector<16xf32>
    %swap3A_37 = arith.constant 96 : index
    %swap3A_38 = tpu.vector_load %arg6[%swap3A_37] {strides = array<i32>} : memref<128xf32, #tpu.memory_space<vmem>>, vector<16xf32>,
    %swap3A_39 = vector.shape_cast %swap3A_38 : vector<16xf32> to vector<16xf32>
    %swap3A_40 = vector.shape_cast %broadcast_in_dim3A_36 : vector<16xf32> to vector<16xf32>
    tpu.vector_store %arg6[%swap3A_37], %swap3A_40 {strides = array<i32>} : memref<128xf32, #tpu.memory_space<vmem>>, vector<16xf32>,
    %broadcast_in_dim3A_41 = arith.constant 1.000000e+00 : f32
    %broadcast_in_dim3A_42 = vector.broadcast %broadcast_in_dim3A_41 : f32 to vector<16xf32>
    %swap3A_43 = arith.constant 112 : index
    %swap3A_44 = tpu.vector_load %arg6[%swap3A_43] {strides = array<i32>} : memref<128xf32, #tpu.memory_space<vmem>>, vector<16xf32>,
    %swap3A_45 = vector.shape_cast %swap3A_44 : vector<16xf32> to vector<16xf32>
    %swap3A_46 = vector.shape_cast %broadcast_in_dim3A_42 : vector<16xf32> to vector<16xf32>
    tpu.vector_store %arg6[%swap3A_43], %swap3A_46 {strides = array<i32>} : memref<128xf32, #tpu.memory_space<vmem>>, vector<16xf32>,
    %mul3A_47 = arith.constant 640 : i32
    %mul3A_48 = arith.muli %arg1, %mul3A_47 : i32
    "tpu.region"() ({
      %run_scoped3A = tpu.sem_alloc : memref<!tpu.dma_semaphore, #tpu.memory_space<semaphore_mem>>
      %dma_start3A = tpu.memref_slice %arg3[%mul3A_48] : memref<10240xf32, #tpu.memory_space<hbm>> -> memref<640xf32, #tpu.memory_space<hbm>>
      %dma_start3A_70 = tpu.memref_slice %arg3[%mul3A_48] : memref<10240xf32, #tpu.memory_space<hbm>> -> memref<640xf32, #tpu.memory_space<hbm>>
      tpu.enqueue_dma source(%dma_start3A_70 : memref<640xf32, #tpu.memory_space<hbm>>) target(%arg7 : memref<640xf32, #tpu.memory_space<vmem>>) target_semaphore(%run_scoped3A : memref<!tpu.dma_semaphore, #tpu.memory_space<semaphore_mem>>)
      %dma_wait3A = tpu.memref_slice %arg3[%mul3A_48] : memref<10240xf32, #tpu.memory_space<hbm>> -> memref<640xf32, #tpu.memory_space<hbm>>
      %dma_wait3A_71 = tpu.memref_slice %arg3[%mul3A_48] : memref<10240xf32, #tpu.memory_space<hbm>> -> memref<640xf32, #tpu.memory_space<hbm>>
      tpu.wait_dma2 semaphore(%run_scoped3A : memref<!tpu.dma_semaphore, #tpu.memory_space<semaphore_mem>>) src(%dma_wait3A_71 : memref<640xf32, #tpu.memory_space<hbm>>) dst(%arg7 : memref<640xf32, #tpu.memory_space<vmem>>)
      tpu.yield
    }) : () -> ()
    %mul3A_49 = arith.constant 640 : i32
    %mul3A_50 = arith.muli %arg1, %mul3A_49 : i32
    "tpu.region"() ({
      %run_scoped3A = tpu.sem_alloc : memref<!tpu.dma_semaphore, #tpu.memory_space<semaphore_mem>>
      %dma_start3A = tpu.memref_slice %arg8[%mul3A_50] : memref<10240xf32, #tpu.memory_space<vmem_shared>> -> memref<640xf32, #tpu.memory_space<vmem_shared>>
      %dma_start3A_70 = tpu.memref_slice %arg8[%mul3A_50] : memref<10240xf32, #tpu.memory_space<vmem_shared>> -> memref<640xf32, #tpu.memory_space<vmem_shared>>
      tpu.enqueue_dma source(%arg7 : memref<640xf32, #tpu.memory_space<vmem>>) target(%dma_start3A_70 : memref<640xf32, #tpu.memory_space<vmem_shared>>) target_semaphore(%run_scoped3A : memref<!tpu.dma_semaphore, #tpu.memory_space<semaphore_mem>>)
      %dma_wait3A = tpu.memref_slice %arg8[%mul3A_50] : memref<10240xf32, #tpu.memory_space<vmem_shared>> -> memref<640xf32, #tpu.memory_space<vmem_shared>>
      %dma_wait3A_71 = tpu.memref_slice %arg8[%mul3A_50] : memref<10240xf32, #tpu.memory_space<vmem_shared>> -> memref<640xf32, #tpu.memory_space<vmem_shared>>
      tpu.wait_dma2 semaphore(%run_scoped3A : memref<!tpu.dma_semaphore, #tpu.memory_space<semaphore_mem>>) src(%arg7 : memref<640xf32, #tpu.memory_space<vmem>>) dst(%dma_wait3A_71 : memref<640xf32, #tpu.memory_space<vmem_shared>>)
      tpu.yield
    }) : () -> ()
    "tpu.region"() ({
      %run_scoped3A = tpu.sem_alloc : memref<!tpu.dma_semaphore, #tpu.memory_space<semaphore_mem>>
      %dma_start3A = arith.constant 0 : i32
      %dma_start3A_70 = arith.constant 0 : i32
      %dma_start3A_71 = tpu.memref_slice %arg2[%add3A, %dma_start3A, %dma_start3A_70] : memref<32x80x128xi32, #tpu.memory_space<hbm>> -> memref<1x80x128xi32, #tpu.memory_space<hbm>>
      %dma_start3A_72 = tpu.memref_squeeze %dma_start3A_71 : memref<1x80x128xi32, #tpu.memory_space<hbm>> -> memref<80x128xi32, #tpu.memory_space<hbm>>
      %dma_start3A_73 = arith.constant 0 : i32
      %dma_start3A_74 = arith.constant 0 : i32
      %dma_start3A_75 = tpu.memref_slice %arg2[%add3A, %dma_start3A_73, %dma_start3A_74] : memref<32x80x128xi32, #tpu.memory_space<hbm>> -> memref<1x80x128xi32, #tpu.memory_space<hbm>>
      %dma_start3A_76 = tpu.memref_squeeze %dma_start3A_75 : memref<1x80x128xi32, #tpu.memory_space<hbm>> -> memref<80x128xi32, #tpu.memory_space<hbm>>
      tpu.enqueue_dma source(%dma_start3A_76 : memref<80x128xi32, #tpu.memory_space<hbm>>) target(%arg5 : memref<80x128xi32, #tpu.memory_space<vmem>>) target_semaphore(%run_scoped3A : memref<!tpu.dma_semaphore, #tpu.memory_space<semaphore_mem>>)
      %dma_wait3A = arith.constant 0 : i32
      %dma_wait3A_77 = arith.constant 0 : i32
      %dma_wait3A_78 = tpu.memref_slice %arg2[%add3A, %dma_wait3A, %dma_wait3A_77] : memref<32x80x128xi32, #tpu.memory_space<hbm>> -> memref<1x80x128xi32, #tpu.memory_space<hbm>>
      %dma_wait3A_79 = tpu.memref_squeeze %dma_wait3A_78 : memref<1x80x128xi32, #tpu.memory_space<hbm>> -> memref<80x128xi32, #tpu.memory_space<hbm>>
      %dma_wait3A_80 = arith.constant 0 : i32
      %dma_wait3A_81 = arith.constant 0 : i32
      %dma_wait3A_82 = tpu.memref_slice %arg2[%add3A, %dma_wait3A_80, %dma_wait3A_81] : memref<32x80x128xi32, #tpu.memory_space<hbm>> -> memref<1x80x128xi32, #tpu.memory_space<hbm>>
      %dma_wait3A_83 = tpu.memref_squeeze %dma_wait3A_82 : memref<1x80x128xi32, #tpu.memory_space<hbm>> -> memref<80x128xi32, #tpu.memory_space<hbm>>
      tpu.wait_dma2 semaphore(%run_scoped3A : memref<!tpu.dma_semaphore, #tpu.memory_space<semaphore_mem>>) src(%dma_wait3A_83 : memref<80x128xi32, #tpu.memory_space<hbm>>) dst(%arg5 : memref<80x128xi32, #tpu.memory_space<vmem>>)
      tpu.yield
    }) : () -> ()
    %barrier3A = arith.constant 0 : index
    tpu.barrier barrier_id(%barrier3A)
    %scan3A = arith.constant 0 : i32
    %scan3A_51 = arith.constant 0 : i32
    %scan3A_52 = arith.constant 80 : i32
    %scan3A_53 = arith.addi %scan3A_51, %scan3A_52 : i32
    %scan3A_54 = arith.constant 1 : i32
    scf.for %scan3A_70 = %scan3A_51 to %scan3A_53 step %scan3A_54  : i32 {
      %dma_start3A = arith.constant 0 : i32
      %dma_start3A_71 = tpu.memref_slice %arg5[%scan3A_70, %dma_start3A] : memref<80x128xi32, #tpu.memory_space<vmem>> -> memref<1x128xi32, #tpu.memory_space<vmem>>
      %dma_start3A_72 = tpu.memref_squeeze %dma_start3A_71 : memref<1x128xi32, #tpu.memory_space<vmem>> -> memref<128xi32, #tpu.memory_space<vmem>>
      %dma_start3A_73 = arith.constant 0 : i32
      %dma_start3A_74 = tpu.memref_slice %arg8[%dma_start3A_73] : memref<10240xf32, #tpu.memory_space<vmem_shared>> -> memref<10240xf32, #tpu.memory_space<vmem_shared>>
      tpu.enqueue_indirect_dma source(%arg6 : memref<128xf32, #tpu.memory_space<vmem>>) target(%dma_start3A_74 : memref<10240xf32, #tpu.memory_space<vmem_shared>>) offsets(%dma_start3A_72 : memref<128xi32, #tpu.memory_space<vmem>>) semaphore(%arg9 : memref<!tpu.dma_semaphore, #tpu.memory_space<semaphore_mem>>) {add = true}
    }
    %scan3A_55 = arith.constant 80 : i32
    %scan3A_56 = arith.constant 0 : i32
    %scan3A_57 = arith.constant 0 : i32
    %scan3A_58 = arith.constant 80 : i32
    %scan3A_59 = arith.addi %scan3A_57, %scan3A_58 : i32
    %scan3A_60 = arith.constant 1 : i32
    scf.for %scan3A_70 = %scan3A_57 to %scan3A_59 step %scan3A_60  : i32 {
      %dma_wait3A = arith.constant 0 : i32
      %dma_wait3A_71 = tpu.memref_slice %arg5[%scan3A_70, %dma_wait3A] : memref<80x128xi32, #tpu.memory_space<vmem>> -> memref<1x128xi32, #tpu.memory_space<vmem>>
      %dma_wait3A_72 = tpu.memref_squeeze %dma_wait3A_71 : memref<1x128xi32, #tpu.memory_space<vmem>> -> memref<128xi32, #tpu.memory_space<vmem>>
      %dma_wait3A_73 = arith.constant 0 : i32
      %dma_wait3A_74 = tpu.memref_slice %arg8[%dma_wait3A_73] : memref<10240xf32, #tpu.memory_space<vmem_shared>> -> memref<10240xf32, #tpu.memory_space<vmem_shared>>
      tpu.wait_indirect_dma semaphore(%arg9 : memref<!tpu.dma_semaphore, #tpu.memory_space<semaphore_mem>>) src(%arg6 : memref<128xf32, #tpu.memory_space<vmem>>) dst(%dma_wait3A_74 : memref<10240xf32, #tpu.memory_space<vmem_shared>>)
    }
    %scan3A_61 = arith.constant 80 : i32
    %barrier3A_62 = arith.constant 0 : index
    tpu.barrier barrier_id(%barrier3A_62)
    %mul3A_63 = arith.constant 640 : i32
    %mul3A_64 = arith.muli %arg1, %mul3A_63 : i32
    "tpu.region"() ({
      %run_scoped3A = tpu.sem_alloc : memref<!tpu.dma_semaphore, #tpu.memory_space<semaphore_mem>>
      %dma_start3A = tpu.memref_slice %arg8[%mul3A_64] : memref<10240xf32, #tpu.memory_space<vmem_shared>> -> memref<640xf32, #tpu.memory_space<vmem_shared>>
      %dma_start3A_70 = tpu.memref_slice %arg8[%mul3A_64] : memref<10240xf32, #tpu.memory_space<vmem_shared>> -> memref<640xf32, #tpu.memory_space<vmem_shared>>
      tpu.enqueue_dma source(%dma_start3A_70 : memref<640xf32, #tpu.memory_space<vmem_shared>>) target(%arg7 : memref<640xf32, #tpu.memory_space<vmem>>) target_semaphore(%run_scoped3A : memref<!tpu.dma_semaphore, #tpu.memory_space<semaphore_mem>>)
      %dma_wait3A = tpu.memref_slice %arg8[%mul3A_64] : memref<10240xf32, #tpu.memory_space<vmem_shared>> -> memref<640xf32, #tpu.memory_space<vmem_shared>>
      %dma_wait3A_71 = tpu.memref_slice %arg8[%mul3A_64] : memref<10240xf32, #tpu.memory_space<vmem_shared>> -> memref<640xf32, #tpu.memory_space<vmem_shared>>
      tpu.wait_dma2 semaphore(%run_scoped3A : memref<!tpu.dma_semaphore, #tpu.memory_space<semaphore_mem>>) src(%dma_wait3A_71 : memref<640xf32, #tpu.memory_space<vmem_shared>>) dst(%arg7 : memref<640xf32, #tpu.memory_space<vmem>>)
      tpu.yield
    }) : () -> ()
    %mul3A_65 = arith.constant 10240 : i32
    %mul3A_66 = arith.muli %arg0, %mul3A_65 : i32
    %mul3A_67 = arith.constant 640 : i32
    %mul3A_68 = arith.muli %arg1, %mul3A_67 : i32
    %add3A_69 = arith.addi %mul3A_66, %mul3A_68 : i32
    "tpu.region"() ({
      %run_scoped3A = tpu.sem_alloc : memref<!tpu.dma_semaphore, #tpu.memory_space<semaphore_mem>>
      %dma_start3A = tpu.memref_slice %arg4[%add3A_69] : memref<20480xf32, #tpu.memory_space<hbm>> -> memref<640xf32, #tpu.memory_space<hbm>>
      %dma_start3A_70 = tpu.memref_slice %arg4[%add3A_69] : memref<20480xf32, #tpu.memory_space<hbm>> -> memref<640xf32, #tpu.memory_space<hbm>>
      tpu.enqueue_dma source(%arg7 : memref<640xf32, #tpu.memory_space<vmem>>) target(%dma_start3A_70 : memref<640xf32, #tpu.memory_space<hbm>>) target_semaphore(%run_scoped3A : memref<!tpu.dma_semaphore, #tpu.memory_space<semaphore_mem>>)
      %dma_wait3A = tpu.memref_slice %arg4[%add3A_69] : memref<20480xf32, #tpu.memory_space<hbm>> -> memref<640xf32, #tpu.memory_space<hbm>>
      %dma_wait3A_71 = tpu.memref_slice %arg4[%add3A_69] : memref<20480xf32, #tpu.memory_space<hbm>> -> memref<640xf32, #tpu.memory_space<hbm>>
      tpu.wait_dma2 semaphore(%run_scoped3A : memref<!tpu.dma_semaphore, #tpu.memory_space<semaphore_mem>>) src(%arg7 : memref<640xf32, #tpu.memory_space<vmem>>) dst(%dma_wait3A_71 : memref<640xf32, #tpu.memory_space<hbm>>)
      tpu.yield
    }) : () -> ()
    return
  }
}

#map = affine_map<(d0, d1) -> (0, 0)>
#map1 = affine_map<(d0, d1) -> (0, 0, 0)>
module attributes {stable_mosaic.version = 14 : i64} {
  func.func @agg(%arg0: i32, %arg1: i32, %arg2: memref<10000x32xf32, #tpu.memory_space<hbm>>, %arg3: memref<32x80x128xi32, #tpu.memory_space<hbm>>, %arg4: memref<32x80x128xi32, #tpu.memory_space<hbm>>, %arg5: memref<10240x32xf32, #tpu.memory_space<hbm>>, %arg6: memref<2x10240x32xf32, #tpu.memory_space<hbm>>, %arg7: memref<80x128xi32, #tpu.memory_space<vmem>>, %arg8: memref<80x128xi32, #tpu.memory_space<vmem>>, %arg9: memref<128x32xf32, #tpu.memory_space<vmem>>, %arg10: memref<128x32xf32, #tpu.memory_space<vmem>>, %arg11: memref<128x32xf32, #tpu.memory_space<vmem>>, %arg12: memref<128x32xf32, #tpu.memory_space<vmem>>, %arg13: memref<128x32xf32, #tpu.memory_space<vmem>>, %arg14: memref<128x32xf32, #tpu.memory_space<vmem>>, %arg15: memref<128x32xf32, #tpu.memory_space<vmem>>, %arg16: memref<128x32xf32, #tpu.memory_space<vmem>>, %arg17: memref<640x32xf32, #tpu.memory_space<vmem>>, %arg18: memref<10240x32xf32, #tpu.memory_space<vmem_shared>>, %arg19: memref<!tpu.dma_semaphore, #tpu.memory_space<semaphore_mem>>, %arg20: memref<!tpu.dma_semaphore, #tpu.memory_space<semaphore_mem>>, %arg21: memref<!tpu.dma_semaphore, #tpu.memory_space<semaphore_mem>>, %arg22: memref<!tpu.dma_semaphore, #tpu.memory_space<semaphore_mem>>, %arg23: memref<!tpu.dma_semaphore, #tpu.memory_space<semaphore_mem>>, %arg24: memref<!tpu.dma_semaphore, #tpu.memory_space<semaphore_mem>>, %arg25: memref<!tpu.dma_semaphore, #tpu.memory_space<semaphore_mem>>, %arg26: memref<!tpu.dma_semaphore, #tpu.memory_space<semaphore_mem>>, %arg27: memref<!tpu.dma_semaphore, #tpu.memory_space<semaphore_mem>>, %arg28: memref<!tpu.dma_semaphore, #tpu.memory_space<semaphore_mem>>, %arg29: memref<!tpu.dma_semaphore, #tpu.memory_space<semaphore_mem>>, %arg30: memref<!tpu.dma_semaphore, #tpu.memory_space<semaphore_mem>>, %arg31: memref<!tpu.dma_semaphore, #tpu.memory_space<semaphore_mem>>, %arg32: memref<!tpu.dma_semaphore, #tpu.memory_space<semaphore_mem>>, %arg33: memref<!tpu.dma_semaphore, #tpu.memory_space<semaphore_mem>>, %arg34: memref<!tpu.dma_semaphore, #tpu.memory_space<semaphore_mem>>) attributes {dimension_semantics = [#tpu.dimension_semantics<core_parallel>, #tpu.dimension_semantics<subcore_parallel>], iteration_bounds = array<i64: 2, 16>, scalar_prefetch = 0 : i64, scratch_operands = 28 : i64, tpu.core_type = #tpu.core_type<sc_vector_subcore>, window_params = [{transform_indices = #map}, {transform_indices = #map1}, {transform_indices = #map1}, {transform_indices = #map}, {transform_indices = #map1}]} {
    %mul3A = arith.constant 16 : i32
    %mul3A_0 = arith.muli %arg0, %mul3A : i32
    %add3A = arith.addi %mul3A_0, %arg1 : i32
    %mul3A_1 = arith.constant 640 : i32
    %mul3A_2 = arith.muli %arg1, %mul3A_1 : i32
    "tpu.region"() ({
      %run_scoped3A = tpu.sem_alloc : memref<!tpu.dma_semaphore, #tpu.memory_space<semaphore_mem>>
      %dma_start3A_125 = arith.constant 0 : i32
      %dma_start3A_126 = tpu.memref_slice %arg5[%mul3A_2, %dma_start3A_125] : memref<10240x32xf32, #tpu.memory_space<hbm>> -> memref<640x32xf32, #tpu.memory_space<hbm>>
      %dma_start3A_127 = arith.constant 0 : i32
      %dma_start3A_128 = tpu.memref_slice %arg5[%mul3A_2, %dma_start3A_127] : memref<10240x32xf32, #tpu.memory_space<hbm>> -> memref<640x32xf32, #tpu.memory_space<hbm>>
      tpu.enqueue_dma source(%dma_start3A_128 : memref<640x32xf32, #tpu.memory_space<hbm>>) target(%arg17 : memref<640x32xf32, #tpu.memory_space<vmem>>) target_semaphore(%run_scoped3A : memref<!tpu.dma_semaphore, #tpu.memory_space<semaphore_mem>>)
      %dma_wait3A_129 = arith.constant 0 : i32
      %dma_wait3A_130 = tpu.memref_slice %arg5[%mul3A_2, %dma_wait3A_129] : memref<10240x32xf32, #tpu.memory_space<hbm>> -> memref<640x32xf32, #tpu.memory_space<hbm>>
      %dma_wait3A_131 = arith.constant 0 : i32
      %dma_wait3A_132 = tpu.memref_slice %arg5[%mul3A_2, %dma_wait3A_131] : memref<10240x32xf32, #tpu.memory_space<hbm>> -> memref<640x32xf32, #tpu.memory_space<hbm>>
      tpu.wait_dma2 semaphore(%run_scoped3A : memref<!tpu.dma_semaphore, #tpu.memory_space<semaphore_mem>>) src(%dma_wait3A_132 : memref<640x32xf32, #tpu.memory_space<hbm>>) dst(%arg17 : memref<640x32xf32, #tpu.memory_space<vmem>>)
      tpu.yield
    }) : () -> ()
    %mul3A_3 = arith.constant 640 : i32
    %mul3A_4 = arith.muli %arg1, %mul3A_3 : i32
    "tpu.region"() ({
      %run_scoped3A = tpu.sem_alloc : memref<!tpu.dma_semaphore, #tpu.memory_space<semaphore_mem>>
      %dma_start3A_125 = arith.constant 0 : i32
      %dma_start3A_126 = tpu.memref_slice %arg18[%mul3A_4, %dma_start3A_125] : memref<10240x32xf32, #tpu.memory_space<vmem_shared>> -> memref<640x32xf32, #tpu.memory_space<vmem_shared>>
      %dma_start3A_127 = arith.constant 0 : i32
      %dma_start3A_128 = tpu.memref_slice %arg18[%mul3A_4, %dma_start3A_127] : memref<10240x32xf32, #tpu.memory_space<vmem_shared>> -> memref<640x32xf32, #tpu.memory_space<vmem_shared>>
      tpu.enqueue_dma source(%arg17 : memref<640x32xf32, #tpu.memory_space<vmem>>) target(%dma_start3A_128 : memref<640x32xf32, #tpu.memory_space<vmem_shared>>) target_semaphore(%run_scoped3A : memref<!tpu.dma_semaphore, #tpu.memory_space<semaphore_mem>>)
      %dma_wait3A_129 = arith.constant 0 : i32
      %dma_wait3A_130 = tpu.memref_slice %arg18[%mul3A_4, %dma_wait3A_129] : memref<10240x32xf32, #tpu.memory_space<vmem_shared>> -> memref<640x32xf32, #tpu.memory_space<vmem_shared>>
      %dma_wait3A_131 = arith.constant 0 : i32
      %dma_wait3A_132 = tpu.memref_slice %arg18[%mul3A_4, %dma_wait3A_131] : memref<10240x32xf32, #tpu.memory_space<vmem_shared>> -> memref<640x32xf32, #tpu.memory_space<vmem_shared>>
      tpu.wait_dma2 semaphore(%run_scoped3A : memref<!tpu.dma_semaphore, #tpu.memory_space<semaphore_mem>>) src(%arg17 : memref<640x32xf32, #tpu.memory_space<vmem>>) dst(%dma_wait3A_132 : memref<640x32xf32, #tpu.memory_space<vmem_shared>>)
      tpu.yield
    }) : () -> ()
    "tpu.region"() ({
      %run_scoped3A = tpu.sem_alloc : memref<!tpu.dma_semaphore, #tpu.memory_space<semaphore_mem>>
      %dma_start3A_125 = arith.constant 0 : i32
      %dma_start3A_126 = arith.constant 0 : i32
      %dma_start3A_127 = tpu.memref_slice %arg3[%add3A, %dma_start3A_125, %dma_start3A_126] : memref<32x80x128xi32, #tpu.memory_space<hbm>> -> memref<1x80x128xi32, #tpu.memory_space<hbm>>
      %dma_start3A_128 = tpu.memref_squeeze %dma_start3A_127 : memref<1x80x128xi32, #tpu.memory_space<hbm>> -> memref<80x128xi32, #tpu.memory_space<hbm>>
      %dma_start3A_129 = arith.constant 0 : i32
      %dma_start3A_130 = arith.constant 0 : i32
      %dma_start3A_131 = tpu.memref_slice %arg3[%add3A, %dma_start3A_129, %dma_start3A_130] : memref<32x80x128xi32, #tpu.memory_space<hbm>> -> memref<1x80x128xi32, #tpu.memory_space<hbm>>
      %dma_start3A_132 = tpu.memref_squeeze %dma_start3A_131 : memref<1x80x128xi32, #tpu.memory_space<hbm>> -> memref<80x128xi32, #tpu.memory_space<hbm>>
      tpu.enqueue_dma source(%dma_start3A_132 : memref<80x128xi32, #tpu.memory_space<hbm>>) target(%arg7 : memref<80x128xi32, #tpu.memory_space<vmem>>) target_semaphore(%run_scoped3A : memref<!tpu.dma_semaphore, #tpu.memory_space<semaphore_mem>>)
      %dma_wait3A_133 = arith.constant 0 : i32
      %dma_wait3A_134 = arith.constant 0 : i32
      %dma_wait3A_135 = tpu.memref_slice %arg3[%add3A, %dma_wait3A_133, %dma_wait3A_134] : memref<32x80x128xi32, #tpu.memory_space<hbm>> -> memref<1x80x128xi32, #tpu.memory_space<hbm>>
      %dma_wait3A_136 = tpu.memref_squeeze %dma_wait3A_135 : memref<1x80x128xi32, #tpu.memory_space<hbm>> -> memref<80x128xi32, #tpu.memory_space<hbm>>
      %dma_wait3A_137 = arith.constant 0 : i32
      %dma_wait3A_138 = arith.constant 0 : i32
      %dma_wait3A_139 = tpu.memref_slice %arg3[%add3A, %dma_wait3A_137, %dma_wait3A_138] : memref<32x80x128xi32, #tpu.memory_space<hbm>> -> memref<1x80x128xi32, #tpu.memory_space<hbm>>
      %dma_wait3A_140 = tpu.memref_squeeze %dma_wait3A_139 : memref<1x80x128xi32, #tpu.memory_space<hbm>> -> memref<80x128xi32, #tpu.memory_space<hbm>>
      tpu.wait_dma2 semaphore(%run_scoped3A : memref<!tpu.dma_semaphore, #tpu.memory_space<semaphore_mem>>) src(%dma_wait3A_140 : memref<80x128xi32, #tpu.memory_space<hbm>>) dst(%arg7 : memref<80x128xi32, #tpu.memory_space<vmem>>)
      tpu.yield
    }) : () -> ()
    "tpu.region"() ({
      %run_scoped3A = tpu.sem_alloc : memref<!tpu.dma_semaphore, #tpu.memory_space<semaphore_mem>>
      %dma_start3A_125 = arith.constant 0 : i32
      %dma_start3A_126 = arith.constant 0 : i32
      %dma_start3A_127 = tpu.memref_slice %arg4[%add3A, %dma_start3A_125, %dma_start3A_126] : memref<32x80x128xi32, #tpu.memory_space<hbm>> -> memref<1x80x128xi32, #tpu.memory_space<hbm>>
      %dma_start3A_128 = tpu.memref_squeeze %dma_start3A_127 : memref<1x80x128xi32, #tpu.memory_space<hbm>> -> memref<80x128xi32, #tpu.memory_space<hbm>>
      %dma_start3A_129 = arith.constant 0 : i32
      %dma_start3A_130 = arith.constant 0 : i32
      %dma_start3A_131 = tpu.memref_slice %arg4[%add3A, %dma_start3A_129, %dma_start3A_130] : memref<32x80x128xi32, #tpu.memory_space<hbm>> -> memref<1x80x128xi32, #tpu.memory_space<hbm>>
      %dma_start3A_132 = tpu.memref_squeeze %dma_start3A_131 : memref<1x80x128xi32, #tpu.memory_space<hbm>> -> memref<80x128xi32, #tpu.memory_space<hbm>>
      tpu.enqueue_dma source(%dma_start3A_132 : memref<80x128xi32, #tpu.memory_space<hbm>>) target(%arg8 : memref<80x128xi32, #tpu.memory_space<vmem>>) target_semaphore(%run_scoped3A : memref<!tpu.dma_semaphore, #tpu.memory_space<semaphore_mem>>)
      %dma_wait3A_133 = arith.constant 0 : i32
      %dma_wait3A_134 = arith.constant 0 : i32
      %dma_wait3A_135 = tpu.memref_slice %arg4[%add3A, %dma_wait3A_133, %dma_wait3A_134] : memref<32x80x128xi32, #tpu.memory_space<hbm>> -> memref<1x80x128xi32, #tpu.memory_space<hbm>>
      %dma_wait3A_136 = tpu.memref_squeeze %dma_wait3A_135 : memref<1x80x128xi32, #tpu.memory_space<hbm>> -> memref<80x128xi32, #tpu.memory_space<hbm>>
      %dma_wait3A_137 = arith.constant 0 : i32
      %dma_wait3A_138 = arith.constant 0 : i32
      %dma_wait3A_139 = tpu.memref_slice %arg4[%add3A, %dma_wait3A_137, %dma_wait3A_138] : memref<32x80x128xi32, #tpu.memory_space<hbm>> -> memref<1x80x128xi32, #tpu.memory_space<hbm>>
      %dma_wait3A_140 = tpu.memref_squeeze %dma_wait3A_139 : memref<1x80x128xi32, #tpu.memory_space<hbm>> -> memref<80x128xi32, #tpu.memory_space<hbm>>
      tpu.wait_dma2 semaphore(%run_scoped3A : memref<!tpu.dma_semaphore, #tpu.memory_space<semaphore_mem>>) src(%dma_wait3A_140 : memref<80x128xi32, #tpu.memory_space<hbm>>) dst(%arg8 : memref<80x128xi32, #tpu.memory_space<vmem>>)
      tpu.yield
    }) : () -> ()
    %barrier3A = arith.constant 0 : index
    tpu.barrier barrier_id(%barrier3A)
    %dma_start3A = arith.constant 0 : i32
    %dma_start3A_5 = arith.constant 0 : i32
    %dma_start3A_6 = tpu.memref_slice %arg7[%dma_start3A, %dma_start3A_5] : memref<80x128xi32, #tpu.memory_space<vmem>> -> memref<1x128xi32, #tpu.memory_space<vmem>>
    %dma_start3A_7 = tpu.memref_squeeze %dma_start3A_6 : memref<1x128xi32, #tpu.memory_space<vmem>> -> memref<128xi32, #tpu.memory_space<vmem>>
    %dma_start3A_8 = arith.constant 0 : i32
    %dma_start3A_9 = arith.constant 0 : i32
    %dma_start3A_10 = tpu.memref_slice %arg2[%dma_start3A_8, %dma_start3A_9] : memref<10000x32xf32, #tpu.memory_space<hbm>> -> memref<10000x32xf32, #tpu.memory_space<hbm>>
    tpu.enqueue_indirect_dma source(%dma_start3A_10 : memref<10000x32xf32, #tpu.memory_space<hbm>>) target(%arg9 : memref<128x32xf32, #tpu.memory_space<vmem>>) offsets(%dma_start3A_7 : memref<128xi32, #tpu.memory_space<vmem>>) semaphore(%arg19 : memref<!tpu.dma_semaphore, #tpu.memory_space<semaphore_mem>>)
    %dma_start3A_11 = arith.constant 1 : i32
    %dma_start3A_12 = arith.constant 0 : i32
    %dma_start3A_13 = tpu.memref_slice %arg7[%dma_start3A_11, %dma_start3A_12] : memref<80x128xi32, #tpu.memory_space<vmem>> -> memref<1x128xi32, #tpu.memory_space<vmem>>
    %dma_start3A_14 = tpu.memref_squeeze %dma_start3A_13 : memref<1x128xi32, #tpu.memory_space<vmem>> -> memref<128xi32, #tpu.memory_space<vmem>>
    %dma_start3A_15 = arith.constant 0 : i32
    %dma_start3A_16 = arith.constant 0 : i32
    %dma_start3A_17 = tpu.memref_slice %arg2[%dma_start3A_15, %dma_start3A_16] : memref<10000x32xf32, #tpu.memory_space<hbm>> -> memref<10000x32xf32, #tpu.memory_space<hbm>>
    tpu.enqueue_indirect_dma source(%dma_start3A_17 : memref<10000x32xf32, #tpu.memory_space<hbm>>) target(%arg10 : memref<128x32xf32, #tpu.memory_space<vmem>>) offsets(%dma_start3A_14 : memref<128xi32, #tpu.memory_space<vmem>>) semaphore(%arg20 : memref<!tpu.dma_semaphore, #tpu.memory_space<semaphore_mem>>)
    %dma_start3A_18 = arith.constant 2 : i32
    %dma_start3A_19 = arith.constant 0 : i32
    %dma_start3A_20 = tpu.memref_slice %arg7[%dma_start3A_18, %dma_start3A_19] : memref<80x128xi32, #tpu.memory_space<vmem>> -> memref<1x128xi32, #tpu.memory_space<vmem>>
    %dma_start3A_21 = tpu.memref_squeeze %dma_start3A_20 : memref<1x128xi32, #tpu.memory_space<vmem>> -> memref<128xi32, #tpu.memory_space<vmem>>
    %dma_start3A_22 = arith.constant 0 : i32
    %dma_start3A_23 = arith.constant 0 : i32
    %dma_start3A_24 = tpu.memref_slice %arg2[%dma_start3A_22, %dma_start3A_23] : memref<10000x32xf32, #tpu.memory_space<hbm>> -> memref<10000x32xf32, #tpu.memory_space<hbm>>
    tpu.enqueue_indirect_dma source(%dma_start3A_24 : memref<10000x32xf32, #tpu.memory_space<hbm>>) target(%arg11 : memref<128x32xf32, #tpu.memory_space<vmem>>) offsets(%dma_start3A_21 : memref<128xi32, #tpu.memory_space<vmem>>) semaphore(%arg21 : memref<!tpu.dma_semaphore, #tpu.memory_space<semaphore_mem>>)
    %dma_start3A_25 = arith.constant 3 : i32
    %dma_start3A_26 = arith.constant 0 : i32
    %dma_start3A_27 = tpu.memref_slice %arg7[%dma_start3A_25, %dma_start3A_26] : memref<80x128xi32, #tpu.memory_space<vmem>> -> memref<1x128xi32, #tpu.memory_space<vmem>>
    %dma_start3A_28 = tpu.memref_squeeze %dma_start3A_27 : memref<1x128xi32, #tpu.memory_space<vmem>> -> memref<128xi32, #tpu.memory_space<vmem>>
    %dma_start3A_29 = arith.constant 0 : i32
    %dma_start3A_30 = arith.constant 0 : i32
    %dma_start3A_31 = tpu.memref_slice %arg2[%dma_start3A_29, %dma_start3A_30] : memref<10000x32xf32, #tpu.memory_space<hbm>> -> memref<10000x32xf32, #tpu.memory_space<hbm>>
    tpu.enqueue_indirect_dma source(%dma_start3A_31 : memref<10000x32xf32, #tpu.memory_space<hbm>>) target(%arg12 : memref<128x32xf32, #tpu.memory_space<vmem>>) offsets(%dma_start3A_28 : memref<128xi32, #tpu.memory_space<vmem>>) semaphore(%arg22 : memref<!tpu.dma_semaphore, #tpu.memory_space<semaphore_mem>>)
    %dma_start3A_32 = arith.constant 4 : i32
    %dma_start3A_33 = arith.constant 0 : i32
    %dma_start3A_34 = tpu.memref_slice %arg7[%dma_start3A_32, %dma_start3A_33] : memref<80x128xi32, #tpu.memory_space<vmem>> -> memref<1x128xi32, #tpu.memory_space<vmem>>
    %dma_start3A_35 = tpu.memref_squeeze %dma_start3A_34 : memref<1x128xi32, #tpu.memory_space<vmem>> -> memref<128xi32, #tpu.memory_space<vmem>>
    %dma_start3A_36 = arith.constant 0 : i32
    %dma_start3A_37 = arith.constant 0 : i32
    %dma_start3A_38 = tpu.memref_slice %arg2[%dma_start3A_36, %dma_start3A_37] : memref<10000x32xf32, #tpu.memory_space<hbm>> -> memref<10000x32xf32, #tpu.memory_space<hbm>>
    tpu.enqueue_indirect_dma source(%dma_start3A_38 : memref<10000x32xf32, #tpu.memory_space<hbm>>) target(%arg13 : memref<128x32xf32, #tpu.memory_space<vmem>>) offsets(%dma_start3A_35 : memref<128xi32, #tpu.memory_space<vmem>>) semaphore(%arg23 : memref<!tpu.dma_semaphore, #tpu.memory_space<semaphore_mem>>)
    %dma_start3A_39 = arith.constant 5 : i32
    %dma_start3A_40 = arith.constant 0 : i32
    %dma_start3A_41 = tpu.memref_slice %arg7[%dma_start3A_39, %dma_start3A_40] : memref<80x128xi32, #tpu.memory_space<vmem>> -> memref<1x128xi32, #tpu.memory_space<vmem>>
    %dma_start3A_42 = tpu.memref_squeeze %dma_start3A_41 : memref<1x128xi32, #tpu.memory_space<vmem>> -> memref<128xi32, #tpu.memory_space<vmem>>
    %dma_start3A_43 = arith.constant 0 : i32
    %dma_start3A_44 = arith.constant 0 : i32
    %dma_start3A_45 = tpu.memref_slice %arg2[%dma_start3A_43, %dma_start3A_44] : memref<10000x32xf32, #tpu.memory_space<hbm>> -> memref<10000x32xf32, #tpu.memory_space<hbm>>
    tpu.enqueue_indirect_dma source(%dma_start3A_45 : memref<10000x32xf32, #tpu.memory_space<hbm>>) target(%arg14 : memref<128x32xf32, #tpu.memory_space<vmem>>) offsets(%dma_start3A_42 : memref<128xi32, #tpu.memory_space<vmem>>) semaphore(%arg24 : memref<!tpu.dma_semaphore, #tpu.memory_space<semaphore_mem>>)
    %dma_start3A_46 = arith.constant 6 : i32
    %dma_start3A_47 = arith.constant 0 : i32
    %dma_start3A_48 = tpu.memref_slice %arg7[%dma_start3A_46, %dma_start3A_47] : memref<80x128xi32, #tpu.memory_space<vmem>> -> memref<1x128xi32, #tpu.memory_space<vmem>>
    %dma_start3A_49 = tpu.memref_squeeze %dma_start3A_48 : memref<1x128xi32, #tpu.memory_space<vmem>> -> memref<128xi32, #tpu.memory_space<vmem>>
    %dma_start3A_50 = arith.constant 0 : i32
    %dma_start3A_51 = arith.constant 0 : i32
    %dma_start3A_52 = tpu.memref_slice %arg2[%dma_start3A_50, %dma_start3A_51] : memref<10000x32xf32, #tpu.memory_space<hbm>> -> memref<10000x32xf32, #tpu.memory_space<hbm>>
    tpu.enqueue_indirect_dma source(%dma_start3A_52 : memref<10000x32xf32, #tpu.memory_space<hbm>>) target(%arg15 : memref<128x32xf32, #tpu.memory_space<vmem>>) offsets(%dma_start3A_49 : memref<128xi32, #tpu.memory_space<vmem>>) semaphore(%arg25 : memref<!tpu.dma_semaphore, #tpu.memory_space<semaphore_mem>>)
    %dma_start3A_53 = arith.constant 7 : i32
    %dma_start3A_54 = arith.constant 0 : i32
    %dma_start3A_55 = tpu.memref_slice %arg7[%dma_start3A_53, %dma_start3A_54] : memref<80x128xi32, #tpu.memory_space<vmem>> -> memref<1x128xi32, #tpu.memory_space<vmem>>
    %dma_start3A_56 = tpu.memref_squeeze %dma_start3A_55 : memref<1x128xi32, #tpu.memory_space<vmem>> -> memref<128xi32, #tpu.memory_space<vmem>>
    %dma_start3A_57 = arith.constant 0 : i32
    %dma_start3A_58 = arith.constant 0 : i32
    %dma_start3A_59 = tpu.memref_slice %arg2[%dma_start3A_57, %dma_start3A_58] : memref<10000x32xf32, #tpu.memory_space<hbm>> -> memref<10000x32xf32, #tpu.memory_space<hbm>>
    tpu.enqueue_indirect_dma source(%dma_start3A_59 : memref<10000x32xf32, #tpu.memory_space<hbm>>) target(%arg16 : memref<128x32xf32, #tpu.memory_space<vmem>>) offsets(%dma_start3A_56 : memref<128xi32, #tpu.memory_space<vmem>>) semaphore(%arg26 : memref<!tpu.dma_semaphore, #tpu.memory_space<semaphore_mem>>)
    %scan3A = arith.constant 0 : i32
    %scan3A_60 = arith.constant 0 : i32
    %scan3A_61 = arith.constant 10 : i32
    %scan3A_62 = arith.addi %scan3A_60, %scan3A_61 : i32
    %scan3A_63 = arith.constant 1 : i32
    scf.for %scan3A_125 = %scan3A_60 to %scan3A_62 step %scan3A_63  : i32 {
      %mul3A_126 = arith.constant 8 : i32
      %mul3A_127 = arith.muli %scan3A_125, %mul3A_126 : i32
      %add3A_128 = arith.constant 0 : i32
      %add3A_129 = arith.addi %mul3A_127, %add3A_128 : i32
      %dma_wait3A_130 = arith.constant 0 : i32
      %dma_wait3A_131 = tpu.memref_slice %arg7[%add3A_129, %dma_wait3A_130] : memref<80x128xi32, #tpu.memory_space<vmem>> -> memref<1x128xi32, #tpu.memory_space<vmem>>
      %dma_wait3A_132 = tpu.memref_squeeze %dma_wait3A_131 : memref<1x128xi32, #tpu.memory_space<vmem>> -> memref<128xi32, #tpu.memory_space<vmem>>
      %dma_wait3A_133 = arith.constant 0 : i32
      %dma_wait3A_134 = arith.constant 0 : i32
      %dma_wait3A_135 = tpu.memref_slice %arg2[%dma_wait3A_133, %dma_wait3A_134] : memref<10000x32xf32, #tpu.memory_space<hbm>> -> memref<10000x32xf32, #tpu.memory_space<hbm>>
      tpu.wait_indirect_dma semaphore(%arg19 : memref<!tpu.dma_semaphore, #tpu.memory_space<semaphore_mem>>) src(%dma_wait3A_135 : memref<10000x32xf32, #tpu.memory_space<hbm>>) dst(%arg9 : memref<128x32xf32, #tpu.memory_space<vmem>>)
      %dma_start3A_136 = arith.constant 0 : i32
      %dma_start3A_137 = tpu.memref_slice %arg8[%add3A_129, %dma_start3A_136] : memref<80x128xi32, #tpu.memory_space<vmem>> -> memref<1x128xi32, #tpu.memory_space<vmem>>
      %dma_start3A_138 = tpu.memref_squeeze %dma_start3A_137 : memref<1x128xi32, #tpu.memory_space<vmem>> -> memref<128xi32, #tpu.memory_space<vmem>>
      %dma_start3A_139 = arith.constant 0 : i32
      %dma_start3A_140 = arith.constant 0 : i32
      %dma_start3A_141 = tpu.memref_slice %arg18[%dma_start3A_139, %dma_start3A_140] : memref<10240x32xf32, #tpu.memory_space<vmem_shared>> -> memref<10240x32xf32, #tpu.memory_space<vmem_shared>>
      tpu.enqueue_indirect_dma source(%arg9 : memref<128x32xf32, #tpu.memory_space<vmem>>) target(%dma_start3A_141 : memref<10240x32xf32, #tpu.memory_space<vmem_shared>>) offsets(%dma_start3A_138 : memref<128xi32, #tpu.memory_space<vmem>>) semaphore(%arg27 : memref<!tpu.dma_semaphore, #tpu.memory_space<semaphore_mem>>) {add = true}
      %add3A_142 = arith.constant 1 : i32
      %add3A_143 = arith.addi %mul3A_127, %add3A_142 : i32
      %dma_wait3A_144 = arith.constant 0 : i32
      %dma_wait3A_145 = tpu.memref_slice %arg7[%add3A_143, %dma_wait3A_144] : memref<80x128xi32, #tpu.memory_space<vmem>> -> memref<1x128xi32, #tpu.memory_space<vmem>>
      %dma_wait3A_146 = tpu.memref_squeeze %dma_wait3A_145 : memref<1x128xi32, #tpu.memory_space<vmem>> -> memref<128xi32, #tpu.memory_space<vmem>>
      %dma_wait3A_147 = arith.constant 0 : i32
      %dma_wait3A_148 = arith.constant 0 : i32
      %dma_wait3A_149 = tpu.memref_slice %arg2[%dma_wait3A_147, %dma_wait3A_148] : memref<10000x32xf32, #tpu.memory_space<hbm>> -> memref<10000x32xf32, #tpu.memory_space<hbm>>
      tpu.wait_indirect_dma semaphore(%arg20 : memref<!tpu.dma_semaphore, #tpu.memory_space<semaphore_mem>>) src(%dma_wait3A_149 : memref<10000x32xf32, #tpu.memory_space<hbm>>) dst(%arg10 : memref<128x32xf32, #tpu.memory_space<vmem>>)
      %dma_start3A_150 = arith.constant 0 : i32
      %dma_start3A_151 = tpu.memref_slice %arg8[%add3A_143, %dma_start3A_150] : memref<80x128xi32, #tpu.memory_space<vmem>> -> memref<1x128xi32, #tpu.memory_space<vmem>>
      %dma_start3A_152 = tpu.memref_squeeze %dma_start3A_151 : memref<1x128xi32, #tpu.memory_space<vmem>> -> memref<128xi32, #tpu.memory_space<vmem>>
      %dma_start3A_153 = arith.constant 0 : i32
      %dma_start3A_154 = arith.constant 0 : i32
      %dma_start3A_155 = tpu.memref_slice %arg18[%dma_start3A_153, %dma_start3A_154] : memref<10240x32xf32, #tpu.memory_space<vmem_shared>> -> memref<10240x32xf32, #tpu.memory_space<vmem_shared>>
      tpu.enqueue_indirect_dma source(%arg10 : memref<128x32xf32, #tpu.memory_space<vmem>>) target(%dma_start3A_155 : memref<10240x32xf32, #tpu.memory_space<vmem_shared>>) offsets(%dma_start3A_152 : memref<128xi32, #tpu.memory_space<vmem>>) semaphore(%arg28 : memref<!tpu.dma_semaphore, #tpu.memory_space<semaphore_mem>>) {add = true}
      %add3A_156 = arith.constant 2 : i32
      %add3A_157 = arith.addi %mul3A_127, %add3A_156 : i32
      %dma_wait3A_158 = arith.constant 0 : i32
      %dma_wait3A_159 = tpu.memref_slice %arg7[%add3A_157, %dma_wait3A_158] : memref<80x128xi32, #tpu.memory_space<vmem>> -> memref<1x128xi32, #tpu.memory_space<vmem>>
      %dma_wait3A_160 = tpu.memref_squeeze %dma_wait3A_159 : memref<1x128xi32, #tpu.memory_space<vmem>> -> memref<128xi32, #tpu.memory_space<vmem>>
      %dma_wait3A_161 = arith.constant 0 : i32
      %dma_wait3A_162 = arith.constant 0 : i32
      %dma_wait3A_163 = tpu.memref_slice %arg2[%dma_wait3A_161, %dma_wait3A_162] : memref<10000x32xf32, #tpu.memory_space<hbm>> -> memref<10000x32xf32, #tpu.memory_space<hbm>>
      tpu.wait_indirect_dma semaphore(%arg21 : memref<!tpu.dma_semaphore, #tpu.memory_space<semaphore_mem>>) src(%dma_wait3A_163 : memref<10000x32xf32, #tpu.memory_space<hbm>>) dst(%arg11 : memref<128x32xf32, #tpu.memory_space<vmem>>)
      %dma_start3A_164 = arith.constant 0 : i32
      %dma_start3A_165 = tpu.memref_slice %arg8[%add3A_157, %dma_start3A_164] : memref<80x128xi32, #tpu.memory_space<vmem>> -> memref<1x128xi32, #tpu.memory_space<vmem>>
      %dma_start3A_166 = tpu.memref_squeeze %dma_start3A_165 : memref<1x128xi32, #tpu.memory_space<vmem>> -> memref<128xi32, #tpu.memory_space<vmem>>
      %dma_start3A_167 = arith.constant 0 : i32
      %dma_start3A_168 = arith.constant 0 : i32
      %dma_start3A_169 = tpu.memref_slice %arg18[%dma_start3A_167, %dma_start3A_168] : memref<10240x32xf32, #tpu.memory_space<vmem_shared>> -> memref<10240x32xf32, #tpu.memory_space<vmem_shared>>
      tpu.enqueue_indirect_dma source(%arg11 : memref<128x32xf32, #tpu.memory_space<vmem>>) target(%dma_start3A_169 : memref<10240x32xf32, #tpu.memory_space<vmem_shared>>) offsets(%dma_start3A_166 : memref<128xi32, #tpu.memory_space<vmem>>) semaphore(%arg29 : memref<!tpu.dma_semaphore, #tpu.memory_space<semaphore_mem>>) {add = true}
      %add3A_170 = arith.constant 3 : i32
      %add3A_171 = arith.addi %mul3A_127, %add3A_170 : i32
      %dma_wait3A_172 = arith.constant 0 : i32
      %dma_wait3A_173 = tpu.memref_slice %arg7[%add3A_171, %dma_wait3A_172] : memref<80x128xi32, #tpu.memory_space<vmem>> -> memref<1x128xi32, #tpu.memory_space<vmem>>
      %dma_wait3A_174 = tpu.memref_squeeze %dma_wait3A_173 : memref<1x128xi32, #tpu.memory_space<vmem>> -> memref<128xi32, #tpu.memory_space<vmem>>
      %dma_wait3A_175 = arith.constant 0 : i32
      %dma_wait3A_176 = arith.constant 0 : i32
      %dma_wait3A_177 = tpu.memref_slice %arg2[%dma_wait3A_175, %dma_wait3A_176] : memref<10000x32xf32, #tpu.memory_space<hbm>> -> memref<10000x32xf32, #tpu.memory_space<hbm>>
      tpu.wait_indirect_dma semaphore(%arg22 : memref<!tpu.dma_semaphore, #tpu.memory_space<semaphore_mem>>) src(%dma_wait3A_177 : memref<10000x32xf32, #tpu.memory_space<hbm>>) dst(%arg12 : memref<128x32xf32, #tpu.memory_space<vmem>>)
      %dma_start3A_178 = arith.constant 0 : i32
      %dma_start3A_179 = tpu.memref_slice %arg8[%add3A_171, %dma_start3A_178] : memref<80x128xi32, #tpu.memory_space<vmem>> -> memref<1x128xi32, #tpu.memory_space<vmem>>
      %dma_start3A_180 = tpu.memref_squeeze %dma_start3A_179 : memref<1x128xi32, #tpu.memory_space<vmem>> -> memref<128xi32, #tpu.memory_space<vmem>>
      %dma_start3A_181 = arith.constant 0 : i32
      %dma_start3A_182 = arith.constant 0 : i32
      %dma_start3A_183 = tpu.memref_slice %arg18[%dma_start3A_181, %dma_start3A_182] : memref<10240x32xf32, #tpu.memory_space<vmem_shared>> -> memref<10240x32xf32, #tpu.memory_space<vmem_shared>>
      tpu.enqueue_indirect_dma source(%arg12 : memref<128x32xf32, #tpu.memory_space<vmem>>) target(%dma_start3A_183 : memref<10240x32xf32, #tpu.memory_space<vmem_shared>>) offsets(%dma_start3A_180 : memref<128xi32, #tpu.memory_space<vmem>>) semaphore(%arg30 : memref<!tpu.dma_semaphore, #tpu.memory_space<semaphore_mem>>) {add = true}
      %add3A_184 = arith.constant 4 : i32
      %add3A_185 = arith.addi %mul3A_127, %add3A_184 : i32
      %dma_wait3A_186 = arith.constant 0 : i32
      %dma_wait3A_187 = tpu.memref_slice %arg7[%add3A_185, %dma_wait3A_186] : memref<80x128xi32, #tpu.memory_space<vmem>> -> memref<1x128xi32, #tpu.memory_space<vmem>>
      %dma_wait3A_188 = tpu.memref_squeeze %dma_wait3A_187 : memref<1x128xi32, #tpu.memory_space<vmem>> -> memref<128xi32, #tpu.memory_space<vmem>>
      %dma_wait3A_189 = arith.constant 0 : i32
      %dma_wait3A_190 = arith.constant 0 : i32
      %dma_wait3A_191 = tpu.memref_slice %arg2[%dma_wait3A_189, %dma_wait3A_190] : memref<10000x32xf32, #tpu.memory_space<hbm>> -> memref<10000x32xf32, #tpu.memory_space<hbm>>
      tpu.wait_indirect_dma semaphore(%arg23 : memref<!tpu.dma_semaphore, #tpu.memory_space<semaphore_mem>>) src(%dma_wait3A_191 : memref<10000x32xf32, #tpu.memory_space<hbm>>) dst(%arg13 : memref<128x32xf32, #tpu.memory_space<vmem>>)
      %dma_start3A_192 = arith.constant 0 : i32
      %dma_start3A_193 = tpu.memref_slice %arg8[%add3A_185, %dma_start3A_192] : memref<80x128xi32, #tpu.memory_space<vmem>> -> memref<1x128xi32, #tpu.memory_space<vmem>>
      %dma_start3A_194 = tpu.memref_squeeze %dma_start3A_193 : memref<1x128xi32, #tpu.memory_space<vmem>> -> memref<128xi32, #tpu.memory_space<vmem>>
      %dma_start3A_195 = arith.constant 0 : i32
      %dma_start3A_196 = arith.constant 0 : i32
      %dma_start3A_197 = tpu.memref_slice %arg18[%dma_start3A_195, %dma_start3A_196] : memref<10240x32xf32, #tpu.memory_space<vmem_shared>> -> memref<10240x32xf32, #tpu.memory_space<vmem_shared>>
      tpu.enqueue_indirect_dma source(%arg13 : memref<128x32xf32, #tpu.memory_space<vmem>>) target(%dma_start3A_197 : memref<10240x32xf32, #tpu.memory_space<vmem_shared>>) offsets(%dma_start3A_194 : memref<128xi32, #tpu.memory_space<vmem>>) semaphore(%arg31 : memref<!tpu.dma_semaphore, #tpu.memory_space<semaphore_mem>>) {add = true}
      %add3A_198 = arith.constant 5 : i32
      %add3A_199 = arith.addi %mul3A_127, %add3A_198 : i32
      %dma_wait3A_200 = arith.constant 0 : i32
      %dma_wait3A_201 = tpu.memref_slice %arg7[%add3A_199, %dma_wait3A_200] : memref<80x128xi32, #tpu.memory_space<vmem>> -> memref<1x128xi32, #tpu.memory_space<vmem>>
      %dma_wait3A_202 = tpu.memref_squeeze %dma_wait3A_201 : memref<1x128xi32, #tpu.memory_space<vmem>> -> memref<128xi32, #tpu.memory_space<vmem>>
      %dma_wait3A_203 = arith.constant 0 : i32
      %dma_wait3A_204 = arith.constant 0 : i32
      %dma_wait3A_205 = tpu.memref_slice %arg2[%dma_wait3A_203, %dma_wait3A_204] : memref<10000x32xf32, #tpu.memory_space<hbm>> -> memref<10000x32xf32, #tpu.memory_space<hbm>>
      tpu.wait_indirect_dma semaphore(%arg24 : memref<!tpu.dma_semaphore, #tpu.memory_space<semaphore_mem>>) src(%dma_wait3A_205 : memref<10000x32xf32, #tpu.memory_space<hbm>>) dst(%arg14 : memref<128x32xf32, #tpu.memory_space<vmem>>)
      %dma_start3A_206 = arith.constant 0 : i32
      %dma_start3A_207 = tpu.memref_slice %arg8[%add3A_199, %dma_start3A_206] : memref<80x128xi32, #tpu.memory_space<vmem>> -> memref<1x128xi32, #tpu.memory_space<vmem>>
      %dma_start3A_208 = tpu.memref_squeeze %dma_start3A_207 : memref<1x128xi32, #tpu.memory_space<vmem>> -> memref<128xi32, #tpu.memory_space<vmem>>
      %dma_start3A_209 = arith.constant 0 : i32
      %dma_start3A_210 = arith.constant 0 : i32
      %dma_start3A_211 = tpu.memref_slice %arg18[%dma_start3A_209, %dma_start3A_210] : memref<10240x32xf32, #tpu.memory_space<vmem_shared>> -> memref<10240x32xf32, #tpu.memory_space<vmem_shared>>
      tpu.enqueue_indirect_dma source(%arg14 : memref<128x32xf32, #tpu.memory_space<vmem>>) target(%dma_start3A_211 : memref<10240x32xf32, #tpu.memory_space<vmem_shared>>) offsets(%dma_start3A_208 : memref<128xi32, #tpu.memory_space<vmem>>) semaphore(%arg32 : memref<!tpu.dma_semaphore, #tpu.memory_space<semaphore_mem>>) {add = true}
      %add3A_212 = arith.constant 6 : i32
      %add3A_213 = arith.addi %mul3A_127, %add3A_212 : i32
      %dma_wait3A_214 = arith.constant 0 : i32
      %dma_wait3A_215 = tpu.memref_slice %arg7[%add3A_213, %dma_wait3A_214] : memref<80x128xi32, #tpu.memory_space<vmem>> -> memref<1x128xi32, #tpu.memory_space<vmem>>
      %dma_wait3A_216 = tpu.memref_squeeze %dma_wait3A_215 : memref<1x128xi32, #tpu.memory_space<vmem>> -> memref<128xi32, #tpu.memory_space<vmem>>
      %dma_wait3A_217 = arith.constant 0 : i32
      %dma_wait3A_218 = arith.constant 0 : i32
      %dma_wait3A_219 = tpu.memref_slice %arg2[%dma_wait3A_217, %dma_wait3A_218] : memref<10000x32xf32, #tpu.memory_space<hbm>> -> memref<10000x32xf32, #tpu.memory_space<hbm>>
      tpu.wait_indirect_dma semaphore(%arg25 : memref<!tpu.dma_semaphore, #tpu.memory_space<semaphore_mem>>) src(%dma_wait3A_219 : memref<10000x32xf32, #tpu.memory_space<hbm>>) dst(%arg15 : memref<128x32xf32, #tpu.memory_space<vmem>>)
      %dma_start3A_220 = arith.constant 0 : i32
      %dma_start3A_221 = tpu.memref_slice %arg8[%add3A_213, %dma_start3A_220] : memref<80x128xi32, #tpu.memory_space<vmem>> -> memref<1x128xi32, #tpu.memory_space<vmem>>
      %dma_start3A_222 = tpu.memref_squeeze %dma_start3A_221 : memref<1x128xi32, #tpu.memory_space<vmem>> -> memref<128xi32, #tpu.memory_space<vmem>>
      %dma_start3A_223 = arith.constant 0 : i32
      %dma_start3A_224 = arith.constant 0 : i32
      %dma_start3A_225 = tpu.memref_slice %arg18[%dma_start3A_223, %dma_start3A_224] : memref<10240x32xf32, #tpu.memory_space<vmem_shared>> -> memref<10240x32xf32, #tpu.memory_space<vmem_shared>>
      tpu.enqueue_indirect_dma source(%arg15 : memref<128x32xf32, #tpu.memory_space<vmem>>) target(%dma_start3A_225 : memref<10240x32xf32, #tpu.memory_space<vmem_shared>>) offsets(%dma_start3A_222 : memref<128xi32, #tpu.memory_space<vmem>>) semaphore(%arg33 : memref<!tpu.dma_semaphore, #tpu.memory_space<semaphore_mem>>) {add = true}
      %add3A_226 = arith.constant 7 : i32
      %add3A_227 = arith.addi %mul3A_127, %add3A_226 : i32
      %dma_wait3A_228 = arith.constant 0 : i32
      %dma_wait3A_229 = tpu.memref_slice %arg7[%add3A_227, %dma_wait3A_228] : memref<80x128xi32, #tpu.memory_space<vmem>> -> memref<1x128xi32, #tpu.memory_space<vmem>>
      %dma_wait3A_230 = tpu.memref_squeeze %dma_wait3A_229 : memref<1x128xi32, #tpu.memory_space<vmem>> -> memref<128xi32, #tpu.memory_space<vmem>>
      %dma_wait3A_231 = arith.constant 0 : i32
      %dma_wait3A_232 = arith.constant 0 : i32
      %dma_wait3A_233 = tpu.memref_slice %arg2[%dma_wait3A_231, %dma_wait3A_232] : memref<10000x32xf32, #tpu.memory_space<hbm>> -> memref<10000x32xf32, #tpu.memory_space<hbm>>
      tpu.wait_indirect_dma semaphore(%arg26 : memref<!tpu.dma_semaphore, #tpu.memory_space<semaphore_mem>>) src(%dma_wait3A_233 : memref<10000x32xf32, #tpu.memory_space<hbm>>) dst(%arg16 : memref<128x32xf32, #tpu.memory_space<vmem>>)
      %dma_start3A_234 = arith.constant 0 : i32
      %dma_start3A_235 = tpu.memref_slice %arg8[%add3A_227, %dma_start3A_234] : memref<80x128xi32, #tpu.memory_space<vmem>> -> memref<1x128xi32, #tpu.memory_space<vmem>>
      %dma_start3A_236 = tpu.memref_squeeze %dma_start3A_235 : memref<1x128xi32, #tpu.memory_space<vmem>> -> memref<128xi32, #tpu.memory_space<vmem>>
      %dma_start3A_237 = arith.constant 0 : i32
      %dma_start3A_238 = arith.constant 0 : i32
      %dma_start3A_239 = tpu.memref_slice %arg18[%dma_start3A_237, %dma_start3A_238] : memref<10240x32xf32, #tpu.memory_space<vmem_shared>> -> memref<10240x32xf32, #tpu.memory_space<vmem_shared>>
      tpu.enqueue_indirect_dma source(%arg16 : memref<128x32xf32, #tpu.memory_space<vmem>>) target(%dma_start3A_239 : memref<10240x32xf32, #tpu.memory_space<vmem_shared>>) offsets(%dma_start3A_236 : memref<128xi32, #tpu.memory_space<vmem>>) semaphore(%arg34 : memref<!tpu.dma_semaphore, #tpu.memory_space<semaphore_mem>>) {add = true}
      %lt3A = arith.constant 9 : i32
      %lt3A_240 = arith.cmpi slt, %scan3A_125, %lt3A : i32
      %convert_element_type3A = arith.extui %lt3A_240 : i1 to i32
      %cond3A = arith.constant 0 : i32
      %cond3A_241 = arith.cmpi ne, %convert_element_type3A, %cond3A : i32
      scf.if %cond3A_241 {
        %add3A_242 = arith.constant 0 : i32
        %add3A_243 = arith.addi %mul3A_127, %add3A_242 : i32
        %dma_wait3A_244 = arith.constant 0 : i32
        %dma_wait3A_245 = tpu.memref_slice %arg8[%add3A_243, %dma_wait3A_244] : memref<80x128xi32, #tpu.memory_space<vmem>> -> memref<1x128xi32, #tpu.memory_space<vmem>>
        %dma_wait3A_246 = tpu.memref_squeeze %dma_wait3A_245 : memref<1x128xi32, #tpu.memory_space<vmem>> -> memref<128xi32, #tpu.memory_space<vmem>>
        %dma_wait3A_247 = arith.constant 0 : i32
        %dma_wait3A_248 = arith.constant 0 : i32
        %dma_wait3A_249 = tpu.memref_slice %arg18[%dma_wait3A_247, %dma_wait3A_248] : memref<10240x32xf32, #tpu.memory_space<vmem_shared>> -> memref<10240x32xf32, #tpu.memory_space<vmem_shared>>
        tpu.wait_indirect_dma semaphore(%arg27 : memref<!tpu.dma_semaphore, #tpu.memory_space<semaphore_mem>>) src(%arg9 : memref<128x32xf32, #tpu.memory_space<vmem>>) dst(%dma_wait3A_249 : memref<10240x32xf32, #tpu.memory_space<vmem_shared>>)
        %add3A_250 = arith.constant 8 : i32
        %add3A_251 = arith.addi %mul3A_127, %add3A_250 : i32
        %add3A_252 = arith.constant 0 : i32
        %add3A_253 = arith.addi %add3A_251, %add3A_252 : i32
        %dma_start3A_254 = arith.constant 0 : i32
        %dma_start3A_255 = tpu.memref_slice %arg7[%add3A_253, %dma_start3A_254] : memref<80x128xi32, #tpu.memory_space<vmem>> -> memref<1x128xi32, #tpu.memory_space<vmem>>
        %dma_start3A_256 = tpu.memref_squeeze %dma_start3A_255 : memref<1x128xi32, #tpu.memory_space<vmem>> -> memref<128xi32, #tpu.memory_space<vmem>>
        %dma_start3A_257 = arith.constant 0 : i32
        %dma_start3A_258 = arith.constant 0 : i32
        %dma_start3A_259 = tpu.memref_slice %arg2[%dma_start3A_257, %dma_start3A_258] : memref<10000x32xf32, #tpu.memory_space<hbm>> -> memref<10000x32xf32, #tpu.memory_space<hbm>>
        tpu.enqueue_indirect_dma source(%dma_start3A_259 : memref<10000x32xf32, #tpu.memory_space<hbm>>) target(%arg9 : memref<128x32xf32, #tpu.memory_space<vmem>>) offsets(%dma_start3A_256 : memref<128xi32, #tpu.memory_space<vmem>>) semaphore(%arg19 : memref<!tpu.dma_semaphore, #tpu.memory_space<semaphore_mem>>)
        %add3A_260 = arith.constant 1 : i32
        %add3A_261 = arith.addi %mul3A_127, %add3A_260 : i32
        %dma_wait3A_262 = arith.constant 0 : i32
        %dma_wait3A_263 = tpu.memref_slice %arg8[%add3A_261, %dma_wait3A_262] : memref<80x128xi32, #tpu.memory_space<vmem>> -> memref<1x128xi32, #tpu.memory_space<vmem>>
        %dma_wait3A_264 = tpu.memref_squeeze %dma_wait3A_263 : memref<1x128xi32, #tpu.memory_space<vmem>> -> memref<128xi32, #tpu.memory_space<vmem>>
        %dma_wait3A_265 = arith.constant 0 : i32
        %dma_wait3A_266 = arith.constant 0 : i32
        %dma_wait3A_267 = tpu.memref_slice %arg18[%dma_wait3A_265, %dma_wait3A_266] : memref<10240x32xf32, #tpu.memory_space<vmem_shared>> -> memref<10240x32xf32, #tpu.memory_space<vmem_shared>>
        tpu.wait_indirect_dma semaphore(%arg28 : memref<!tpu.dma_semaphore, #tpu.memory_space<semaphore_mem>>) src(%arg10 : memref<128x32xf32, #tpu.memory_space<vmem>>) dst(%dma_wait3A_267 : memref<10240x32xf32, #tpu.memory_space<vmem_shared>>)
        %add3A_268 = arith.constant 8 : i32
        %add3A_269 = arith.addi %mul3A_127, %add3A_268 : i32
        %add3A_270 = arith.constant 1 : i32
        %add3A_271 = arith.addi %add3A_269, %add3A_270 : i32
        %dma_start3A_272 = arith.constant 0 : i32
        %dma_start3A_273 = tpu.memref_slice %arg7[%add3A_271, %dma_start3A_272] : memref<80x128xi32, #tpu.memory_space<vmem>> -> memref<1x128xi32, #tpu.memory_space<vmem>>
        %dma_start3A_274 = tpu.memref_squeeze %dma_start3A_273 : memref<1x128xi32, #tpu.memory_space<vmem>> -> memref<128xi32, #tpu.memory_space<vmem>>
        %dma_start3A_275 = arith.constant 0 : i32
        %dma_start3A_276 = arith.constant 0 : i32
        %dma_start3A_277 = tpu.memref_slice %arg2[%dma_start3A_275, %dma_start3A_276] : memref<10000x32xf32, #tpu.memory_space<hbm>> -> memref<10000x32xf32, #tpu.memory_space<hbm>>
        tpu.enqueue_indirect_dma source(%dma_start3A_277 : memref<10000x32xf32, #tpu.memory_space<hbm>>) target(%arg10 : memref<128x32xf32, #tpu.memory_space<vmem>>) offsets(%dma_start3A_274 : memref<128xi32, #tpu.memory_space<vmem>>) semaphore(%arg20 : memref<!tpu.dma_semaphore, #tpu.memory_space<semaphore_mem>>)
        %add3A_278 = arith.constant 2 : i32
        %add3A_279 = arith.addi %mul3A_127, %add3A_278 : i32
        %dma_wait3A_280 = arith.constant 0 : i32
        %dma_wait3A_281 = tpu.memref_slice %arg8[%add3A_279, %dma_wait3A_280] : memref<80x128xi32, #tpu.memory_space<vmem>> -> memref<1x128xi32, #tpu.memory_space<vmem>>
        %dma_wait3A_282 = tpu.memref_squeeze %dma_wait3A_281 : memref<1x128xi32, #tpu.memory_space<vmem>> -> memref<128xi32, #tpu.memory_space<vmem>>
        %dma_wait3A_283 = arith.constant 0 : i32
        %dma_wait3A_284 = arith.constant 0 : i32
        %dma_wait3A_285 = tpu.memref_slice %arg18[%dma_wait3A_283, %dma_wait3A_284] : memref<10240x32xf32, #tpu.memory_space<vmem_shared>> -> memref<10240x32xf32, #tpu.memory_space<vmem_shared>>
        tpu.wait_indirect_dma semaphore(%arg29 : memref<!tpu.dma_semaphore, #tpu.memory_space<semaphore_mem>>) src(%arg11 : memref<128x32xf32, #tpu.memory_space<vmem>>) dst(%dma_wait3A_285 : memref<10240x32xf32, #tpu.memory_space<vmem_shared>>)
        %add3A_286 = arith.constant 8 : i32
        %add3A_287 = arith.addi %mul3A_127, %add3A_286 : i32
        %add3A_288 = arith.constant 2 : i32
        %add3A_289 = arith.addi %add3A_287, %add3A_288 : i32
        %dma_start3A_290 = arith.constant 0 : i32
        %dma_start3A_291 = tpu.memref_slice %arg7[%add3A_289, %dma_start3A_290] : memref<80x128xi32, #tpu.memory_space<vmem>> -> memref<1x128xi32, #tpu.memory_space<vmem>>
        %dma_start3A_292 = tpu.memref_squeeze %dma_start3A_291 : memref<1x128xi32, #tpu.memory_space<vmem>> -> memref<128xi32, #tpu.memory_space<vmem>>
        %dma_start3A_293 = arith.constant 0 : i32
        %dma_start3A_294 = arith.constant 0 : i32
        %dma_start3A_295 = tpu.memref_slice %arg2[%dma_start3A_293, %dma_start3A_294] : memref<10000x32xf32, #tpu.memory_space<hbm>> -> memref<10000x32xf32, #tpu.memory_space<hbm>>
        tpu.enqueue_indirect_dma source(%dma_start3A_295 : memref<10000x32xf32, #tpu.memory_space<hbm>>) target(%arg11 : memref<128x32xf32, #tpu.memory_space<vmem>>) offsets(%dma_start3A_292 : memref<128xi32, #tpu.memory_space<vmem>>) semaphore(%arg21 : memref<!tpu.dma_semaphore, #tpu.memory_space<semaphore_mem>>)
        %add3A_296 = arith.constant 3 : i32
        %add3A_297 = arith.addi %mul3A_127, %add3A_296 : i32
        %dma_wait3A_298 = arith.constant 0 : i32
        %dma_wait3A_299 = tpu.memref_slice %arg8[%add3A_297, %dma_wait3A_298] : memref<80x128xi32, #tpu.memory_space<vmem>> -> memref<1x128xi32, #tpu.memory_space<vmem>>
        %dma_wait3A_300 = tpu.memref_squeeze %dma_wait3A_299 : memref<1x128xi32, #tpu.memory_space<vmem>> -> memref<128xi32, #tpu.memory_space<vmem>>
        %dma_wait3A_301 = arith.constant 0 : i32
        %dma_wait3A_302 = arith.constant 0 : i32
        %dma_wait3A_303 = tpu.memref_slice %arg18[%dma_wait3A_301, %dma_wait3A_302] : memref<10240x32xf32, #tpu.memory_space<vmem_shared>> -> memref<10240x32xf32, #tpu.memory_space<vmem_shared>>
        tpu.wait_indirect_dma semaphore(%arg30 : memref<!tpu.dma_semaphore, #tpu.memory_space<semaphore_mem>>) src(%arg12 : memref<128x32xf32, #tpu.memory_space<vmem>>) dst(%dma_wait3A_303 : memref<10240x32xf32, #tpu.memory_space<vmem_shared>>)
        %add3A_304 = arith.constant 8 : i32
        %add3A_305 = arith.addi %mul3A_127, %add3A_304 : i32
        %add3A_306 = arith.constant 3 : i32
        %add3A_307 = arith.addi %add3A_305, %add3A_306 : i32
        %dma_start3A_308 = arith.constant 0 : i32
        %dma_start3A_309 = tpu.memref_slice %arg7[%add3A_307, %dma_start3A_308] : memref<80x128xi32, #tpu.memory_space<vmem>> -> memref<1x128xi32, #tpu.memory_space<vmem>>
        %dma_start3A_310 = tpu.memref_squeeze %dma_start3A_309 : memref<1x128xi32, #tpu.memory_space<vmem>> -> memref<128xi32, #tpu.memory_space<vmem>>
        %dma_start3A_311 = arith.constant 0 : i32
        %dma_start3A_312 = arith.constant 0 : i32
        %dma_start3A_313 = tpu.memref_slice %arg2[%dma_start3A_311, %dma_start3A_312] : memref<10000x32xf32, #tpu.memory_space<hbm>> -> memref<10000x32xf32, #tpu.memory_space<hbm>>
        tpu.enqueue_indirect_dma source(%dma_start3A_313 : memref<10000x32xf32, #tpu.memory_space<hbm>>) target(%arg12 : memref<128x32xf32, #tpu.memory_space<vmem>>) offsets(%dma_start3A_310 : memref<128xi32, #tpu.memory_space<vmem>>) semaphore(%arg22 : memref<!tpu.dma_semaphore, #tpu.memory_space<semaphore_mem>>)
        %add3A_314 = arith.constant 4 : i32
        %add3A_315 = arith.addi %mul3A_127, %add3A_314 : i32
        %dma_wait3A_316 = arith.constant 0 : i32
        %dma_wait3A_317 = tpu.memref_slice %arg8[%add3A_315, %dma_wait3A_316] : memref<80x128xi32, #tpu.memory_space<vmem>> -> memref<1x128xi32, #tpu.memory_space<vmem>>
        %dma_wait3A_318 = tpu.memref_squeeze %dma_wait3A_317 : memref<1x128xi32, #tpu.memory_space<vmem>> -> memref<128xi32, #tpu.memory_space<vmem>>
        %dma_wait3A_319 = arith.constant 0 : i32
        %dma_wait3A_320 = arith.constant 0 : i32
        %dma_wait3A_321 = tpu.memref_slice %arg18[%dma_wait3A_319, %dma_wait3A_320] : memref<10240x32xf32, #tpu.memory_space<vmem_shared>> -> memref<10240x32xf32, #tpu.memory_space<vmem_shared>>
        tpu.wait_indirect_dma semaphore(%arg31 : memref<!tpu.dma_semaphore, #tpu.memory_space<semaphore_mem>>) src(%arg13 : memref<128x32xf32, #tpu.memory_space<vmem>>) dst(%dma_wait3A_321 : memref<10240x32xf32, #tpu.memory_space<vmem_shared>>)
        %add3A_322 = arith.constant 8 : i32
        %add3A_323 = arith.addi %mul3A_127, %add3A_322 : i32
        %add3A_324 = arith.constant 4 : i32
        %add3A_325 = arith.addi %add3A_323, %add3A_324 : i32
        %dma_start3A_326 = arith.constant 0 : i32
        %dma_start3A_327 = tpu.memref_slice %arg7[%add3A_325, %dma_start3A_326] : memref<80x128xi32, #tpu.memory_space<vmem>> -> memref<1x128xi32, #tpu.memory_space<vmem>>
        %dma_start3A_328 = tpu.memref_squeeze %dma_start3A_327 : memref<1x128xi32, #tpu.memory_space<vmem>> -> memref<128xi32, #tpu.memory_space<vmem>>
        %dma_start3A_329 = arith.constant 0 : i32
        %dma_start3A_330 = arith.constant 0 : i32
        %dma_start3A_331 = tpu.memref_slice %arg2[%dma_start3A_329, %dma_start3A_330] : memref<10000x32xf32, #tpu.memory_space<hbm>> -> memref<10000x32xf32, #tpu.memory_space<hbm>>
        tpu.enqueue_indirect_dma source(%dma_start3A_331 : memref<10000x32xf32, #tpu.memory_space<hbm>>) target(%arg13 : memref<128x32xf32, #tpu.memory_space<vmem>>) offsets(%dma_start3A_328 : memref<128xi32, #tpu.memory_space<vmem>>) semaphore(%arg23 : memref<!tpu.dma_semaphore, #tpu.memory_space<semaphore_mem>>)
        %add3A_332 = arith.constant 5 : i32
        %add3A_333 = arith.addi %mul3A_127, %add3A_332 : i32
        %dma_wait3A_334 = arith.constant 0 : i32
        %dma_wait3A_335 = tpu.memref_slice %arg8[%add3A_333, %dma_wait3A_334] : memref<80x128xi32, #tpu.memory_space<vmem>> -> memref<1x128xi32, #tpu.memory_space<vmem>>
        %dma_wait3A_336 = tpu.memref_squeeze %dma_wait3A_335 : memref<1x128xi32, #tpu.memory_space<vmem>> -> memref<128xi32, #tpu.memory_space<vmem>>
        %dma_wait3A_337 = arith.constant 0 : i32
        %dma_wait3A_338 = arith.constant 0 : i32
        %dma_wait3A_339 = tpu.memref_slice %arg18[%dma_wait3A_337, %dma_wait3A_338] : memref<10240x32xf32, #tpu.memory_space<vmem_shared>> -> memref<10240x32xf32, #tpu.memory_space<vmem_shared>>
        tpu.wait_indirect_dma semaphore(%arg32 : memref<!tpu.dma_semaphore, #tpu.memory_space<semaphore_mem>>) src(%arg14 : memref<128x32xf32, #tpu.memory_space<vmem>>) dst(%dma_wait3A_339 : memref<10240x32xf32, #tpu.memory_space<vmem_shared>>)
        %add3A_340 = arith.constant 8 : i32
        %add3A_341 = arith.addi %mul3A_127, %add3A_340 : i32
        %add3A_342 = arith.constant 5 : i32
        %add3A_343 = arith.addi %add3A_341, %add3A_342 : i32
        %dma_start3A_344 = arith.constant 0 : i32
        %dma_start3A_345 = tpu.memref_slice %arg7[%add3A_343, %dma_start3A_344] : memref<80x128xi32, #tpu.memory_space<vmem>> -> memref<1x128xi32, #tpu.memory_space<vmem>>
        %dma_start3A_346 = tpu.memref_squeeze %dma_start3A_345 : memref<1x128xi32, #tpu.memory_space<vmem>> -> memref<128xi32, #tpu.memory_space<vmem>>
        %dma_start3A_347 = arith.constant 0 : i32
        %dma_start3A_348 = arith.constant 0 : i32
        %dma_start3A_349 = tpu.memref_slice %arg2[%dma_start3A_347, %dma_start3A_348] : memref<10000x32xf32, #tpu.memory_space<hbm>> -> memref<10000x32xf32, #tpu.memory_space<hbm>>
        tpu.enqueue_indirect_dma source(%dma_start3A_349 : memref<10000x32xf32, #tpu.memory_space<hbm>>) target(%arg14 : memref<128x32xf32, #tpu.memory_space<vmem>>) offsets(%dma_start3A_346 : memref<128xi32, #tpu.memory_space<vmem>>) semaphore(%arg24 : memref<!tpu.dma_semaphore, #tpu.memory_space<semaphore_mem>>)
        %add3A_350 = arith.constant 6 : i32
        %add3A_351 = arith.addi %mul3A_127, %add3A_350 : i32
        %dma_wait3A_352 = arith.constant 0 : i32
        %dma_wait3A_353 = tpu.memref_slice %arg8[%add3A_351, %dma_wait3A_352] : memref<80x128xi32, #tpu.memory_space<vmem>> -> memref<1x128xi32, #tpu.memory_space<vmem>>
        %dma_wait3A_354 = tpu.memref_squeeze %dma_wait3A_353 : memref<1x128xi32, #tpu.memory_space<vmem>> -> memref<128xi32, #tpu.memory_space<vmem>>
        %dma_wait3A_355 = arith.constant 0 : i32
        %dma_wait3A_356 = arith.constant 0 : i32
        %dma_wait3A_357 = tpu.memref_slice %arg18[%dma_wait3A_355, %dma_wait3A_356] : memref<10240x32xf32, #tpu.memory_space<vmem_shared>> -> memref<10240x32xf32, #tpu.memory_space<vmem_shared>>
        tpu.wait_indirect_dma semaphore(%arg33 : memref<!tpu.dma_semaphore, #tpu.memory_space<semaphore_mem>>) src(%arg15 : memref<128x32xf32, #tpu.memory_space<vmem>>) dst(%dma_wait3A_357 : memref<10240x32xf32, #tpu.memory_space<vmem_shared>>)
        %add3A_358 = arith.constant 8 : i32
        %add3A_359 = arith.addi %mul3A_127, %add3A_358 : i32
        %add3A_360 = arith.constant 6 : i32
        %add3A_361 = arith.addi %add3A_359, %add3A_360 : i32
        %dma_start3A_362 = arith.constant 0 : i32
        %dma_start3A_363 = tpu.memref_slice %arg7[%add3A_361, %dma_start3A_362] : memref<80x128xi32, #tpu.memory_space<vmem>> -> memref<1x128xi32, #tpu.memory_space<vmem>>
        %dma_start3A_364 = tpu.memref_squeeze %dma_start3A_363 : memref<1x128xi32, #tpu.memory_space<vmem>> -> memref<128xi32, #tpu.memory_space<vmem>>
        %dma_start3A_365 = arith.constant 0 : i32
        %dma_start3A_366 = arith.constant 0 : i32
        %dma_start3A_367 = tpu.memref_slice %arg2[%dma_start3A_365, %dma_start3A_366] : memref<10000x32xf32, #tpu.memory_space<hbm>> -> memref<10000x32xf32, #tpu.memory_space<hbm>>
        tpu.enqueue_indirect_dma source(%dma_start3A_367 : memref<10000x32xf32, #tpu.memory_space<hbm>>) target(%arg15 : memref<128x32xf32, #tpu.memory_space<vmem>>) offsets(%dma_start3A_364 : memref<128xi32, #tpu.memory_space<vmem>>) semaphore(%arg25 : memref<!tpu.dma_semaphore, #tpu.memory_space<semaphore_mem>>)
        %add3A_368 = arith.constant 7 : i32
        %add3A_369 = arith.addi %mul3A_127, %add3A_368 : i32
        %dma_wait3A_370 = arith.constant 0 : i32
        %dma_wait3A_371 = tpu.memref_slice %arg8[%add3A_369, %dma_wait3A_370] : memref<80x128xi32, #tpu.memory_space<vmem>> -> memref<1x128xi32, #tpu.memory_space<vmem>>
        %dma_wait3A_372 = tpu.memref_squeeze %dma_wait3A_371 : memref<1x128xi32, #tpu.memory_space<vmem>> -> memref<128xi32, #tpu.memory_space<vmem>>
        %dma_wait3A_373 = arith.constant 0 : i32
        %dma_wait3A_374 = arith.constant 0 : i32
        %dma_wait3A_375 = tpu.memref_slice %arg18[%dma_wait3A_373, %dma_wait3A_374] : memref<10240x32xf32, #tpu.memory_space<vmem_shared>> -> memref<10240x32xf32, #tpu.memory_space<vmem_shared>>
        tpu.wait_indirect_dma semaphore(%arg34 : memref<!tpu.dma_semaphore, #tpu.memory_space<semaphore_mem>>) src(%arg16 : memref<128x32xf32, #tpu.memory_space<vmem>>) dst(%dma_wait3A_375 : memref<10240x32xf32, #tpu.memory_space<vmem_shared>>)
        %add3A_376 = arith.constant 8 : i32
        %add3A_377 = arith.addi %mul3A_127, %add3A_376 : i32
        %add3A_378 = arith.constant 7 : i32
        %add3A_379 = arith.addi %add3A_377, %add3A_378 : i32
        %dma_start3A_380 = arith.constant 0 : i32
        %dma_start3A_381 = tpu.memref_slice %arg7[%add3A_379, %dma_start3A_380] : memref<80x128xi32, #tpu.memory_space<vmem>> -> memref<1x128xi32, #tpu.memory_space<vmem>>
        %dma_start3A_382 = tpu.memref_squeeze %dma_start3A_381 : memref<1x128xi32, #tpu.memory_space<vmem>> -> memref<128xi32, #tpu.memory_space<vmem>>
        %dma_start3A_383 = arith.constant 0 : i32
        %dma_start3A_384 = arith.constant 0 : i32
        %dma_start3A_385 = tpu.memref_slice %arg2[%dma_start3A_383, %dma_start3A_384] : memref<10000x32xf32, #tpu.memory_space<hbm>> -> memref<10000x32xf32, #tpu.memory_space<hbm>>
        tpu.enqueue_indirect_dma source(%dma_start3A_385 : memref<10000x32xf32, #tpu.memory_space<hbm>>) target(%arg16 : memref<128x32xf32, #tpu.memory_space<vmem>>) offsets(%dma_start3A_382 : memref<128xi32, #tpu.memory_space<vmem>>) semaphore(%arg26 : memref<!tpu.dma_semaphore, #tpu.memory_space<semaphore_mem>>)
      } else {
      }
    }
    %scan3A_64 = arith.constant 10 : i32
    %dma_wait3A = arith.constant 0 : i32
    %dma_wait3A_65 = arith.constant 0 : i32
    %dma_wait3A_66 = tpu.memref_slice %arg8[%dma_wait3A, %dma_wait3A_65] : memref<80x128xi32, #tpu.memory_space<vmem>> -> memref<1x128xi32, #tpu.memory_space<vmem>>
    %dma_wait3A_67 = tpu.memref_squeeze %dma_wait3A_66 : memref<1x128xi32, #tpu.memory_space<vmem>> -> memref<128xi32, #tpu.memory_space<vmem>>
    %dma_wait3A_68 = arith.constant 0 : i32
    %dma_wait3A_69 = arith.constant 0 : i32
    %dma_wait3A_70 = tpu.memref_slice %arg18[%dma_wait3A_68, %dma_wait3A_69] : memref<10240x32xf32, #tpu.memory_space<vmem_shared>> -> memref<10240x32xf32, #tpu.memory_space<vmem_shared>>
    tpu.wait_indirect_dma semaphore(%arg27 : memref<!tpu.dma_semaphore, #tpu.memory_space<semaphore_mem>>) src(%arg9 : memref<128x32xf32, #tpu.memory_space<vmem>>) dst(%dma_wait3A_70 : memref<10240x32xf32, #tpu.memory_space<vmem_shared>>)
    %dma_wait3A_71 = arith.constant 0 : i32
    %dma_wait3A_72 = arith.constant 0 : i32
    %dma_wait3A_73 = tpu.memref_slice %arg8[%dma_wait3A_71, %dma_wait3A_72] : memref<80x128xi32, #tpu.memory_space<vmem>> -> memref<1x128xi32, #tpu.memory_space<vmem>>
    %dma_wait3A_74 = tpu.memref_squeeze %dma_wait3A_73 : memref<1x128xi32, #tpu.memory_space<vmem>> -> memref<128xi32, #tpu.memory_space<vmem>>
    %dma_wait3A_75 = arith.constant 0 : i32
    %dma_wait3A_76 = arith.constant 0 : i32
    %dma_wait3A_77 = tpu.memref_slice %arg18[%dma_wait3A_75, %dma_wait3A_76] : memref<10240x32xf32, #tpu.memory_space<vmem_shared>> -> memref<10240x32xf32, #tpu.memory_space<vmem_shared>>
    tpu.wait_indirect_dma semaphore(%arg28 : memref<!tpu.dma_semaphore, #tpu.memory_space<semaphore_mem>>) src(%arg10 : memref<128x32xf32, #tpu.memory_space<vmem>>) dst(%dma_wait3A_77 : memref<10240x32xf32, #tpu.memory_space<vmem_shared>>)
    %dma_wait3A_78 = arith.constant 0 : i32
    %dma_wait3A_79 = arith.constant 0 : i32
    %dma_wait3A_80 = tpu.memref_slice %arg8[%dma_wait3A_78, %dma_wait3A_79] : memref<80x128xi32, #tpu.memory_space<vmem>> -> memref<1x128xi32, #tpu.memory_space<vmem>>
    %dma_wait3A_81 = tpu.memref_squeeze %dma_wait3A_80 : memref<1x128xi32, #tpu.memory_space<vmem>> -> memref<128xi32, #tpu.memory_space<vmem>>
    %dma_wait3A_82 = arith.constant 0 : i32
    %dma_wait3A_83 = arith.constant 0 : i32
    %dma_wait3A_84 = tpu.memref_slice %arg18[%dma_wait3A_82, %dma_wait3A_83] : memref<10240x32xf32, #tpu.memory_space<vmem_shared>> -> memref<10240x32xf32, #tpu.memory_space<vmem_shared>>
    tpu.wait_indirect_dma semaphore(%arg29 : memref<!tpu.dma_semaphore, #tpu.memory_space<semaphore_mem>>) src(%arg11 : memref<128x32xf32, #tpu.memory_space<vmem>>) dst(%dma_wait3A_84 : memref<10240x32xf32, #tpu.memory_space<vmem_shared>>)
    %dma_wait3A_85 = arith.constant 0 : i32
    %dma_wait3A_86 = arith.constant 0 : i32
    %dma_wait3A_87 = tpu.memref_slice %arg8[%dma_wait3A_85, %dma_wait3A_86] : memref<80x128xi32, #tpu.memory_space<vmem>> -> memref<1x128xi32, #tpu.memory_space<vmem>>
    %dma_wait3A_88 = tpu.memref_squeeze %dma_wait3A_87 : memref<1x128xi32, #tpu.memory_space<vmem>> -> memref<128xi32, #tpu.memory_space<vmem>>
    %dma_wait3A_89 = arith.constant 0 : i32
    %dma_wait3A_90 = arith.constant 0 : i32
    %dma_wait3A_91 = tpu.memref_slice %arg18[%dma_wait3A_89, %dma_wait3A_90] : memref<10240x32xf32, #tpu.memory_space<vmem_shared>> -> memref<10240x32xf32, #tpu.memory_space<vmem_shared>>
    tpu.wait_indirect_dma semaphore(%arg30 : memref<!tpu.dma_semaphore, #tpu.memory_space<semaphore_mem>>) src(%arg12 : memref<128x32xf32, #tpu.memory_space<vmem>>) dst(%dma_wait3A_91 : memref<10240x32xf32, #tpu.memory_space<vmem_shared>>)
    %dma_wait3A_92 = arith.constant 0 : i32
    %dma_wait3A_93 = arith.constant 0 : i32
    %dma_wait3A_94 = tpu.memref_slice %arg8[%dma_wait3A_92, %dma_wait3A_93] : memref<80x128xi32, #tpu.memory_space<vmem>> -> memref<1x128xi32, #tpu.memory_space<vmem>>
    %dma_wait3A_95 = tpu.memref_squeeze %dma_wait3A_94 : memref<1x128xi32, #tpu.memory_space<vmem>> -> memref<128xi32, #tpu.memory_space<vmem>>
    %dma_wait3A_96 = arith.constant 0 : i32
    %dma_wait3A_97 = arith.constant 0 : i32
    %dma_wait3A_98 = tpu.memref_slice %arg18[%dma_wait3A_96, %dma_wait3A_97] : memref<10240x32xf32, #tpu.memory_space<vmem_shared>> -> memref<10240x32xf32, #tpu.memory_space<vmem_shared>>
    tpu.wait_indirect_dma semaphore(%arg31 : memref<!tpu.dma_semaphore, #tpu.memory_space<semaphore_mem>>) src(%arg13 : memref<128x32xf32, #tpu.memory_space<vmem>>) dst(%dma_wait3A_98 : memref<10240x32xf32, #tpu.memory_space<vmem_shared>>)
    %dma_wait3A_99 = arith.constant 0 : i32
    %dma_wait3A_100 = arith.constant 0 : i32
    %dma_wait3A_101 = tpu.memref_slice %arg8[%dma_wait3A_99, %dma_wait3A_100] : memref<80x128xi32, #tpu.memory_space<vmem>> -> memref<1x128xi32, #tpu.memory_space<vmem>>
    %dma_wait3A_102 = tpu.memref_squeeze %dma_wait3A_101 : memref<1x128xi32, #tpu.memory_space<vmem>> -> memref<128xi32, #tpu.memory_space<vmem>>
    %dma_wait3A_103 = arith.constant 0 : i32
    %dma_wait3A_104 = arith.constant 0 : i32
    %dma_wait3A_105 = tpu.memref_slice %arg18[%dma_wait3A_103, %dma_wait3A_104] : memref<10240x32xf32, #tpu.memory_space<vmem_shared>> -> memref<10240x32xf32, #tpu.memory_space<vmem_shared>>
    tpu.wait_indirect_dma semaphore(%arg32 : memref<!tpu.dma_semaphore, #tpu.memory_space<semaphore_mem>>) src(%arg14 : memref<128x32xf32, #tpu.memory_space<vmem>>) dst(%dma_wait3A_105 : memref<10240x32xf32, #tpu.memory_space<vmem_shared>>)
    %dma_wait3A_106 = arith.constant 0 : i32
    %dma_wait3A_107 = arith.constant 0 : i32
    %dma_wait3A_108 = tpu.memref_slice %arg8[%dma_wait3A_106, %dma_wait3A_107] : memref<80x128xi32, #tpu.memory_space<vmem>> -> memref<1x128xi32, #tpu.memory_space<vmem>>
    %dma_wait3A_109 = tpu.memref_squeeze %dma_wait3A_108 : memref<1x128xi32, #tpu.memory_space<vmem>> -> memref<128xi32, #tpu.memory_space<vmem>>
    %dma_wait3A_110 = arith.constant 0 : i32
    %dma_wait3A_111 = arith.constant 0 : i32
    %dma_wait3A_112 = tpu.memref_slice %arg18[%dma_wait3A_110, %dma_wait3A_111] : memref<10240x32xf32, #tpu.memory_space<vmem_shared>> -> memref<10240x32xf32, #tpu.memory_space<vmem_shared>>
    tpu.wait_indirect_dma semaphore(%arg33 : memref<!tpu.dma_semaphore, #tpu.memory_space<semaphore_mem>>) src(%arg15 : memref<128x32xf32, #tpu.memory_space<vmem>>) dst(%dma_wait3A_112 : memref<10240x32xf32, #tpu.memory_space<vmem_shared>>)
    %dma_wait3A_113 = arith.constant 0 : i32
    %dma_wait3A_114 = arith.constant 0 : i32
    %dma_wait3A_115 = tpu.memref_slice %arg8[%dma_wait3A_113, %dma_wait3A_114] : memref<80x128xi32, #tpu.memory_space<vmem>> -> memref<1x128xi32, #tpu.memory_space<vmem>>
    %dma_wait3A_116 = tpu.memref_squeeze %dma_wait3A_115 : memref<1x128xi32, #tpu.memory_space<vmem>> -> memref<128xi32, #tpu.memory_space<vmem>>
    %dma_wait3A_117 = arith.constant 0 : i32
    %dma_wait3A_118 = arith.constant 0 : i32
    %dma_wait3A_119 = tpu.memref_slice %arg18[%dma_wait3A_117, %dma_wait3A_118] : memref<10240x32xf32, #tpu.memory_space<vmem_shared>> -> memref<10240x32xf32, #tpu.memory_space<vmem_shared>>
    tpu.wait_indirect_dma semaphore(%arg34 : memref<!tpu.dma_semaphore, #tpu.memory_space<semaphore_mem>>) src(%arg16 : memref<128x32xf32, #tpu.memory_space<vmem>>) dst(%dma_wait3A_119 : memref<10240x32xf32, #tpu.memory_space<vmem_shared>>)
    %barrier3A_120 = arith.constant 0 : index
    tpu.barrier barrier_id(%barrier3A_120)
    %mul3A_121 = arith.constant 640 : i32
    %mul3A_122 = arith.muli %arg1, %mul3A_121 : i32
    "tpu.region"() ({
      %run_scoped3A = tpu.sem_alloc : memref<!tpu.dma_semaphore, #tpu.memory_space<semaphore_mem>>
      %dma_start3A_125 = arith.constant 0 : i32
      %dma_start3A_126 = tpu.memref_slice %arg18[%mul3A_122, %dma_start3A_125] : memref<10240x32xf32, #tpu.memory_space<vmem_shared>> -> memref<640x32xf32, #tpu.memory_space<vmem_shared>>
      %dma_start3A_127 = arith.constant 0 : i32
      %dma_start3A_128 = tpu.memref_slice %arg18[%mul3A_122, %dma_start3A_127] : memref<10240x32xf32, #tpu.memory_space<vmem_shared>> -> memref<640x32xf32, #tpu.memory_space<vmem_shared>>
      tpu.enqueue_dma source(%dma_start3A_128 : memref<640x32xf32, #tpu.memory_space<vmem_shared>>) target(%arg17 : memref<640x32xf32, #tpu.memory_space<vmem>>) target_semaphore(%run_scoped3A : memref<!tpu.dma_semaphore, #tpu.memory_space<semaphore_mem>>)
      %dma_wait3A_129 = arith.constant 0 : i32
      %dma_wait3A_130 = tpu.memref_slice %arg18[%mul3A_122, %dma_wait3A_129] : memref<10240x32xf32, #tpu.memory_space<vmem_shared>> -> memref<640x32xf32, #tpu.memory_space<vmem_shared>>
      %dma_wait3A_131 = arith.constant 0 : i32
      %dma_wait3A_132 = tpu.memref_slice %arg18[%mul3A_122, %dma_wait3A_131] : memref<10240x32xf32, #tpu.memory_space<vmem_shared>> -> memref<640x32xf32, #tpu.memory_space<vmem_shared>>
      tpu.wait_dma2 semaphore(%run_scoped3A : memref<!tpu.dma_semaphore, #tpu.memory_space<semaphore_mem>>) src(%dma_wait3A_132 : memref<640x32xf32, #tpu.memory_space<vmem_shared>>) dst(%arg17 : memref<640x32xf32, #tpu.memory_space<vmem>>)
      tpu.yield
    }) : () -> ()
    %mul3A_123 = arith.constant 640 : i32
    %mul3A_124 = arith.muli %arg1, %mul3A_123 : i32
    "tpu.region"() ({
      %run_scoped3A = tpu.sem_alloc : memref<!tpu.dma_semaphore, #tpu.memory_space<semaphore_mem>>
      %dma_start3A_125 = arith.constant 0 : i32
      %dma_start3A_126 = tpu.memref_slice %arg6[%arg0, %mul3A_124, %dma_start3A_125] : memref<2x10240x32xf32, #tpu.memory_space<hbm>> -> memref<1x640x32xf32, #tpu.memory_space<hbm>>
      %dma_start3A_127 = tpu.memref_squeeze %dma_start3A_126 : memref<1x640x32xf32, #tpu.memory_space<hbm>> -> memref<640x32xf32, #tpu.memory_space<hbm>>
      %dma_start3A_128 = arith.constant 0 : i32
      %dma_start3A_129 = tpu.memref_slice %arg6[%arg0, %mul3A_124, %dma_start3A_128] : memref<2x10240x32xf32, #tpu.memory_space<hbm>> -> memref<1x640x32xf32, #tpu.memory_space<hbm>>
      %dma_start3A_130 = tpu.memref_squeeze %dma_start3A_129 : memref<1x640x32xf32, #tpu.memory_space<hbm>> -> memref<640x32xf32, #tpu.memory_space<hbm>>
      tpu.enqueue_dma source(%arg17 : memref<640x32xf32, #tpu.memory_space<vmem>>) target(%dma_start3A_130 : memref<640x32xf32, #tpu.memory_space<hbm>>) target_semaphore(%run_scoped3A : memref<!tpu.dma_semaphore, #tpu.memory_space<semaphore_mem>>)
      %dma_wait3A_131 = arith.constant 0 : i32
      %dma_wait3A_132 = tpu.memref_slice %arg6[%arg0, %mul3A_124, %dma_wait3A_131] : memref<2x10240x32xf32, #tpu.memory_space<hbm>> -> memref<1x640x32xf32, #tpu.memory_space<hbm>>
      %dma_wait3A_133 = tpu.memref_squeeze %dma_wait3A_132 : memref<1x640x32xf32, #tpu.memory_space<hbm>> -> memref<640x32xf32, #tpu.memory_space<hbm>>
      %dma_wait3A_134 = arith.constant 0 : i32
      %dma_wait3A_135 = tpu.memref_slice %arg6[%arg0, %mul3A_124, %dma_wait3A_134] : memref<2x10240x32xf32, #tpu.memory_space<hbm>> -> memref<1x640x32xf32, #tpu.memory_space<hbm>>
      %dma_wait3A_136 = tpu.memref_squeeze %dma_wait3A_135 : memref<1x640x32xf32, #tpu.memory_space<hbm>> -> memref<640x32xf32, #tpu.memory_space<hbm>>
      tpu.wait_dma2 semaphore(%run_scoped3A : memref<!tpu.dma_semaphore, #tpu.memory_space<semaphore_mem>>) src(%arg17 : memref<640x32xf32, #tpu.memory_space<vmem>>) dst(%dma_wait3A_136 : memref<640x32xf32, #tpu.memory_space<hbm>>)
      tpu.yield
    }) : () -> ()
    return
  }
}

module attributes {stable_mosaic.version = 14 : i64} {
  func.func @body(%arg0: i32, %arg1: memref<2048x128xf32, #tpu.memory_space<vmem>>, %arg2: memref<128x32xf32, #tpu.memory_space<vmem>>, %arg3: memref<2048xf32, #tpu.memory_space<vmem>>, %arg4: memref<2048xf32, #tpu.memory_space<vmem>>, %arg5: memref<2048x32xf32, #tpu.memory_space<vmem>>, %arg6: memref<2048xf32, #tpu.memory_space<vmem>>) attributes {dimension_semantics = [#tpu.dimension_semantics<arbitrary>], iteration_bounds = array<i64: 5>, scalar_prefetch = 0 : i64, scratch_operands = 0 : i64, tpu.core_type = #tpu.core_type<tc>, window_params = [{transform_indices = @transform_0, window_bounds = array<i64: 2048, 128>}, {pipeline_mode = #tpu.pipeline_mode<synchronous>, transform_indices = @transform_1, window_bounds = array<i64: 128, 32>}, {transform_indices = @transform_2, window_bounds = array<i64: 2048>}, {transform_indices = @transform_3, window_bounds = array<i64: 2048>}, {transform_indices = @transform_4, window_bounds = array<i64: 2048, 32>}, {transform_indices = @transform_5, window_bounds = array<i64: 2048>}]} {
    %get3A = arith.constant 0 : index
    %get3A_0 = vector.load %arg3[%get3A] : memref<2048xf32, #tpu.memory_space<vmem>>, vector<2048xf32>
    %add3A = arith.constant 1.000000e+00 : f32
    %add3A_1 = vector.broadcast %add3A : f32 to vector<2048xf32>
    %add3A_2 = arith.addf %add3A_1, %get3A_0 : vector<2048xf32>
    %get3A_3 = arith.constant 0 : index
    %get3A_4 = vector.load %arg4[%get3A_3] : memref<2048xf32, #tpu.memory_space<vmem>>, vector<2048xf32>
    %add3A_5 = arith.addf %add3A_2, %get3A_4 : vector<2048xf32>
    %rsqrt3A = math.rsqrt %add3A_5 : vector<2048xf32>
    %get3A_6 = arith.constant 0 : index
    %get3A_7 = arith.constant 0 : index
    %get3A_8 = vector.load %arg1[%get3A_6, %get3A_7] : memref<2048x128xf32, #tpu.memory_space<vmem>>, vector<2048x128xf32>
    %get3A_9 = arith.constant 0 : index
    %get3A_10 = arith.constant 0 : index
    %get3A_11 = vector.load %arg2[%get3A_9, %get3A_10] : memref<128x32xf32, #tpu.memory_space<vmem>>, vector<128x32xf32>
    %dot_general3A = arith.constant dense<0.000000e+00> : vector<2048x32xf32>
    %dot_general3A_12 = tpu.matmul %get3A_8, %get3A_11, %dot_general3A {dimension_numbers = #tpu.dot_dimension_numbers<[1], [0], [0], [1], [0, 0, 1, 1], [], []>, transpose_lhs_hint = false} : vector<2048x128xf32>, vector<128x32xf32>, vector<2048x32xf32> -> vector<2048x32xf32>
    %broadcast_in_dim3A = vector.shape_cast %rsqrt3A : vector<2048xf32> to vector<2048x1xf32>
    %mul3A = vector.broadcast %broadcast_in_dim3A : vector<2048x1xf32> to vector<2048x32xf32>
    %mul3A_13 = arith.mulf %mul3A, %dot_general3A_12 : vector<2048x32xf32>
    %swap3A = arith.constant 0 : index
    %swap3A_14 = arith.constant 0 : index
    %swap3A_15 = vector.load %arg5[%swap3A, %swap3A_14] : memref<2048x32xf32, #tpu.memory_space<vmem>>, vector<2048x32xf32>
    tpu.vector_store %arg5[%swap3A, %swap3A_14], %mul3A_13 {strides = array<i32>} : memref<2048x32xf32, #tpu.memory_space<vmem>>, vector<2048x32xf32>,
    %swap3A_16 = arith.constant 0 : index
    %swap3A_17 = vector.load %arg6[%swap3A_16] : memref<2048xf32, #tpu.memory_space<vmem>>, vector<2048xf32>
    tpu.vector_store %arg6[%swap3A_16], %rsqrt3A {strides = array<i32>} : memref<2048xf32, #tpu.memory_space<vmem>>, vector<2048xf32>,
    return
  }
  func.func @transform_0(%arg0: i32) -> (i32, i32) {
    %c0_i32 = arith.constant 0 : i32
    %c0_i32_0 = arith.constant 0 : i32
    return %arg0, %c0_i32 : i32, i32
  }
  func.func @transform_1(%arg0: i32) -> (i32, i32) {
    %c0_i32 = arith.constant 0 : i32
    %c0_i32_0 = arith.constant 0 : i32
    %c0_i32_1 = arith.constant 0 : i32
    return %c0_i32, %c0_i32_0 : i32, i32
  }
  func.func @transform_2(%arg0: i32) -> i32 {
    %c0_i32 = arith.constant 0 : i32
    return %arg0 : i32
  }
  func.func @transform_3(%arg0: i32) -> i32 {
    %c0_i32 = arith.constant 0 : i32
    return %arg0 : i32
  }
  func.func @transform_4(%arg0: i32) -> (i32, i32) {
    %c0_i32 = arith.constant 0 : i32
    %c0_i32_0 = arith.constant 0 : i32
    return %arg0, %c0_i32 : i32, i32
  }
  func.func @transform_5(%arg0: i32) -> i32 {
    %c0_i32 = arith.constant 0 : i32
    return %arg0 : i32
  }
}

module attributes {stable_mosaic.version = 14 : i64} {
  func.func @body(%arg0: i32, %arg1: memref<2x10240x32xf32, #tpu.memory_space<any>>, %arg2: memref<2048x32xf32, #tpu.memory_space<vmem>>, %arg3: memref<2048xf32, #tpu.memory_space<vmem>>, %arg4: memref<1x32xf32, #tpu.memory_space<vmem>>, %arg5: memref<32x16xf32, #tpu.memory_space<vmem>>, %arg6: memref<2048x16xf32, #tpu.memory_space<vmem>>, %arg7: memref<2x2x2048x32xf32, #tpu.memory_space<vmem>>, %arg8: memref<2x!tpu.dma_semaphore, #tpu.memory_space<semaphore_mem>>) attributes {dimension_semantics = [#tpu.dimension_semantics<arbitrary>], iteration_bounds = array<i64: 5>, scalar_prefetch = 0 : i64, scratch_operands = 2 : i64, tpu.core_type = #tpu.core_type<tc>, window_params = [{}, {transform_indices = @transform_1, window_bounds = array<i64: 2048, 32>}, {transform_indices = @transform_2, window_bounds = array<i64: 2048>}, {pipeline_mode = #tpu.pipeline_mode<synchronous>, transform_indices = @transform_3, window_bounds = array<i64: 1, 32>}, {pipeline_mode = #tpu.pipeline_mode<synchronous>, transform_indices = @transform_4, window_bounds = array<i64: 32, 16>}, {transform_indices = @transform_5, window_bounds = array<i64: 2048, 16>}]} {
    %rem3A = arith.constant 2 : i32
    %rem3A_0 = arith.remsi %arg0, %rem3A : i32
    %eq3A = arith.constant 0 : i32
    %eq3A_1 = arith.cmpi eq, %arg0, %eq3A : i32
    %convert_element_type3A = arith.extui %eq3A_1 : i1 to i32
    %cond3A = arith.constant 0 : i32
    %cond3A_2 = arith.cmpi ne, %convert_element_type3A, %cond3A : i32
    scf.if %cond3A_2 {
      %dma_start3A = arith.constant 0 : i32
      %dma_start3A_49 = arith.constant 0 : i32
      %dma_start3A_50 = tpu.memref_slice %arg8[%dma_start3A_49] : memref<2x!tpu.dma_semaphore, #tpu.memory_space<semaphore_mem>> -> memref<1x!tpu.dma_semaphore, #tpu.memory_space<semaphore_mem>>
      %dma_start3A_51 = tpu.memref_squeeze %dma_start3A_50 : memref<1x!tpu.dma_semaphore, #tpu.memory_space<semaphore_mem>> -> memref<!tpu.dma_semaphore, #tpu.memory_space<semaphore_mem>>
      %dma_start3A_52 = arith.constant 0 : i32
      %dma_start3A_53 = arith.constant 0 : i32
      %dma_start3A_54 = arith.constant 0 : i32
      %dma_start3A_55 = tpu.memref_slice %arg7[%dma_start3A, %dma_start3A_52, %dma_start3A_53, %dma_start3A_54] : memref<2x2x2048x32xf32, #tpu.memory_space<vmem>> -> memref<1x2x2048x32xf32, #tpu.memory_space<vmem>>
      %dma_start3A_56 = tpu.memref_squeeze %dma_start3A_55 : memref<1x2x2048x32xf32, #tpu.memory_space<vmem>> -> memref<2x2048x32xf32, #tpu.memory_space<vmem>>
      %dma_start3A_57 = arith.constant 0 : i32
      %dma_start3A_58 = arith.constant 0 : i32
      %dma_start3A_59 = arith.constant 0 : i32
      %dma_start3A_60 = tpu.memref_slice %arg1[%dma_start3A_57, %dma_start3A_58, %dma_start3A_59] : memref<2x10240x32xf32, #tpu.memory_space<any>> -> memref<2x2048x32xf32, #tpu.memory_space<any>>
      tpu.enqueue_dma source(%dma_start3A_60 : memref<2x2048x32xf32, #tpu.memory_space<any>>) target(%dma_start3A_56 : memref<2x2048x32xf32, #tpu.memory_space<vmem>>) target_semaphore(%dma_start3A_51 : memref<!tpu.dma_semaphore, #tpu.memory_space<semaphore_mem>>)
    } else {
    }
    %add3A = arith.constant 1 : i32
    %add3A_3 = arith.addi %arg0, %add3A : i32
    %lt3A = arith.constant 5 : i32
    %lt3A_4 = arith.cmpi slt, %add3A_3, %lt3A : i32
    %convert_element_type3A_5 = arith.extui %lt3A_4 : i1 to i32
    %cond3A_6 = arith.constant 0 : i32
    %cond3A_7 = arith.cmpi ne, %convert_element_type3A_5, %cond3A_6 : i32
    scf.if %cond3A_7 {
      %add3A_49 = arith.constant 1 : i32
      %add3A_50 = arith.addi %arg0, %add3A_49 : i32
      %sub3A = arith.constant 1 : i32
      %sub3A_51 = arith.subi %sub3A, %rem3A_0 : i32
      %mul3A_52 = arith.constant 2048 : i32
      %mul3A_53 = arith.muli %add3A_50, %mul3A_52 : i32
      %dma_start3A = tpu.memref_slice %arg8[%sub3A_51] : memref<2x!tpu.dma_semaphore, #tpu.memory_space<semaphore_mem>> -> memref<1x!tpu.dma_semaphore, #tpu.memory_space<semaphore_mem>>
      %dma_start3A_54 = tpu.memref_squeeze %dma_start3A : memref<1x!tpu.dma_semaphore, #tpu.memory_space<semaphore_mem>> -> memref<!tpu.dma_semaphore, #tpu.memory_space<semaphore_mem>>
      %dma_start3A_55 = arith.constant 0 : i32
      %dma_start3A_56 = arith.constant 0 : i32
      %dma_start3A_57 = arith.constant 0 : i32
      %dma_start3A_58 = tpu.memref_slice %arg7[%sub3A_51, %dma_start3A_55, %dma_start3A_56, %dma_start3A_57] : memref<2x2x2048x32xf32, #tpu.memory_space<vmem>> -> memref<1x2x2048x32xf32, #tpu.memory_space<vmem>>
      %dma_start3A_59 = tpu.memref_squeeze %dma_start3A_58 : memref<1x2x2048x32xf32, #tpu.memory_space<vmem>> -> memref<2x2048x32xf32, #tpu.memory_space<vmem>>
      %dma_start3A_60 = arith.constant 0 : i32
      %dma_start3A_61 = arith.constant 0 : i32
      %dma_start3A_62 = tpu.memref_slice %arg1[%dma_start3A_60, %mul3A_53, %dma_start3A_61] : memref<2x10240x32xf32, #tpu.memory_space<any>> -> memref<2x2048x32xf32, #tpu.memory_space<any>>
      tpu.enqueue_dma source(%dma_start3A_62 : memref<2x2048x32xf32, #tpu.memory_space<any>>) target(%dma_start3A_59 : memref<2x2048x32xf32, #tpu.memory_space<vmem>>) target_semaphore(%dma_start3A_54 : memref<!tpu.dma_semaphore, #tpu.memory_space<semaphore_mem>>)
    } else {
    }
    %mul3A = arith.constant 2048 : i32
    %mul3A_8 = arith.muli %arg0, %mul3A : i32
    %dma_wait3A = tpu.memref_slice %arg8[%rem3A_0] : memref<2x!tpu.dma_semaphore, #tpu.memory_space<semaphore_mem>> -> memref<1x!tpu.dma_semaphore, #tpu.memory_space<semaphore_mem>>
    %dma_wait3A_9 = tpu.memref_squeeze %dma_wait3A : memref<1x!tpu.dma_semaphore, #tpu.memory_space<semaphore_mem>> -> memref<!tpu.dma_semaphore, #tpu.memory_space<semaphore_mem>>
    %dma_wait3A_10 = arith.constant 0 : i32
    %dma_wait3A_11 = arith.constant 0 : i32
    %dma_wait3A_12 = arith.constant 0 : i32
    %dma_wait3A_13 = tpu.memref_slice %arg7[%rem3A_0, %dma_wait3A_10, %dma_wait3A_11, %dma_wait3A_12] : memref<2x2x2048x32xf32, #tpu.memory_space<vmem>> -> memref<1x2x2048x32xf32, #tpu.memory_space<vmem>>
    %dma_wait3A_14 = tpu.memref_squeeze %dma_wait3A_13 : memref<1x2x2048x32xf32, #tpu.memory_space<vmem>> -> memref<2x2048x32xf32, #tpu.memory_space<vmem>>
    %dma_wait3A_15 = arith.constant 0 : i32
    %dma_wait3A_16 = arith.constant 0 : i32
    %dma_wait3A_17 = tpu.memref_slice %arg1[%dma_wait3A_15, %mul3A_8, %dma_wait3A_16] : memref<2x10240x32xf32, #tpu.memory_space<any>> -> memref<2x2048x32xf32, #tpu.memory_space<any>>
    tpu.wait_dma2 semaphore(%dma_wait3A_9 : memref<!tpu.dma_semaphore, #tpu.memory_space<semaphore_mem>>) src(%dma_wait3A_17 : memref<2x2048x32xf32, #tpu.memory_space<any>>) dst(%dma_wait3A_14 : memref<2x2048x32xf32, #tpu.memory_space<vmem>>)
    %get3A = arith.index_cast %rem3A_0 : i32 to index
    %get3A_18 = arith.constant 0 : index
    %get3A_19 = arith.constant 0 : index
    %get3A_20 = arith.constant 0 : index
    %get3A_21 = vector.load %arg7[%get3A, %get3A_18, %get3A_19, %get3A_20] : memref<2x2x2048x32xf32, #tpu.memory_space<vmem>>, vector<1x2x2048x32xf32>
    %get3A_22 = vector.shape_cast %get3A_21 : vector<1x2x2048x32xf32> to vector<2x2048x32xf32>
    %get3A_23 = arith.constant 0 : index
    %get3A_24 = vector.load %arg3[%get3A_23] : memref<2048xf32, #tpu.memory_space<vmem>>, vector<2048xf32>
    %broadcast_in_dim3A = vector.shape_cast %get3A_24 : vector<2048xf32> to vector<2048x1xf32>
    %slice3A = vector.extract_strided_slice %get3A_22 {offsets = [0, 0, 0], sizes = [1, 2048, 32], strides = [1, 1, 1]} : vector<2x2048x32xf32> to vector<1x2048x32xf32>
    %squeeze3A = vector.shape_cast %slice3A : vector<1x2048x32xf32> to vector<2048x32xf32>
    %slice3A_25 = vector.extract_strided_slice %get3A_22 {offsets = [1, 0, 0], sizes = [1, 2048, 32], strides = [1, 1, 1]} : vector<2x2048x32xf32> to vector<1x2048x32xf32>
    %squeeze3A_26 = vector.shape_cast %slice3A_25 : vector<1x2048x32xf32> to vector<2048x32xf32>
    %add3A_27 = arith.addf %squeeze3A, %squeeze3A_26 : vector<2048x32xf32>
    %get3A_28 = arith.constant 0 : index
    %get3A_29 = arith.constant 0 : index
    %get3A_30 = vector.load %arg2[%get3A_28, %get3A_29] : memref<2048x32xf32, #tpu.memory_space<vmem>>, vector<2048x32xf32>
    %add3A_31 = arith.addf %add3A_27, %get3A_30 : vector<2048x32xf32>
    %mul3A_32 = vector.broadcast %broadcast_in_dim3A : vector<2048x1xf32> to vector<2048x32xf32>
    %mul3A_33 = arith.mulf %mul3A_32, %add3A_31 : vector<2048x32xf32>
    %get3A_34 = arith.constant 0 : index
    %get3A_35 = arith.constant 0 : index
    %get3A_36 = vector.load %arg4[%get3A_34, %get3A_35] : memref<1x32xf32, #tpu.memory_space<vmem>>, vector<1x32xf32>
    %add3A_37 = vector.broadcast %get3A_36 : vector<1x32xf32> to vector<2048x32xf32>
    %add3A_38 = arith.addf %mul3A_33, %add3A_37 : vector<2048x32xf32>
    %max3A = arith.constant 0.000000e+00 : f32
    %max3A_39 = vector.broadcast %max3A : f32 to vector<2048x32xf32>
    %max3A_40 = arith.maximumf %add3A_38, %max3A_39 : vector<2048x32xf32>
    %get3A_41 = arith.constant 0 : index
    %get3A_42 = arith.constant 0 : index
    %get3A_43 = vector.load %arg5[%get3A_41, %get3A_42] : memref<32x16xf32, #tpu.memory_space<vmem>>, vector<32x16xf32>
    %dot_general3A = arith.constant dense<0.000000e+00> : vector<2048x16xf32>
    %dot_general3A_44 = tpu.matmul %max3A_40, %get3A_43, %dot_general3A {dimension_numbers = #tpu.dot_dimension_numbers<[1], [0], [0], [1], [0, 0, 1, 1], [], []>, transpose_lhs_hint = false} : vector<2048x32xf32>, vector<32x16xf32>, vector<2048x16xf32> -> vector<2048x16xf32>
    %mul3A_45 = vector.broadcast %broadcast_in_dim3A : vector<2048x1xf32> to vector<2048x16xf32>
    %mul3A_46 = arith.mulf %mul3A_45, %dot_general3A_44 : vector<2048x16xf32>
    %swap3A = arith.constant 0 : index
    %swap3A_47 = arith.constant 0 : index
    %swap3A_48 = vector.load %arg6[%swap3A, %swap3A_47] : memref<2048x16xf32, #tpu.memory_space<vmem>>, vector<2048x16xf32>
    tpu.vector_store %arg6[%swap3A, %swap3A_47], %mul3A_46 {strides = array<i32>} : memref<2048x16xf32, #tpu.memory_space<vmem>>, vector<2048x16xf32>,
    return
  }
  func.func @transform_1(%arg0: i32) -> (i32, i32) {
    %c0_i32 = arith.constant 0 : i32
    %c0_i32_0 = arith.constant 0 : i32
    return %arg0, %c0_i32 : i32, i32
  }
  func.func @transform_2(%arg0: i32) -> i32 {
    %c0_i32 = arith.constant 0 : i32
    return %arg0 : i32
  }
  func.func @transform_3(%arg0: i32) -> (i32, i32) {
    %c0_i32 = arith.constant 0 : i32
    %c0_i32_0 = arith.constant 0 : i32
    %c0_i32_1 = arith.constant 0 : i32
    return %c0_i32, %c0_i32_0 : i32, i32
  }
  func.func @transform_4(%arg0: i32) -> (i32, i32) {
    %c0_i32 = arith.constant 0 : i32
    %c0_i32_0 = arith.constant 0 : i32
    %c0_i32_1 = arith.constant 0 : i32
    return %c0_i32, %c0_i32_0 : i32, i32
  }
  func.func @transform_5(%arg0: i32) -> (i32, i32) {
    %c0_i32 = arith.constant 0 : i32
    %c0_i32_0 = arith.constant 0 : i32
    return %arg0, %c0_i32 : i32, i32
  }
}

module attributes {stable_mosaic.version = 14 : i64} {
  func.func @body(%arg0: i32, %arg1: memref<2x10240x16xf32, #tpu.memory_space<any>>, %arg2: memref<2048x16xf32, #tpu.memory_space<vmem>>, %arg3: memref<2048xf32, #tpu.memory_space<vmem>>, %arg4: memref<1x16xf32, #tpu.memory_space<vmem>>, %arg5: memref<100x1xi32, #tpu.memory_space<vmem>>, %arg6: memref<100x1xi32, #tpu.memory_space<vmem>>, %arg7: memref<16x10xf32, #tpu.memory_space<vmem>>, %arg8: memref<1x10xf32, #tpu.memory_space<vmem>>, %arg9: memref<100x10xf32, #tpu.memory_space<vmem>>, %arg10: memref<100x16xf32, #tpu.memory_space<vmem>>, %arg11: memref<2x2x2048x16xf32, #tpu.memory_space<vmem>>, %arg12: memref<2x!tpu.dma_semaphore, #tpu.memory_space<semaphore_mem>>) attributes {dimension_semantics = [#tpu.dimension_semantics<arbitrary>], iteration_bounds = array<i64: 5>, scalar_prefetch = 0 : i64, scratch_operands = 3 : i64, tpu.core_type = #tpu.core_type<tc>, window_params = [{}, {transform_indices = @transform_1, window_bounds = array<i64: 2048, 16>}, {transform_indices = @transform_2, window_bounds = array<i64: 2048>}, {pipeline_mode = #tpu.pipeline_mode<synchronous>, transform_indices = @transform_3, window_bounds = array<i64: 1, 16>}, {pipeline_mode = #tpu.pipeline_mode<synchronous>, transform_indices = @transform_4, window_bounds = array<i64: 100, 1>}, {pipeline_mode = #tpu.pipeline_mode<synchronous>, transform_indices = @transform_5, window_bounds = array<i64: 100, 1>}, {pipeline_mode = #tpu.pipeline_mode<synchronous>, transform_indices = @transform_6, window_bounds = array<i64: 16, 10>}, {pipeline_mode = #tpu.pipeline_mode<synchronous>, transform_indices = @transform_7, window_bounds = array<i64: 1, 10>}, {pipeline_mode = #tpu.pipeline_mode<synchronous>, transform_indices = @transform_8, window_bounds = array<i64: 100, 10>}]} {
    %rem3A = arith.constant 2 : i32
    %rem3A_0 = arith.remsi %arg0, %rem3A : i32
    %eq3A = arith.constant 0 : i32
    %eq3A_1 = arith.cmpi eq, %arg0, %eq3A : i32
    %convert_element_type3A = arith.extui %eq3A_1 : i1 to i32
    %cond3A = arith.constant 0 : i32
    %cond3A_2 = arith.cmpi ne, %convert_element_type3A, %cond3A : i32
    scf.if %cond3A_2 {
      %broadcast_in_dim3A_81 = arith.constant 0.000000e+00 : f32
      %broadcast_in_dim3A_82 = vector.broadcast %broadcast_in_dim3A_81 : f32 to vector<100x16xf32>
      %swap3A_83 = arith.constant 0 : index
      %swap3A_84 = arith.constant 0 : index
      %swap3A_85 = vector.load %arg10[%swap3A_83, %swap3A_84] : memref<100x16xf32, #tpu.memory_space<vmem>>, vector<100x16xf32>
      tpu.vector_store %arg10[%swap3A_83, %swap3A_84], %broadcast_in_dim3A_82 {strides = array<i32>} : memref<100x16xf32, #tpu.memory_space<vmem>>, vector<100x16xf32>,
      %dma_start3A = arith.constant 0 : i32
      %dma_start3A_86 = arith.constant 0 : i32
      %dma_start3A_87 = tpu.memref_slice %arg12[%dma_start3A_86] : memref<2x!tpu.dma_semaphore, #tpu.memory_space<semaphore_mem>> -> memref<1x!tpu.dma_semaphore, #tpu.memory_space<semaphore_mem>>
      %dma_start3A_88 = tpu.memref_squeeze %dma_start3A_87 : memref<1x!tpu.dma_semaphore, #tpu.memory_space<semaphore_mem>> -> memref<!tpu.dma_semaphore, #tpu.memory_space<semaphore_mem>>
      %dma_start3A_89 = arith.constant 0 : i32
      %dma_start3A_90 = arith.constant 0 : i32
      %dma_start3A_91 = arith.constant 0 : i32
      %dma_start3A_92 = tpu.memref_slice %arg11[%dma_start3A, %dma_start3A_89, %dma_start3A_90, %dma_start3A_91] : memref<2x2x2048x16xf32, #tpu.memory_space<vmem>> -> memref<1x2x2048x16xf32, #tpu.memory_space<vmem>>
      %dma_start3A_93 = tpu.memref_squeeze %dma_start3A_92 : memref<1x2x2048x16xf32, #tpu.memory_space<vmem>> -> memref<2x2048x16xf32, #tpu.memory_space<vmem>>
      %dma_start3A_94 = arith.constant 0 : i32
      %dma_start3A_95 = arith.constant 0 : i32
      %dma_start3A_96 = arith.constant 0 : i32
      %dma_start3A_97 = tpu.memref_slice %arg1[%dma_start3A_94, %dma_start3A_95, %dma_start3A_96] : memref<2x10240x16xf32, #tpu.memory_space<any>> -> memref<2x2048x16xf32, #tpu.memory_space<any>>
      tpu.enqueue_dma source(%dma_start3A_97 : memref<2x2048x16xf32, #tpu.memory_space<any>>) target(%dma_start3A_93 : memref<2x2048x16xf32, #tpu.memory_space<vmem>>) target_semaphore(%dma_start3A_88 : memref<!tpu.dma_semaphore, #tpu.memory_space<semaphore_mem>>)
    } else {
    }
    %add3A = arith.constant 1 : i32
    %add3A_3 = arith.addi %arg0, %add3A : i32
    %lt3A = arith.constant 5 : i32
    %lt3A_4 = arith.cmpi slt, %add3A_3, %lt3A : i32
    %convert_element_type3A_5 = arith.extui %lt3A_4 : i1 to i32
    %cond3A_6 = arith.constant 0 : i32
    %cond3A_7 = arith.cmpi ne, %convert_element_type3A_5, %cond3A_6 : i32
    scf.if %cond3A_7 {
      %add3A_81 = arith.constant 1 : i32
      %add3A_82 = arith.addi %arg0, %add3A_81 : i32
      %sub3A = arith.constant 1 : i32
      %sub3A_83 = arith.subi %sub3A, %rem3A_0 : i32
      %mul3A_84 = arith.constant 2048 : i32
      %mul3A_85 = arith.muli %add3A_82, %mul3A_84 : i32
      %dma_start3A = tpu.memref_slice %arg12[%sub3A_83] : memref<2x!tpu.dma_semaphore, #tpu.memory_space<semaphore_mem>> -> memref<1x!tpu.dma_semaphore, #tpu.memory_space<semaphore_mem>>
      %dma_start3A_86 = tpu.memref_squeeze %dma_start3A : memref<1x!tpu.dma_semaphore, #tpu.memory_space<semaphore_mem>> -> memref<!tpu.dma_semaphore, #tpu.memory_space<semaphore_mem>>
      %dma_start3A_87 = arith.constant 0 : i32
      %dma_start3A_88 = arith.constant 0 : i32
      %dma_start3A_89 = arith.constant 0 : i32
      %dma_start3A_90 = tpu.memref_slice %arg11[%sub3A_83, %dma_start3A_87, %dma_start3A_88, %dma_start3A_89] : memref<2x2x2048x16xf32, #tpu.memory_space<vmem>> -> memref<1x2x2048x16xf32, #tpu.memory_space<vmem>>
      %dma_start3A_91 = tpu.memref_squeeze %dma_start3A_90 : memref<1x2x2048x16xf32, #tpu.memory_space<vmem>> -> memref<2x2048x16xf32, #tpu.memory_space<vmem>>
      %dma_start3A_92 = arith.constant 0 : i32
      %dma_start3A_93 = arith.constant 0 : i32
      %dma_start3A_94 = tpu.memref_slice %arg1[%dma_start3A_92, %mul3A_85, %dma_start3A_93] : memref<2x10240x16xf32, #tpu.memory_space<any>> -> memref<2x2048x16xf32, #tpu.memory_space<any>>
      tpu.enqueue_dma source(%dma_start3A_94 : memref<2x2048x16xf32, #tpu.memory_space<any>>) target(%dma_start3A_91 : memref<2x2048x16xf32, #tpu.memory_space<vmem>>) target_semaphore(%dma_start3A_86 : memref<!tpu.dma_semaphore, #tpu.memory_space<semaphore_mem>>)
    } else {
    }
    %mul3A = arith.constant 2048 : i32
    %mul3A_8 = arith.muli %arg0, %mul3A : i32
    %dma_wait3A = tpu.memref_slice %arg12[%rem3A_0] : memref<2x!tpu.dma_semaphore, #tpu.memory_space<semaphore_mem>> -> memref<1x!tpu.dma_semaphore, #tpu.memory_space<semaphore_mem>>
    %dma_wait3A_9 = tpu.memref_squeeze %dma_wait3A : memref<1x!tpu.dma_semaphore, #tpu.memory_space<semaphore_mem>> -> memref<!tpu.dma_semaphore, #tpu.memory_space<semaphore_mem>>
    %dma_wait3A_10 = arith.constant 0 : i32
    %dma_wait3A_11 = arith.constant 0 : i32
    %dma_wait3A_12 = arith.constant 0 : i32
    %dma_wait3A_13 = tpu.memref_slice %arg11[%rem3A_0, %dma_wait3A_10, %dma_wait3A_11, %dma_wait3A_12] : memref<2x2x2048x16xf32, #tpu.memory_space<vmem>> -> memref<1x2x2048x16xf32, #tpu.memory_space<vmem>>
    %dma_wait3A_14 = tpu.memref_squeeze %dma_wait3A_13 : memref<1x2x2048x16xf32, #tpu.memory_space<vmem>> -> memref<2x2048x16xf32, #tpu.memory_space<vmem>>
    %dma_wait3A_15 = arith.constant 0 : i32
    %dma_wait3A_16 = arith.constant 0 : i32
    %dma_wait3A_17 = tpu.memref_slice %arg1[%dma_wait3A_15, %mul3A_8, %dma_wait3A_16] : memref<2x10240x16xf32, #tpu.memory_space<any>> -> memref<2x2048x16xf32, #tpu.memory_space<any>>
    tpu.wait_dma2 semaphore(%dma_wait3A_9 : memref<!tpu.dma_semaphore, #tpu.memory_space<semaphore_mem>>) src(%dma_wait3A_17 : memref<2x2048x16xf32, #tpu.memory_space<any>>) dst(%dma_wait3A_14 : memref<2x2048x16xf32, #tpu.memory_space<vmem>>)
    %get3A = arith.index_cast %rem3A_0 : i32 to index
    %get3A_18 = arith.constant 0 : index
    %get3A_19 = arith.constant 0 : index
    %get3A_20 = arith.constant 0 : index
    %get3A_21 = vector.load %arg11[%get3A, %get3A_18, %get3A_19, %get3A_20] : memref<2x2x2048x16xf32, #tpu.memory_space<vmem>>, vector<1x2x2048x16xf32>
    %get3A_22 = vector.shape_cast %get3A_21 : vector<1x2x2048x16xf32> to vector<2x2048x16xf32>
    %get3A_23 = arith.constant 0 : index
    %get3A_24 = vector.load %arg3[%get3A_23] : memref<2048xf32, #tpu.memory_space<vmem>>, vector<2048xf32>
    %broadcast_in_dim3A = vector.shape_cast %get3A_24 : vector<2048xf32> to vector<2048x1xf32>
    %slice3A = vector.extract_strided_slice %get3A_22 {offsets = [0, 0, 0], sizes = [1, 2048, 16], strides = [1, 1, 1]} : vector<2x2048x16xf32> to vector<1x2048x16xf32>
    %squeeze3A = vector.shape_cast %slice3A : vector<1x2048x16xf32> to vector<2048x16xf32>
    %slice3A_25 = vector.extract_strided_slice %get3A_22 {offsets = [1, 0, 0], sizes = [1, 2048, 16], strides = [1, 1, 1]} : vector<2x2048x16xf32> to vector<1x2048x16xf32>
    %squeeze3A_26 = vector.shape_cast %slice3A_25 : vector<1x2048x16xf32> to vector<2048x16xf32>
    %add3A_27 = arith.addf %squeeze3A, %squeeze3A_26 : vector<2048x16xf32>
    %get3A_28 = arith.constant 0 : index
    %get3A_29 = arith.constant 0 : index
    %get3A_30 = vector.load %arg2[%get3A_28, %get3A_29] : memref<2048x16xf32, #tpu.memory_space<vmem>>, vector<2048x16xf32>
    %add3A_31 = arith.addf %add3A_27, %get3A_30 : vector<2048x16xf32>
    %mul3A_32 = vector.broadcast %broadcast_in_dim3A : vector<2048x1xf32> to vector<2048x16xf32>
    %mul3A_33 = arith.mulf %mul3A_32, %add3A_31 : vector<2048x16xf32>
    %get3A_34 = arith.constant 0 : index
    %get3A_35 = arith.constant 0 : index
    %get3A_36 = vector.load %arg4[%get3A_34, %get3A_35] : memref<1x16xf32, #tpu.memory_space<vmem>>, vector<1x16xf32>
    %add3A_37 = vector.broadcast %get3A_36 : vector<1x16xf32> to vector<2048x16xf32>
    %add3A_38 = arith.addf %mul3A_33, %add3A_37 : vector<2048x16xf32>
    %max3A = arith.constant 0.000000e+00 : f32
    %max3A_39 = vector.broadcast %max3A : f32 to vector<2048x16xf32>
    %max3A_40 = arith.maximumf %add3A_38, %max3A_39 : vector<2048x16xf32>
    %mul3A_41 = arith.constant 2048 : i32
    %mul3A_42 = arith.muli %arg0, %mul3A_41 : i32
    %iota3A = tpu.iota {dimensions = array<i32: 0>} : vector<2048x1xi32>
    %add3A_43 = vector.broadcast %mul3A_42 : i32 to vector<2048x1xi32>
    %add3A_44 = arith.addi %add3A_43, %iota3A : vector<2048x1xi32>
    %lt3A_45 = arith.constant 10000 : i32
    %lt3A_46 = vector.broadcast %lt3A_45 : i32 to vector<2048x1xi32>
    %lt3A_47 = arith.cmpi slt, %add3A_44, %lt3A_46 : vector<2048x1xi32>
    %jit3A = arith.constant 0.000000e+00 : f32
    %broadcast_in_dim3A_48 = vector.shape_cast %lt3A_47 : vector<2048x1xi1> to vector<2048x1xi1>
    %broadcast_in_dim3A_49 = vector.broadcast %broadcast_in_dim3A_48 : vector<2048x1xi1> to vector<2048x16xi1>
    %broadcast_in_dim3A_50 = vector.broadcast %jit3A : f32 to vector<2048x16xf32>
    %select_n3A = arith.select %broadcast_in_dim3A_49, %max3A_40, %broadcast_in_dim3A_50 : vector<2048x16xi1>, vector<2048x16xf32>
    %mul3A_51 = arith.constant 2048 : i32
    %mul3A_52 = arith.muli %arg0, %mul3A_51 : i32
    %iota3A_53 = tpu.iota {dimensions = array<i32: 1>} : vector<1x2048xi32>
    %add3A_54 = vector.broadcast %mul3A_52 : i32 to vector<1x2048xi32>
    %add3A_55 = arith.addi %add3A_54, %iota3A_53 : vector<1x2048xi32>
    %get3A_56 = arith.constant 0 : index
    %get3A_57 = arith.constant 0 : index
    %get3A_58 = vector.load %arg6[%get3A_56, %get3A_57] : memref<100x1xi32, #tpu.memory_space<vmem>>, vector<100x1xi32>
    %le3A = vector.broadcast %get3A_58 : vector<100x1xi32> to vector<100x2048xi32>
    %le3A_59 = vector.broadcast %add3A_55 : vector<1x2048xi32> to vector<100x2048xi32>
    %le3A_60 = arith.cmpi sle, %le3A, %le3A_59 : vector<100x2048xi32>
    %get3A_61 = arith.constant 0 : index
    %get3A_62 = arith.constant 0 : index
    %get3A_63 = vector.load %arg5[%get3A_61, %get3A_62] : memref<100x1xi32, #tpu.memory_space<vmem>>, vector<100x1xi32>
    %lt3A_64 = vector.broadcast %add3A_55 : vector<1x2048xi32> to vector<100x2048xi32>
    %lt3A_65 = vector.broadcast %get3A_63 : vector<100x1xi32> to vector<100x2048xi32>
    %lt3A_66 = arith.cmpi slt, %lt3A_64, %lt3A_65 : vector<100x2048xi32>
    %and3A = arith.andi %le3A_60, %lt3A_66 : vector<100x2048xi1>
    %convert_element_type3A_67 = arith.extui %and3A : vector<100x2048xi1> to vector<100x2048xi32>
    %convert_element_type3A_68 = arith.sitofp %convert_element_type3A_67 : vector<100x2048xi32> to vector<100x2048xf32>
    %get3A_69 = arith.constant 0 : index
    %get3A_70 = arith.constant 0 : index
    %get3A_71 = vector.load %arg10[%get3A_69, %get3A_70] : memref<100x16xf32, #tpu.memory_space<vmem>>, vector<100x16xf32>
    %dot_general3A = arith.constant dense<0.000000e+00> : vector<100x16xf32>
    %dot_general3A_72 = tpu.matmul %convert_element_type3A_68, %select_n3A, %dot_general3A {dimension_numbers = #tpu.dot_dimension_numbers<[1], [0], [0], [1], [0, 0, 1, 1], [], []>, precision = #tpu.contract_precision<fp32>, transpose_lhs_hint = false} : vector<100x2048xf32>, vector<2048x16xf32>, vector<100x16xf32> -> vector<100x16xf32>
    %add3A_73 = arith.addf %get3A_71, %dot_general3A_72 : vector<100x16xf32>
    %swap3A = arith.constant 0 : index
    %swap3A_74 = arith.constant 0 : index
    %swap3A_75 = vector.load %arg10[%swap3A, %swap3A_74] : memref<100x16xf32, #tpu.memory_space<vmem>>, vector<100x16xf32>
    tpu.vector_store %arg10[%swap3A, %swap3A_74], %add3A_73 {strides = array<i32>} : memref<100x16xf32, #tpu.memory_space<vmem>>, vector<100x16xf32>,
    %eq3A_76 = arith.constant 4 : i32
    %eq3A_77 = arith.cmpi eq, %arg0, %eq3A_76 : i32
    %convert_element_type3A_78 = arith.extui %eq3A_77 : i1 to i32
    %cond3A_79 = arith.constant 0 : i32
    %cond3A_80 = arith.cmpi ne, %convert_element_type3A_78, %cond3A_79 : i32
    scf.if %cond3A_80 {
      %get3A_81 = arith.constant 0 : index
      %get3A_82 = arith.constant 0 : index
      %get3A_83 = vector.load %arg5[%get3A_81, %get3A_82] : memref<100x1xi32, #tpu.memory_space<vmem>>, vector<100x1xi32>
      %get3A_84 = arith.constant 0 : index
      %get3A_85 = arith.constant 0 : index
      %get3A_86 = vector.load %arg6[%get3A_84, %get3A_85] : memref<100x1xi32, #tpu.memory_space<vmem>>, vector<100x1xi32>
      %sub3A = arith.subi %get3A_83, %get3A_86 : vector<100x1xi32>
      %max3A_87 = arith.constant 1 : i32
      %max3A_88 = vector.broadcast %max3A_87 : i32 to vector<100x1xi32>
      %max3A_89 = arith.maxsi %sub3A, %max3A_88 : vector<100x1xi32>
      %convert_element_type3A_90 = arith.sitofp %max3A_89 : vector<100x1xi32> to vector<100x1xf32>
      %get3A_91 = arith.constant 0 : index
      %get3A_92 = arith.constant 0 : index
      %get3A_93 = vector.load %arg10[%get3A_91, %get3A_92] : memref<100x16xf32, #tpu.memory_space<vmem>>, vector<100x16xf32>
      %div3A = vector.broadcast %convert_element_type3A_90 : vector<100x1xf32> to vector<100x16xf32>
      %div3A_94 = arith.divf %get3A_93, %div3A : vector<100x16xf32>
      %get3A_95 = arith.constant 0 : index
      %get3A_96 = arith.constant 0 : index
      %get3A_97 = vector.load %arg7[%get3A_95, %get3A_96] : memref<16x10xf32, #tpu.memory_space<vmem>>, vector<16x10xf32>
      %dot_general3A_98 = arith.constant dense<0.000000e+00> : vector<100x10xf32>
      %dot_general3A_99 = tpu.matmul %div3A_94, %get3A_97, %dot_general3A_98 {dimension_numbers = #tpu.dot_dimension_numbers<[1], [0], [0], [1], [0, 0, 1, 1], [], []>, transpose_lhs_hint = false} : vector<100x16xf32>, vector<16x10xf32>, vector<100x10xf32> -> vector<100x10xf32>
      %get3A_100 = arith.constant 0 : index
      %get3A_101 = arith.constant 0 : index
      %get3A_102 = vector.load %arg8[%get3A_100, %get3A_101] : memref<1x10xf32, #tpu.memory_space<vmem>>, vector<1x10xf32>
      %add3A_103 = vector.broadcast %get3A_102 : vector<1x10xf32> to vector<100x10xf32>
      %add3A_104 = arith.addf %dot_general3A_99, %add3A_103 : vector<100x10xf32>
      %reduce_max3A = arith.constant dense<0xFF800000> : vector<100xf32>
      %reduce_max3A_105 = vector.multi_reduction <maximumf>, %add3A_104, %reduce_max3A [1] : vector<100x10xf32> to vector<100xf32>
      %broadcast_in_dim3A_106 = vector.shape_cast %reduce_max3A_105 : vector<100xf32> to vector<100x1xf32>
      %sub3A_107 = vector.broadcast %broadcast_in_dim3A_106 : vector<100x1xf32> to vector<100x10xf32>
      %sub3A_108 = arith.subf %add3A_104, %sub3A_107 : vector<100x10xf32>
      %exp3A = math.exp %sub3A_108 : vector<100x10xf32>
      %reduce_sum3A = arith.constant dense<0.000000e+00> : vector<100xf32>
      %reduce_sum3A_109 = vector.multi_reduction <add>, %exp3A, %reduce_sum3A [1] : vector<100x10xf32> to vector<100xf32>
      %broadcast_in_dim3A_110 = vector.shape_cast %reduce_sum3A_109 : vector<100xf32> to vector<100x1xf32>
      %log3A = math.log %broadcast_in_dim3A_110 : vector<100x1xf32>
      %add3A_111 = arith.addf %broadcast_in_dim3A_106, %log3A : vector<100x1xf32>
      %sub3A_112 = vector.broadcast %add3A_111 : vector<100x1xf32> to vector<100x10xf32>
      %sub3A_113 = arith.subf %add3A_104, %sub3A_112 : vector<100x10xf32>
      %swap3A_114 = arith.constant 0 : index
      %swap3A_115 = arith.constant 0 : index
      %swap3A_116 = vector.load %arg9[%swap3A_114, %swap3A_115] : memref<100x10xf32, #tpu.memory_space<vmem>>, vector<100x10xf32>
      tpu.vector_store %arg9[%swap3A_114, %swap3A_115], %sub3A_113 {strides = array<i32>} : memref<100x10xf32, #tpu.memory_space<vmem>>, vector<100x10xf32>,
    } else {
    }
    return
  }
  func.func @transform_1(%arg0: i32) -> (i32, i32) {
    %c0_i32 = arith.constant 0 : i32
    %c0_i32_0 = arith.constant 0 : i32
    return %arg0, %c0_i32 : i32, i32
  }
  func.func @transform_2(%arg0: i32) -> i32 {
    %c0_i32 = arith.constant 0 : i32
    return %arg0 : i32
  }
  func.func @transform_3(%arg0: i32) -> (i32, i32) {
    %c0_i32 = arith.constant 0 : i32
    %c0_i32_0 = arith.constant 0 : i32
    %c0_i32_1 = arith.constant 0 : i32
    return %c0_i32, %c0_i32_0 : i32, i32
  }
  func.func @transform_4(%arg0: i32) -> (i32, i32) {
    %c0_i32 = arith.constant 0 : i32
    %c0_i32_0 = arith.constant 0 : i32
    %c0_i32_1 = arith.constant 0 : i32
    return %c0_i32, %c0_i32_0 : i32, i32
  }
  func.func @transform_5(%arg0: i32) -> (i32, i32) {
    %c0_i32 = arith.constant 0 : i32
    %c0_i32_0 = arith.constant 0 : i32
    %c0_i32_1 = arith.constant 0 : i32
    return %c0_i32, %c0_i32_0 : i32, i32
  }
  func.func @transform_6(%arg0: i32) -> (i32, i32) {
    %c0_i32 = arith.constant 0 : i32
    %c0_i32_0 = arith.constant 0 : i32
    %c0_i32_1 = arith.constant 0 : i32
    return %c0_i32, %c0_i32_0 : i32, i32
  }
  func.func @transform_7(%arg0: i32) -> (i32, i32) {
    %c0_i32 = arith.constant 0 : i32
    %c0_i32_0 = arith.constant 0 : i32
    %c0_i32_1 = arith.constant 0 : i32
    return %c0_i32, %c0_i32_0 : i32, i32
  }
  func.func @transform_8(%arg0: i32) -> (i32, i32) {
    %c0_i32 = arith.constant 0 : i32
    %c0_i32_0 = arith.constant 0 : i32
    %c0_i32_1 = arith.constant 0 : i32
    return %c0_i32, %c0_i32_0 : i32, i32
  }
}

</mosaic_0001>

<sc_bundles>
// kernel: kernel.11.cloned.1.call-start
scs
__scs_entry_jumppad:
0x0: {  	(pc) =	sbr.rel $0x88, $3  }
0x1: {  	(tag) =	ssettag $0x0;
	lr =	simm.s32 $0x1  }
0x2: {  	[smem:$0x3F98] =	sst lr;
	_ =	strace $0xD0000000  }
0x3: {  	_ = 	snop  }
0x4: {  	_ = 	snop  }
0x5: {  	_ = 	snop  }
0x6: {  	_ = 	snop  }
0x7: {  	_ = 	snop  }
__scs_overlays_trampoline_lowered:
0x8: {  	[smem:$0x3FA7] =	sst s0  }
0x9: {  	[smem:$0x3FA8] =	sst s1  }
0xa: {  	[smem:$0x3FA9] =	sst s2  }
0xb: {  	[smem:$0x3FAA] =	sst s3  }
0xc: {  	[smem:$0x3FAB] =	sst s4  }
0xd: {  	[smem:$0x3FAC] =	sst s5  }
0xe: {  	[smem:$0x3FAD] =	sst s6  }
0xf: {  	[smem:$0x3FAE] =	sst s7  }
0x10: {  	[smem:$0x3FAF] =	sst s8  }
0x11: {  	[smem:$0x3FB0] =	sst s9;
	s0 =	simm.s32 @!p0 $0x0  }
0x12: {  	s1 =	sld [smem:$0x3F96];
	s0 =	simm.s32 @p0 $0x1  }
0x13: {  	[smem:$0x3FB1] =	sst s0;
	s0 =	simm.s32 @!p1 $0x0  }
0x14: {  	s2 =	sld [smem:$0x3F95];
	s0 =	simm.s32 @p1 $0x1  }
0x15: {  	[smem:$0x3FB2] =	sst s0;
	s0 =	simm.s32 @!p2 $0x0  }
0x16: {  	s3 =	sld [smem:$0x3FDB];
	s0 =	simm.s32 @p2 $0x1  }
0x17: {  	s4 =	simm.s32 $0x1BF5;
	[smem:$0x3FB4] =	sst s0  }
0x18: {  	s0 =	sld [smem:$0x3F97];
	_ =	swait.ge [sflag:s4], $0x0  }
0x19: {  	s7 =	sld [smem:$0x3F98]  }
0x1a: {  	s8 =	sadd.s32 $0xFFFFE003, lr  }
0x1b: {  	s9 =	sadd.s32 $0xFFFFFEF7, lr;
	s5 =	simm.s32 $0xFFFFFFFF;
	p2 =	slt.u32 s8, $0xFFFFF086  }
0x1c: {  	p1 =	slt.u32 s9, $0xF7A;
	s5 =	simm.s32 @!p2 $0x0  }
0x1d: {  	s5 =	simm.s32 @p1 $0x1;
	p0 =	seq.s32 s7, s2  }
0x1e: {  	s7 =	smul.u32 @!p0 $0xF7A, s2;
	p2 =	seq.s32 @!p0 s5, $0x0  }
0x1f: {  	s9 =	smul.u32 $0xF7A, s1;
	s8 =	simm.s32 @!p0 $0x1BF5;
	p2 =	por !p2, p0  }
0x20: {  	[sflag:s8] =	ssyncset.s32 @!p0 $0xFFFFF086;
	s6 =	sadd.s32 @!p0 s3, s7;
	s7 =	simm.s32 @!p0 $0x108  }
0x21: {  	s3 =	sadd.s32 s3, s9;
	s6 =	sadd.s32 @!p0 $0x88, s6;
	s7 =	simm.s32 @p2 $0x1082  }
0x22: {  	[simem:s7], [sflag:s8] =	dma.local @!p0 [hbm:s6], $0xF7A  }
0x23: {  	s9 =	sor.u32 $0xD0000000, s2;
	s6 =	simm.s32 $0x108;
	_ =	swait.ge @!p0 [sflag:s8], $0x0  }
0x24: {  	s3 =	sadd.s32 $0x88, s3;
	s6 =	simm.s32 @!p1 $0x1082;
	[sflag:s4] =	ssyncset.s32 $0xFFFFF086  }
0x25: {  	[simem:s6], [sflag:s4] =	dma.local [hbm:s3], $0xF7A  }
0x26: {  	[smem:$0x3F98] =	sst s1;
	(tag) =	ssettag s2;
	_ =	strace s9  }
0x27: {  	s1 =	sld [smem:$0x3FA8]  }
0x28: {  	s2 =	sld [smem:$0x3FA9]  }
0x29: {  	s4 =	sld [smem:$0x3FAB]  }
0x2a: {  	p0 =	seq.s32 s5, $0x0;
	s5 =	sld [smem:$0x3FAC]  }
0x2b: {  	s6 =	sld [smem:$0x3FAD]  }
0x2c: {  	s7 =	sld [smem:$0x3FAE]  }
0x2d: {  	s3 =	simm.s32 $0x108;
	s8 =	sld [smem:$0x3FAF]  }
0x2e: {  	s3 =	simm.s32 @!p0 $0x1082;
	s9 =	sld [smem:$0x3FB0]  }
0x2f: {  	lr =	sadd.s32 s0, s3;
	s0 =	sld [smem:$0x3FA7]  }
0x30: {  	s3 =	sld [smem:$0x3FAA]  }
0x31: {  	[smem:$0x3FB3] =	sst s10  }
0x32: {  	s10 =	sld [smem:$0x3FB1];
	_ =	sdelay $0x3  }
0x33: {  	p0 =	seq.s32 s10, $0x1;
	s10 =	sld [smem:$0x3FB3];
	_ =	sdelay $0x3  }
0x34: {  	[smem:$0x3FB3] =	sst s10  }
0x35: {  	s10 =	sld [smem:$0x3FB2];
	_ =	sdelay $0x3  }
0x36: {  	p1 =	seq.s32 s10, $0x1;
	s10 =	sld [smem:$0x3FB3];
	_ =	sdelay $0x3  }
0x37: {  	[smem:$0x3FB3] =	sst s10  }
0x38: {  	s10 =	sld [smem:$0x3FB4]  }
0x39: {  	_ = 	snop;
	(pc) =	sbr.ind lr, $3  }
0x3a: {  	_ = 	snop  }
0x3b: {  	_ = 	snop  }
0x3c: {  	p2 =	seq.s32 s10, $0x1;
	s10 =	sld [smem:$0x3FB3]  }
0x3d: {  	_ =	shalt  }
0x3e: {  	_ =	shalt  }
0x3f: {  	_ =	shalt  }
0x40: {  	_ =	shalt  }
0x41: {  	_ =	shalt  }
0x42: {  	_ =	shalt  }
0x43: {  	_ =	shalt  }
0x44: {  	_ =	shalt  }
0x45: {  	_ =	shalt  }
0x46: {  	_ =	shalt  }
0x47: {  	_ =	shalt  }
0x48: {  	_ =	shalt  }
0x49: {  	_ =	shalt  }
0x4a: {  	_ =	shalt  }
0x4b: {  	_ =	shalt  }
0x4c: {  	_ =	shalt  }
0x4d: {  	_ =	shalt  }
0x4e: {  	_ =	shalt  }
0x4f: {  	_ =	shalt  }
0x50: {  	_ =	shalt  }
0x51: {  	_ =	shalt  }
0x52: {  	_ =	shalt  }
0x53: {  	_ =	shalt  }
0x54: {  	_ =	shalt  }
0x55: {  	_ =	shalt  }
0x56: {  	_ =	shalt  }
0x57: {  	_ =	shalt  }
0x58: {  	_ =	shalt  }
0x59: {  	_ =	shalt  }
0x5a: {  	_ =	shalt  }
0x5b: {  	_ =	shalt  }
0x5c: {  	_ =	shalt  }
0x5d: {  	_ =	shalt  }
0x5e: {  	_ =	shalt  }
0x5f: {  	_ =	shalt  }
0x60: {  	_ =	shalt  }
0x61: {  	_ =	shalt  }
0x62: {  	_ =	shalt  }
0x63: {  	_ =	shalt  }
0x64: {  	_ =	shalt  }
0x65: {  	_ =	shalt  }
0x66: {  	_ =	shalt  }
0x67: {  	_ =	shalt  }
0x68: {  	_ =	shalt  }
0x69: {  	_ =	shalt  }
0x6a: {  	_ =	shalt  }
0x6b: {  	_ =	shalt  }
0x6c: {  	_ =	shalt  }
0x6d: {  	_ =	shalt  }
0x6e: {  	_ =	shalt  }
0x6f: {  	_ =	shalt  }
0x70: {  	_ =	shalt  }
0x71: {  	_ =	shalt  }
0x72: {  	_ =	shalt  }
0x73: {  	_ =	shalt  }
0x74: {  	_ =	shalt  }
0x75: {  	_ =	shalt  }
0x76: {  	_ =	shalt  }
0x77: {  	_ =	shalt  }
0x78: {  	_ =	shalt  }
0x79: {  	_ =	shalt  }
0x7a: {  	_ =	shalt  }
0x7b: {  	_ =	shalt  }
0x7c: {  	_ =	shalt  }
0x7d: {  	_ =	shalt  }
0x7e: {  	_ =	shalt  }
0x7f: {  	_ =	shalt  }
0x80: {  	_ =	shalt  }
0x81: {  	_ =	shalt  }
0x82: {  	_ =	shalt  }
0x83: {  	_ =	shalt  }
0x84: {  	_ =	shalt  }
0x85: {  	_ =	shalt  }
0x86: {  	_ =	shalt  }
0x87: {  	_ =	shalt  }
.Lfunc_end0:
.L_simem_size_0:
called_computation.1_lowered:
.L_overlay_start_0:
0x88: {  	s2 =	sld [smem:$0x3FD9]  }
0x89: {  	s3 =	sld [smem:$0x3FFE];
	_ =	sdelay $0x1  }
0x8a: {  	s1 =	srdreg.scid  }
0x8b: {  	s0 =	sand.u32 $0x1, s1  }
0x8c: {  	s16 =	sshll.u32 s0, $0xA;
	s2 =	sadd.s32 s3, s2  }
0x8d: {  	s2 =	sadd.s32 s2, s16  }
0x8e: {  	[smem:$0x3FBF] =	sst s2  }
0x8f: {  	_ = 	snop  }
0x90: {  	(tm) =	ssettm $0x1  }
0x91: {  	s17 =	sld [smem:$0x3FFB];
	_ =	sdelay $0x3  }
0x92: {  	_ =	strace s17  }
0x93: {  	s2 =	sld [smem:$0x3FFC];
	_ =	sdelay $0x3  }
0x94: {  	_ =	strace s2  }
0x95: {  	s2 =	sld [smem:$0x3FFD];
	_ =	sdelay $0x3  }
0x96: {  	_ =	strace s2  }
0x97: {  	_ =	strace $0x8FFFFFFF  }
0x98: {  	s18 =	sld [smem:$0x3FDB];
	_ =	sdelay $0x1  }
0x99: {  	s19 =	simm.s32 $_scs_section_size  }
0x9a: {  	s4 =	simm.s32 $_size__tile_overlayer_lowered;
	s5 =	simm.s32 $_tile_overlayer_lowered  }
0x9b: {  	s22 =	simm.s32 $0x1BFF;
	s21 =	sshll.u32 s5, $0x1;
	s2 =	sadd.s32 s19, s18  }
0x9c: {  	s6 =	simm.s32 $0x0;
	s20 =	sshll.u32 s4, $0x1;
	s4 =	sadd.s32 s21, s2  }
0x9d: {  	[timem:s6], [sflag:s22] =	dma.local [hbm:s4], s20  }
0x9e: {  	_ =	swait.ge [sflag:s22], s20  }
0x9f: {  	s3 =	ssub.s32 $0x0, s20;
	[sflag:s22] =	ssyncset.done $0x0  }
0xa0: {  	[sflag:s22] =	ssyncadd.s32 s3;
	_ =	sdelay $0x1  }
0xa1: {  	s23 =	simm.s32 $0x1B8B  }
0xa2: {  	_ =	swait.ge [sflag:s23], $0x1  }
0xa3: {  	[sflag:s23] =	ssyncset.done $0x0  }
0xa4: {  	s25 =	simm.s32 $0x1B8E;
	s24 =	sld [smem:$0x3FFE];
	[sflag:s23] =	ssyncadd.s32 $0xFFFFFFFF  }
0xa5: {  	s26 =	simm.s32 $execute0_lowered;
	[smem:$0x3FD2] =	sst s25  }
0xa6: {  	s4 =	sshll.u32 s26, $0x1;
	_ =	strace $0x80000049;
	[dreg:$0x1] =	wrdreg $0xFFFFFFFF  }
0xa7: {  	s28 =	simm.s32 $_size_execute0_lowered;
	s2 =	sadd.s32 s2, s4;
	[dreg:$0x0] =	wrdreg $0x0  }
0xa8: {  	s4 =	sshll.u32 s28, $0x1;
	[dreg:$0x2] =	wrdreg s2  }
0xa9: {  	[dreg:$0x3] =	wrdreg s4  }
0xaa: {  	[dreg:$0x4] =	wrdreg $0xC0  }
0xab: {  	_ =	task [dreg:s6], $0x5FFFF  }
0xac: {  	[dreg:$0x1] =	wrdreg $0xFFFFFFFF  }
0xad: {  	[dreg:$0x0] =	wrdreg $0x60  }
0xae: {  	[dreg:$0x2] =	wrdreg s24  }
0xaf: {  	[dreg:$0x3] =	wrdreg $0x120000  }
0xb0: {  	[dreg:$0x4] =	wrdreg $0x9  }
0xb1: {  	_ =	task.clear_ibuf [dreg:s6], $0x5FFFF;
	_ =	strace $0x90000049  }
0xb2: {  	s29 =	simm.s32 $0x9;
	_ =	strace $0x8000004B  }
0xb3: {  	_ =	swait.ge [sflag:s29], $0x1  }
0xb4: {  	[sflag:s29] =	ssyncadd.s32 $0xFFFFFFFF  }
0xb5: {  	_ =	strace $0x9000004B  }
0xb6: {  	_ =	sfence  }
0xb7: {  	s30 =	sld [smem:$0x0];
	_ =	sdelay $0x2  }
0xb8: {  	s31 =	sshll.u32 s1, $0xD;
	s1 =	sshrl.u32 s1, $0x2  }
0xb9: {  	s3 =	sand.u32 $0x4000, s31;
	s1 =	sadd.s32 s1, s30  }
0xba: {  	s0 =	sor.u32 s3, s0;
	s1 =	sshll.u32 s1, $0x11  }
0xbb: {  	s0 =	sor.u32 s1, s0  }
0xbc: {  	s0 =	sadd.s32 $0x8F2B, s0  }
0xbd: {  	[sflag:s0] =	ssyncadd.remote.s32 $0x1  }
0xbe: {  	_ =	sfence.sel $0xFFFF  }
0xbf: {  	[dreg:$0x0] =	wrdreg $0xFFFFFFFF;
	(pc) =	sbr.abs _section_cstart, $3  }
0xc0: {  	[dreg:$0x1] =	wrdreg $0xFFFFFFFF  }
0xc1: {  	_ =	task.clear_ibuf [dreg:s6], $0x2FFFF;
	_ =	strace $0x9FFFFFFF  }
0xc2: {  	(tm) =	ssettm $0x7FFFFFFF  }
0xc3: {  	_ =	shalt  }
tec
execute0_lowered:
.L_overlay_start_1:
0x0: {  	(tag) =	ssettag $0x1  }
0x1: {  	s0 =	srdreg.scid  }
0x2: {  	s4 =	stileid.u32;
	s3 =	rddreg [dreg:$0x0]  }
0x3: {  	s2 =	rddreg [dreg:$0x1];
	s11 =	simm.s32 $0x0;
	s12 =	simm.s32 $0xD000  }
0x4: {  	s14 =	simm.s32 $0x80;
	s15 =	simm.s32 $0x5000;
	s16 =	simm.s32 $0x6000  }
0x5: {  	s18 =	simm.s32 $0x7000;
	s20 =	simm.s32 $0x8000;
	s22 =	simm.s32 $0x9000  }
0x6: {  	s24 =	simm.s32 $0xA000;
	s29 =	simm.s32 $0xC000;
	s30 =	simm.s32 $0x1  }
0x7: {  	s31 =	simm.s32 $0x2;
	s13 =	simm.s32 $0x5;
	s17 =	simm.s32 $0x6  }
0x8: {  	s19 =	simm.s32 $0x7;
	s21 =	simm.s32 $0x8;
	s23 =	simm.s32 $0x9  }
0x9: {  	s28 =	simm.s32 $0xB;
	s9 =	simm.s32 $0xF;
	s0 =	sand.u32 $0x1, s0  }
0xa: {  	s5 =	smul.u32 $0x5000, s4;
	[smem:$0x7FF] =	sst s11;
	s1 =	sshll.u32 s0, $0x4  }
0xb: {  	s6 =	smul.u32 $0x50000, s0;
	_ =	strace $0x8000004A;
	s0 =	ssub.s32 $0x2, s0  }
0xc: {  	s1 =	sor.u32 s4, s1;
	s4 =	sadd.s32 $0x16200, s3;
	s7 =	sshrl.u32 s5, $0x3  }
0xd: {  	s8 =	sshrl.u32 s0, $0x1;
	s1 =	smul.u32 $0x500, s1;
	s6 =	sadd.s32 s5, s6  }
0xe: {  	s7 =	sadd.s32 s7, s3;
	s0 =	ssub.s32 s0, s8;
	s5 =	sadd.s32 s5, s2  }
0xf: {  	s6 =	sshrl.u32 s6, $0x3;
	s25 =	sadd.s32 $0x20000, s7;
	[dreg:$0x4] =	wrdreg s5  }
0x10: {  	s0 =	smax.u32 s0, $0x1;
	s1 =	sadd.s32 s1, s3;
	[dreg:$0x3] =	wrdreg s25  }
0x11: {  	s3 =	sadd.s32 s6, s3;
	[dreg:$0x8] =	wrdreg s0;
	s6 =	simm.s32 $0x0  }
0x12: {  	s10 =	simm.s32 $0x10;
	s26 =	sadd.s32 $0xC200, s1;
	[dreg:$0x9] =	wrdreg s6  }
0x13: {  	s8 =	simm.s32 $0xE;
	s1 =	sadd.s32 $0x2200, s1;
	[dreg:$0x5] =	wrdreg s26  }
0x14: {  	s7 =	simm.s32 $0xD;
	s5 =	sadd.s32 $0x2A000, s3;
	[dreg:$0x6] =	wrdreg s1  }
0x15: {  	s0 =	simm.s32 $0x4;
	s25 =	simm.s32 $0xA;
	[dreg:$0x7] =	wrdreg s5  }
0x16: {  	s26 =	simm.s32 $0xB000;
	s1 =	simm.s32 $0x3;
	s5 =	simm.s32 $0xC  }
.LBB2_1:
0x17: {  	s6 =	simm.s32 $0x11;
	s3 =	rddreg [dreg:$0x3]  }
0x18: {  	[tilespmem:s12], [sflag:$0x11] =	stream.linear.gather [hbm4b:s3+s11], $0x5000, $0x38;
	[tilespmem:$0x17000] =	vst v63  }
0x19: {  	_ =	swait.ge [sflag:s6], $0x5000  }
0x1a: {  	[sflag:s6] =	ssyncset.done $0x0  }
0x1b: {  	s3 =	rddreg [dreg:$0x4];
	[sflag:s6] =	ssyncadd.s32 $0xFFFFB000  }
0x1c: {  	[spmem:s3] =	stream.linear.scatter [tilespmem:s12], [sflag:$0x11], $0x5000, $0x38;
	[tilespmem:$0x17000] =	vst v63  }
0x1d: {  	_ =	swait.ge [sflag:s6], $0x5000  }
0x1e: {  	[sflag:s6] =	ssyncset.done $0x0  }
0x1f: {  	s12 =	rddreg [dreg:$0x5];
	[sflag:s6] =	ssyncadd.s32 $0xFFFFB000  }
0x20: {  	[tilespmem:s11], [sflag:$0x11] =	stream.linear.gather [hbm4b:s12+s11], $0x2800, $0x38;
	[tilespmem:$0x17000] =	vst v63  }
0x21: {  	_ =	swait.ge [sflag:s6], $0x2800  }
0x22: {  	[sflag:s6] =	ssyncset.done $0x0  }
0x23: {  	s12 =	simm.s32 $0x2800;
	s3 =	rddreg [dreg:$0x6];
	[sflag:s6] =	ssyncadd.s32 $0xFFFFD800  }
0x24: {  	[tilespmem:s12], [sflag:$0x11] =	stream.linear.gather [hbm4b:s3+s11], $0x2800, $0x38;
	[tilespmem:$0x17000] =	vst v63  }
0x25: {  	_ =	swait.ge [sflag:s6], $0x2800  }
0x26: {  	[sflag:s6] =	ssyncset.done $0x0  }
0x27: {  	[sflag:s6] =	ssyncadd.s32 $0xFFFFD800  }
0x28: {  	[bflag:$0x0] =	sbarrier.arrive $0xFFFF  }
0x29: {  	[tilespmem:s15], [sflag:$0x1] =	stream.indirect.gather [hbm4b:s4+s14], $0x20, s11, s14, $0xb8;
	[tilespmem:$0x17000] =	vst v63  }
0x2a: {  	_ = 	snop  }
0x2b: {  	[tilespmem:s16], [sflag:$0x2] =	stream.indirect.gather [hbm4b:s4+s14], $0x20, s14, s14, $0xb8;
	[tilespmem:$0x17000] =	vst v63  }
0x2c: {  	s6 =	simm.s32 $0x100  }
0x2d: {  	[tilespmem:s18], [sflag:$0x3] =	stream.indirect.gather [hbm4b:s4+s14], $0x20, s6, s14, $0xb8;
	[tilespmem:$0x17000] =	vst v63  }
0x2e: {  	s11 =	simm.s32 $0x180  }
0x2f: {  	[tilespmem:s20], [sflag:$0x4] =	stream.indirect.gather [hbm4b:s4+s14], $0x20, s11, s14, $0xb8;
	[tilespmem:$0x17000] =	vst v63  }
0x30: {  	s12 =	simm.s32 $0x200  }
0x31: {  	[tilespmem:s22], [sflag:$0x5] =	stream.indirect.gather [hbm4b:s4+s14], $0x20, s12, s14, $0xb8;
	[tilespmem:$0x17000] =	vst v63  }
0x32: {  	s6 =	simm.s32 $0x280  }
0x33: {  	[tilespmem:s24], [sflag:$0x6] =	stream.indirect.gather [hbm4b:s4+s14], $0x20, s6, s14, $0xb8;
	[tilespmem:$0x17000] =	vst v63  }
0x34: {  	s11 =	simm.s32 $0x300  }
0x35: {  	[tilespmem:s26], [sflag:$0x7] =	stream.indirect.gather [hbm4b:s4+s14], $0x20, s11, s14, $0xb8;
	[tilespmem:$0x17000] =	vst v63  }
0x36: {  	s12 =	simm.s32 $0x380  }
0x37: {  	[tilespmem:s29], [sflag:$0x8] =	stream.indirect.gather [hbm4b:s4+s14], $0x20, s12, s14, $0xb8;
	[tilespmem:$0x17000] =	vst v63  }
0x38: {  	_ =	swait.ge [sflag:s30], $0x1000  }
0x39: {  	[sflag:s30] =	ssyncset.done $0x0  }
0x3a: {  	s6 =	simm.s32 $0x2800;
	[sflag:s30] =	ssyncadd.s32 $0xFFFFF000  }
0x3b: {  	[spmem:s2] =	stream.indirect.scatter.add.f32 [tilespmem:s15], [sflag:$0x9], $0x20, s6, s14, $0xb8;
	[tilespmem:$0x17000] =	vst v63  }
0x3c: {  	_ =	swait.ge [sflag:s31], $0x1000  }
0x3d: {  	[sflag:s31] =	ssyncset.done $0x0  }
0x3e: {  	s11 =	simm.s32 $0x2880;
	[sflag:s31] =	ssyncadd.s32 $0xFFFFF000  }
0x3f: {  	[spmem:s2] =	stream.indirect.scatter.add.f32 [tilespmem:s16], [sflag:$0xA], $0x20, s11, s14, $0xb8;
	[tilespmem:$0x17000] =	vst v63  }
0x40: {  	_ =	swait.ge [sflag:s1], $0x1000  }
0x41: {  	[sflag:s1] =	ssyncset.done $0x0  }
0x42: {  	s12 =	simm.s32 $0x2900;
	[sflag:s1] =	ssyncadd.s32 $0xFFFFF000  }
0x43: {  	[spmem:s2] =	stream.indirect.scatter.add.f32 [tilespmem:s18], [sflag:$0xB], $0x20, s12, s14, $0xb8;
	[tilespmem:$0x17000] =	vst v63  }
0x44: {  	_ =	swait.ge [sflag:s0], $0x1000  }
0x45: {  	[sflag:s0] =	ssyncset.done $0x0  }
0x46: {  	s6 =	simm.s32 $0x2980;
	[sflag:s0] =	ssyncadd.s32 $0xFFFFF000  }
0x47: {  	[spmem:s2] =	stream.indirect.scatter.add.f32 [tilespmem:s20], [sflag:$0xC], $0x20, s6, s14, $0xb8;
	[tilespmem:$0x17000] =	vst v63  }
0x48: {  	_ =	swait.ge [sflag:s13], $0x1000  }
0x49: {  	[sflag:s13] =	ssyncset.done $0x0  }
0x4a: {  	s11 =	simm.s32 $0x2A00;
	[sflag:s13] =	ssyncadd.s32 $0xFFFFF000  }
0x4b: {  	[spmem:s2] =	stream.indirect.scatter.add.f32 [tilespmem:s22], [sflag:$0xD], $0x20, s11, s14, $0xb8;
	[tilespmem:$0x17000] =	vst v63  }
0x4c: {  	_ =	swait.ge [sflag:s17], $0x1000  }
0x4d: {  	[sflag:s17] =	ssyncset.done $0x0  }
0x4e: {  	s12 =	simm.s32 $0x2A80;
	[sflag:s17] =	ssyncadd.s32 $0xFFFFF000  }
0x4f: {  	[spmem:s2] =	stream.indirect.scatter.add.f32 [tilespmem:s24], [sflag:$0xE], $0x20, s12, s14, $0xb8;
	[tilespmem:$0x17000] =	vst v63  }
0x50: {  	_ =	swait.ge [sflag:s19], $0x1000  }
0x51: {  	[sflag:s19] =	ssyncset.done $0x0  }
0x52: {  	s6 =	simm.s32 $0x2B00;
	[sflag:s19] =	ssyncadd.s32 $0xFFFFF000  }
0x53: {  	[spmem:s2] =	stream.indirect.scatter.add.f32 [tilespmem:s26], [sflag:$0xF], $0x20, s6, s14, $0xb8;
	[tilespmem:$0x17000] =	vst v63  }
0x54: {  	_ =	swait.ge [sflag:s21], $0x1000  }
0x55: {  	[sflag:s21] =	ssyncset.done $0x0  }
0x56: {  	s11 =	simm.s32 $0x2B80;
	[sflag:s21] =	ssyncadd.s32 $0xFFFFF000  }
0x57: {  	[spmem:s2] =	stream.indirect.scatter.add.f32 [tilespmem:s29], [sflag:$0x10], $0x20, s11, s14, $0xb8;
	[tilespmem:$0x17000] =	vst v63  }
0x58: {  	_ =	swait.ge [sflag:s23], $0x1000  }
0x59: {  	[sflag:s23] =	ssyncset.done $0x0  }
0x5a: {  	s12 =	simm.s32 $0x400;
	[sflag:s23] =	ssyncadd.s32 $0xFFFFF000  }
0x5b: {  	[tilespmem:s15], [sflag:$0x1] =	stream.indirect.gather [hbm4b:s4+s14], $0x20, s12, s14, $0xb8;
	[tilespmem:$0x17000] =	vst v63  }
0x5c: {  	_ =	swait.ge [sflag:s25], $0x1000  }
0x5d: {  	[sflag:s25] =	ssyncset.done $0x0  }
0x5e: {  	s6 =	simm.s32 $0x480;
	[sflag:s25] =	ssyncadd.s32 $0xFFFFF000  }
0x5f: {  	[tilespmem:s16], [sflag:$0x2] =	stream.indirect.gather [hbm4b:s4+s14], $0x20, s6, s14, $0xb8;
	[tilespmem:$0x17000] =	vst v63  }
0x60: {  	_ =	swait.ge [sflag:s28], $0x1000  }
0x61: {  	[sflag:s28] =	ssyncset.done $0x0  }
0x62: {  	s11 =	simm.s32 $0x500;
	[sflag:s28] =	ssyncadd.s32 $0xFFFFF000  }
0x63: {  	[tilespmem:s18], [sflag:$0x3] =	stream.indirect.gather [hbm4b:s4+s14], $0x20, s11, s14, $0xb8;
	[tilespmem:$0x17000] =	vst v63  }
0x64: {  	_ =	swait.ge [sflag:s5], $0x1000  }
0x65: {  	[sflag:s5] =	ssyncset.done $0x0  }
0x66: {  	s12 =	simm.s32 $0x580;
	[sflag:s5] =	ssyncadd.s32 $0xFFFFF000  }
0x67: {  	[tilespmem:s20], [sflag:$0x4] =	stream.indirect.gather [hbm4b:s4+s14], $0x20, s12, s14, $0xb8;
	[tilespmem:$0x17000] =	vst v63  }
0x68: {  	_ =	swait.ge [sflag:s7], $0x1000  }
0x69: {  	[sflag:s7] =	ssyncset.done $0x0  }
0x6a: {  	s6 =	simm.s32 $0x600;
	[sflag:s7] =	ssyncadd.s32 $0xFFFFF000  }
0x6b: {  	[tilespmem:s22], [sflag:$0x5] =	stream.indirect.gather [hbm4b:s4+s14], $0x20, s6, s14, $0xb8;
	[tilespmem:$0x17000] =	vst v63  }
0x6c: {  	_ =	swait.ge [sflag:s8], $0x1000  }
0x6d: {  	[sflag:s8] =	ssyncset.done $0x0  }
0x6e: {  	s11 =	simm.s32 $0x680;
	[sflag:s8] =	ssyncadd.s32 $0xFFFFF000  }
0x6f: {  	[tilespmem:s24], [sflag:$0x6] =	stream.indirect.gather [hbm4b:s4+s14], $0x20, s11, s14, $0xb8;
	[tilespmem:$0x17000] =	vst v63  }
0x70: {  	_ =	swait.ge [sflag:s9], $0x1000  }
0x71: {  	[sflag:s9] =	ssyncset.done $0x0  }
0x72: {  	s12 =	simm.s32 $0x700;
	[sflag:s9] =	ssyncadd.s32 $0xFFFFF000  }
0x73: {  	[tilespmem:s26], [sflag:$0x7] =	stream.indirect.gather [hbm4b:s4+s14], $0x20, s12, s14, $0xb8;
	[tilespmem:$0x17000] =	vst v63  }
0x74: {  	_ =	swait.ge [sflag:s10], $0x1000  }
0x75: {  	[sflag:s10] =	ssyncset.done $0x0  }
0x76: {  	s3 =	simm.s32 $0x780;
	s11 =	simm.s32 $0x1000;
	[sflag:s10] =	ssyncadd.s32 $0xFFFFF000  }
.LBB2_2:
0x77: {  	[tilespmem:s29], [sflag:$0x8] =	stream.indirect.gather [hbm4b:s4+s14], $0x20, s3, s14, $0xb8;
	[tilespmem:$0x17000] =	vst v63  }
0x78: {  	s3 =	smov.u32 s11  }
0x79: {  	p0 =	sne.s32 s11, $0x8000;
	s11 =	sadd.s32 $0x1000, s11;
	_ =	swait.ge [sflag:s30], $0x1000  }
0x7a: {  	s3 =	sshra.s32 s3, $0x2;
	[sflag:s30] =	ssyncset.done $0x0  }
0x7b: {  	s6 =	sadd.s32 $0x2800, s3;
	[sflag:s30] =	ssyncadd.s32 $0xFFFFF000  }
0x7c: {  	[spmem:s2] =	stream.indirect.scatter.add.f32 [tilespmem:s15], [sflag:$0x9], $0x20, s6, s14, $0xb8;
	[tilespmem:$0x17000] =	vst v63  }
0x7d: {  	_ =	swait.ge [sflag:s31], $0x1000  }
0x7e: {  	[sflag:s31] =	ssyncset.done $0x0  }
0x7f: {  	s6 =	sadd.s32 $0x2880, s3;
	[sflag:s31] =	ssyncadd.s32 $0xFFFFF000  }
0x80: {  	[spmem:s2] =	stream.indirect.scatter.add.f32 [tilespmem:s16], [sflag:$0xA], $0x20, s6, s14, $0xb8;
	[tilespmem:$0x17000] =	vst v63  }
0x81: {  	_ =	swait.ge [sflag:s1], $0x1000  }
0x82: {  	[sflag:s1] =	ssyncset.done $0x0  }
0x83: {  	s6 =	sadd.s32 $0x2900, s3;
	[sflag:s1] =	ssyncadd.s32 $0xFFFFF000  }
0x84: {  	[spmem:s2] =	stream.indirect.scatter.add.f32 [tilespmem:s18], [sflag:$0xB], $0x20, s6, s14, $0xb8;
	[tilespmem:$0x17000] =	vst v63  }
0x85: {  	_ =	swait.ge [sflag:s0], $0x1000  }
0x86: {  	[sflag:s0] =	ssyncset.done $0x0  }
0x87: {  	s6 =	sadd.s32 $0x2980, s3;
	[sflag:s0] =	ssyncadd.s32 $0xFFFFF000  }
0x88: {  	[spmem:s2] =	stream.indirect.scatter.add.f32 [tilespmem:s20], [sflag:$0xC], $0x20, s6, s14, $0xb8;
	[tilespmem:$0x17000] =	vst v63  }
0x89: {  	_ =	swait.ge [sflag:s13], $0x1000  }
0x8a: {  	[sflag:s13] =	ssyncset.done $0x0  }
0x8b: {  	s6 =	sadd.s32 $0x2A00, s3;
	[sflag:s13] =	ssyncadd.s32 $0xFFFFF000  }
0x8c: {  	[spmem:s2] =	stream.indirect.scatter.add.f32 [tilespmem:s22], [sflag:$0xD], $0x20, s6, s14, $0xb8;
	[tilespmem:$0x17000] =	vst v63  }
0x8d: {  	_ =	swait.ge [sflag:s17], $0x1000  }
0x8e: {  	[sflag:s17] =	ssyncset.done $0x0  }
0x8f: {  	s6 =	sadd.s32 $0x2A80, s3;
	[sflag:s17] =	ssyncadd.s32 $0xFFFFF000  }
0x90: {  	[spmem:s2] =	stream.indirect.scatter.add.f32 [tilespmem:s24], [sflag:$0xE], $0x20, s6, s14, $0xb8;
	[tilespmem:$0x17000] =	vst v63  }
0x91: {  	_ =	swait.ge [sflag:s19], $0x1000  }
0x92: {  	[sflag:s19] =	ssyncset.done $0x0  }
0x93: {  	s6 =	sadd.s32 $0x2B00, s3;
	[sflag:s19] =	ssyncadd.s32 $0xFFFFF000  }
0x94: {  	[spmem:s2] =	stream.indirect.scatter.add.f32 [tilespmem:s26], [sflag:$0xF], $0x20, s6, s14, $0xb8;
	[tilespmem:$0x17000] =	vst v63  }
0x95: {  	_ =	swait.ge [sflag:s21], $0x1000  }
0x96: {  	[sflag:s21] =	ssyncset.done $0x0  }
0x97: {  	s6 =	sadd.s32 $0x2B80, s3;
	[sflag:s21] =	ssyncadd.s32 $0xFFFFF000  }
0x98: {  	[spmem:s2] =	stream.indirect.scatter.add.f32 [tilespmem:s29], [sflag:$0x10], $0x20, s6, s14, $0xb8;
	[tilespmem:$0x17000] =	vst v63  }
0x99: {  	_ =	swait.ge [sflag:s23], $0x1000  }
0x9a: {  	[sflag:s23] =	ssyncset.done $0x0  }
0x9b: {  	s6 =	sadd.s32 $0x400, s3;
	[sflag:s23] =	ssyncadd.s32 $0xFFFFF000  }
0x9c: {  	[tilespmem:s15], [sflag:$0x1] =	stream.indirect.gather [hbm4b:s4+s14], $0x20, s6, s14, $0xb8;
	[tilespmem:$0x17000] =	vst v63  }
0x9d: {  	_ =	swait.ge [sflag:s25], $0x1000  }
0x9e: {  	[sflag:s25] =	ssyncset.done $0x0  }
0x9f: {  	s6 =	sadd.s32 $0x480, s3;
	[sflag:s25] =	ssyncadd.s32 $0xFFFFF000  }
0xa0: {  	[tilespmem:s16], [sflag:$0x2] =	stream.indirect.gather [hbm4b:s4+s14], $0x20, s6, s14, $0xb8;
	[tilespmem:$0x17000] =	vst v63  }
0xa1: {  	_ =	swait.ge [sflag:s28], $0x1000  }
0xa2: {  	[sflag:s28] =	ssyncset.done $0x0  }
0xa3: {  	s6 =	sadd.s32 $0x500, s3;
	[sflag:s28] =	ssyncadd.s32 $0xFFFFF000  }
0xa4: {  	[tilespmem:s18], [sflag:$0x3] =	stream.indirect.gather [hbm4b:s4+s14], $0x20, s6, s14, $0xb8;
	[tilespmem:$0x17000] =	vst v63  }
0xa5: {  	_ =	swait.ge [sflag:s5], $0x1000  }
0xa6: {  	[sflag:s5] =	ssyncset.done $0x0  }
0xa7: {  	s6 =	sadd.s32 $0x580, s3;
	[sflag:s5] =	ssyncadd.s32 $0xFFFFF000  }
0xa8: {  	[tilespmem:s20], [sflag:$0x4] =	stream.indirect.gather [hbm4b:s4+s14], $0x20, s6, s14, $0xb8;
	[tilespmem:$0x17000] =	vst v63  }
0xa9: {  	_ =	swait.ge [sflag:s7], $0x1000  }
0xaa: {  	[sflag:s7] =	ssyncset.done $0x0  }
0xab: {  	s6 =	sadd.s32 $0x600, s3;
	[sflag:s7] =	ssyncadd.s32 $0xFFFFF000  }
0xac: {  	[tilespmem:s22], [sflag:$0x5] =	stream.indirect.gather [hbm4b:s4+s14], $0x20, s6, s14, $0xb8;
	[tilespmem:$0x17000] =	vst v63  }
0xad: {  	_ =	swait.ge [sflag:s8], $0x1000  }
0xae: {  	[sflag:s8] =	ssyncset.done $0x0  }
0xaf: {  	s6 =	sadd.s32 $0x680, s3;
	[sflag:s8] =	ssyncadd.s32 $0xFFFFF000  }
0xb0: {  	[tilespmem:s24], [sflag:$0x6] =	stream.indirect.gather [hbm4b:s4+s14], $0x20, s6, s14, $0xb8;
	[tilespmem:$0x17000] =	vst v63  }
0xb1: {  	_ =	swait.ge [sflag:s9], $0x1000  }
0xb2: {  	[sflag:s9] =	ssyncset.done $0x0  }
.Ltmp0:
0xb3: {  	s6 =	sadd.s32 $0x700, s3;
	[sflag:s9] =	ssyncadd.s32 $0xFFFFF000;
	(pc) =	sbr.rel @p0 .LBB2_2-.Ltmp0, $4  }
0xb4: {  	[tilespmem:s26], [sflag:$0x7] =	stream.indirect.gather [hbm4b:s4+s14], $0x20, s6, s14, $0xb8;
	[tilespmem:$0x17000] =	vst v63  }
0xb5: {  	_ =	swait.ge [sflag:s10], $0x1000  }
0xb6: {  	[sflag:s10] =	ssyncset.done $0x0  }
0xb7: {  	s3 =	sadd.s32 $0x780, s3;
	[sflag:s10] =	ssyncadd.s32 $0xFFFFF000  }
0xb8: {  	[tilespmem:s29], [sflag:$0x8] =	stream.indirect.gather [hbm4b:s4+s14], $0x20, s3, s14, $0xb8;
	[tilespmem:$0x17000] =	vst v63  }
0xb9: {  	_ =	swait.ge [sflag:s30], $0x1000  }
0xba: {  	[sflag:s30] =	ssyncset.done $0x0  }
0xbb: {  	s12 =	simm.s32 $0x4C00;
	[sflag:s30] =	ssyncadd.s32 $0xFFFFF000  }
0xbc: {  	[spmem:s2] =	stream.indirect.scatter.add.f32 [tilespmem:s15], [sflag:$0x9], $0x20, s12, s14, $0xb8;
	[tilespmem:$0x17000] =	vst v63  }
0xbd: {  	_ =	swait.ge [sflag:s31], $0x1000  }
0xbe: {  	[sflag:s31] =	ssyncset.done $0x0  }
0xbf: {  	s6 =	simm.s32 $0x4C80;
	[sflag:s31] =	ssyncadd.s32 $0xFFFFF000  }
0xc0: {  	[spmem:s2] =	stream.indirect.scatter.add.f32 [tilespmem:s16], [sflag:$0xA], $0x20, s6, s14, $0xb8;
	[tilespmem:$0x17000] =	vst v63  }
0xc1: {  	_ =	swait.ge [sflag:s1], $0x1000  }
0xc2: {  	[sflag:s1] =	ssyncset.done $0x0  }
0xc3: {  	s11 =	simm.s32 $0x4D00;
	[sflag:s1] =	ssyncadd.s32 $0xFFFFF000  }
0xc4: {  	[spmem:s2] =	stream.indirect.scatter.add.f32 [tilespmem:s18], [sflag:$0xB], $0x20, s11, s14, $0xb8;
	[tilespmem:$0x17000] =	vst v63  }
0xc5: {  	_ =	swait.ge [sflag:s0], $0x1000  }
0xc6: {  	[sflag:s0] =	ssyncset.done $0x0  }
0xc7: {  	s12 =	simm.s32 $0x4D80;
	[sflag:s0] =	ssyncadd.s32 $0xFFFFF000  }
0xc8: {  	[spmem:s2] =	stream.indirect.scatter.add.f32 [tilespmem:s20], [sflag:$0xC], $0x20, s12, s14, $0xb8;
	[tilespmem:$0x17000] =	vst v63  }
0xc9: {  	_ =	swait.ge [sflag:s13], $0x1000  }
0xca: {  	[sflag:s13] =	ssyncset.done $0x0  }
0xcb: {  	s6 =	simm.s32 $0x4E00;
	[sflag:s13] =	ssyncadd.s32 $0xFFFFF000  }
0xcc: {  	[spmem:s2] =	stream.indirect.scatter.add.f32 [tilespmem:s22], [sflag:$0xD], $0x20, s6, s14, $0xb8;
	[tilespmem:$0x17000] =	vst v63  }
0xcd: {  	_ =	swait.ge [sflag:s17], $0x1000  }
0xce: {  	[sflag:s17] =	ssyncset.done $0x0  }
0xcf: {  	s11 =	simm.s32 $0x4E80;
	[sflag:s17] =	ssyncadd.s32 $0xFFFFF000  }
0xd0: {  	[spmem:s2] =	stream.indirect.scatter.add.f32 [tilespmem:s24], [sflag:$0xE], $0x20, s11, s14, $0xb8;
	[tilespmem:$0x17000] =	vst v63  }
0xd1: {  	_ =	swait.ge [sflag:s19], $0x1000  }
0xd2: {  	[sflag:s19] =	ssyncset.done $0x0  }
0xd3: {  	s12 =	simm.s32 $0x4F00;
	[sflag:s19] =	ssyncadd.s32 $0xFFFFF000  }
0xd4: {  	[spmem:s2] =	stream.indirect.scatter.add.f32 [tilespmem:s26], [sflag:$0xF], $0x20, s12, s14, $0xb8;
	[tilespmem:$0x17000] =	vst v63  }
0xd5: {  	_ =	swait.ge [sflag:s21], $0x1000  }
0xd6: {  	[sflag:s21] =	ssyncset.done $0x0  }
0xd7: {  	s6 =	simm.s32 $0x4F80;
	[sflag:s21] =	ssyncadd.s32 $0xFFFFF000  }
0xd8: {  	[spmem:s2] =	stream.indirect.scatter.add.f32 [tilespmem:s29], [sflag:$0x10], $0x20, s6, s14, $0xb8;
	[tilespmem:$0x17000] =	vst v63  }
0xd9: {  	_ =	swait.ge [sflag:s23], $0x1000  }
0xda: {  	[sflag:s23] =	ssyncset.done $0x0  }
0xdb: {  	[sflag:s23] =	ssyncadd.s32 $0xFFFFF000  }
0xdc: {  	_ =	swait.ge [sflag:s25], $0x1000  }
0xdd: {  	[sflag:s25] =	ssyncset.done $0x0  }
0xde: {  	[sflag:s25] =	ssyncadd.s32 $0xFFFFF000  }
0xdf: {  	_ =	swait.ge [sflag:s28], $0x1000  }
0xe0: {  	[sflag:s28] =	ssyncset.done $0x0  }
0xe1: {  	[sflag:s28] =	ssyncadd.s32 $0xFFFFF000  }
0xe2: {  	_ =	swait.ge [sflag:s5], $0x1000  }
0xe3: {  	[sflag:s5] =	ssyncset.done $0x0  }
0xe4: {  	[sflag:s5] =	ssyncadd.s32 $0xFFFFF000  }
0xe5: {  	_ =	swait.ge [sflag:s7], $0x1000  }
0xe6: {  	[sflag:s7] =	ssyncset.done $0x0  }
0xe7: {  	[sflag:s7] =	ssyncadd.s32 $0xFFFFF000  }
0xe8: {  	_ =	swait.ge [sflag:s8], $0x1000  }
0xe9: {  	[sflag:s8] =	ssyncset.done $0x0  }
0xea: {  	[sflag:s8] =	ssyncadd.s32 $0xFFFFF000  }
0xeb: {  	_ =	swait.ge [sflag:s9], $0x1000  }
0xec: {  	[sflag:s9] =	ssyncset.done $0x0  }
0xed: {  	[sflag:s9] =	ssyncadd.s32 $0xFFFFF000  }
0xee: {  	_ =	swait.ge [sflag:s10], $0x1000  }
0xef: {  	[sflag:s10] =	ssyncset.done $0x0  }
0xf0: {  	[sflag:s10] =	ssyncadd.s32 $0xFFFFF000  }
0xf1: {  	[bflag:$0x0] =	sbarrier.arrive $0xFFFF  }
0xf2: {  	s12 =	simm.s32 $0xD000;
	s6 =	simm.s32 $0x11;
	s11 =	rddreg [dreg:$0x4]  }
0xf3: {  	[tilespmem:s12], [sflag:$0x11] =	stream.linear.gather [spmem:s11], $0x5000, $0x38;
	[tilespmem:$0x17000] =	vst v63  }
0xf4: {  	_ =	swait.ge [sflag:s6], $0x5000  }
0xf5: {  	[sflag:s6] =	ssyncset.done $0x0  }
0xf6: {  	s11 =	simm.s32 $0x0;
	s3 =	rddreg [dreg:$0x7];
	[sflag:s6] =	ssyncadd.s32 $0xFFFFB000  }
0xf7: {  	[hbm4b:s3+s11] =	stream.linear.scatter [tilespmem:s12], [sflag:$0x11], $0x5000, $0x38;
	[tilespmem:$0x17000] =	vst v63  }
0xf8: {  	_ =	swait.ge [sflag:s6], $0x5000  }
0xf9: {  	s3 =	rddreg [dreg:$0x9]  }
0xfa: {  	[sflag:s6] =	ssyncset.done $0x0;
	s6 =	rddreg [dreg:$0x8];
	s11 =	sadd.s32 $0x1, s3  }
0xfb: {  	p0 =	sne.s32 s11, s6  }
.Ltmp1:
0xfc: {  	_ = 	snop;
	(pc) =	sbr.rel @p0 .LBB2_1-.Ltmp1, $3  }
0xfd: {  	_ =	sdelay $0x1  }
0xfe: {  	s6 =	simm.s32 $0x11  }
0xff: {  	[dreg:$0x9] =	wrdreg s11;
	s11 =	simm.s32 $0x0;
	[sflag:s6] =	ssyncadd.s32 $0xFFFFB000  }
0x100: {  	_ =	sfence.sel $0x180000  }
0x101: {  	[bflag:$0x0] =	sbarrier.arrive $0xFFFF  }
0x102: {  	_ =	strace $0x9000004A  }
0x103: {  	s0 =	stileid.u32;
	[bflag:$0x2] =	sbarrier.arrive $0xFFFF  }
0x104: {  	p0 =	sne.s32 s0, $0x0;
	s0 =	rddreg [dreg:$0x2]  }
0x105: {  	s0 =	sadd.s32 @!p0 $0x100000, s0  }
0x106: {  	[sflag:s0] =	ssyncadd.tile.s32 @!p0 $0x1;
	_ =	shalt  }
.Lfunc_end2:
_tile_overlayer_lowered:
.L_overlay_start_2:
0x107: {  	(tag) =	ssettag $0x2  }
0x108: {  	s0 =	rddreg [dreg:$0x0];
	s2 =	stileid.u32  }
0x109: {  	s1 =	rddreg [dreg:$0x1];
	p0 =	sne.s32 s2, $0x0  }
0x10a: {  	s3 =	rddreg [dreg:$0x2];
	[bflag:$0x3] =	sbarrier.arrive $0xFFFF;
	s2 =	simm.s32 @!p0 $0x1C11  }
0x10b: {  	[timem:s3], [sflag:s2] =	dma.local @!p0 [hbm:s0], s1  }
0x10c: {  	s0 =	simm.s32 @!p0 $0x11  }
0x10d: {  	_ =	swait.ge @!p0 [sflag:s0], s1  }
0x10e: {  	s1 =	ssub.s32 @!p0 $0x0, s1;
	[sflag:s0] =	ssyncset.done @!p0 $0x0  }
0x10f: {  	[sflag:s0] =	ssyncadd.s32 @!p0 s1  }
0x110: {  	[bflag:$0x3] =	sbarrier.arrive $0xFFFF  }
0x111: {  	_ =	shalt  }

// kernel: kernel.14.cloned.1.call-start
scs
__scs_entry_jumppad:
0x0: {  	(pc) =	sbr.rel $0x88, $3  }
0x1: {  	(tag) =	ssettag $0x0;
	lr =	simm.s32 $0x1  }
0x2: {  	[smem:$0x3F98] =	sst lr;
	_ =	strace $0xD0000000  }
0x3: {  	_ = 	snop  }
0x4: {  	_ = 	snop  }
0x5: {  	_ = 	snop  }
0x6: {  	_ = 	snop  }
0x7: {  	_ = 	snop  }
__scs_overlays_trampoline_lowered:
0x8: {  	[smem:$0x3FA7] =	sst s0  }
0x9: {  	[smem:$0x3FA8] =	sst s1  }
0xa: {  	[smem:$0x3FA9] =	sst s2  }
0xb: {  	[smem:$0x3FAA] =	sst s3  }
0xc: {  	[smem:$0x3FAB] =	sst s4  }
0xd: {  	[smem:$0x3FAC] =	sst s5  }
0xe: {  	[smem:$0x3FAD] =	sst s6  }
0xf: {  	[smem:$0x3FAE] =	sst s7  }
0x10: {  	[smem:$0x3FAF] =	sst s8  }
0x11: {  	[smem:$0x3FB0] =	sst s9;
	s0 =	simm.s32 @!p0 $0x0  }
0x12: {  	s1 =	sld [smem:$0x3F96];
	s0 =	simm.s32 @p0 $0x1  }
0x13: {  	[smem:$0x3FB1] =	sst s0;
	s0 =	simm.s32 @!p1 $0x0  }
0x14: {  	s2 =	sld [smem:$0x3F95];
	s0 =	simm.s32 @p1 $0x1  }
0x15: {  	[smem:$0x3FB2] =	sst s0;
	s0 =	simm.s32 @!p2 $0x0  }
0x16: {  	s3 =	sld [smem:$0x3FDB];
	s0 =	simm.s32 @p2 $0x1  }
0x17: {  	s4 =	simm.s32 $0x1BF5;
	[smem:$0x3FB4] =	sst s0  }
0x18: {  	s0 =	sld [smem:$0x3F97];
	_ =	swait.ge [sflag:s4], $0x0  }
0x19: {  	s7 =	sld [smem:$0x3F98]  }
0x1a: {  	s8 =	sadd.s32 $0xFFFFE003, lr  }
0x1b: {  	s9 =	sadd.s32 $0xFFFFFEF7, lr;
	s5 =	simm.s32 $0xFFFFFFFF;
	p2 =	slt.u32 s8, $0xFFFFF086  }
0x1c: {  	p1 =	slt.u32 s9, $0xF7A;
	s5 =	simm.s32 @!p2 $0x0  }
0x1d: {  	s5 =	simm.s32 @p1 $0x1;
	p0 =	seq.s32 s7, s2  }
0x1e: {  	s7 =	smul.u32 @!p0 $0xF7A, s2;
	p2 =	seq.s32 @!p0 s5, $0x0  }
0x1f: {  	s9 =	smul.u32 $0xF7A, s1;
	s8 =	simm.s32 @!p0 $0x1BF5;
	p2 =	por !p2, p0  }
0x20: {  	[sflag:s8] =	ssyncset.s32 @!p0 $0xFFFFF086;
	s6 =	sadd.s32 @!p0 s3, s7;
	s7 =	simm.s32 @!p0 $0x108  }
0x21: {  	s3 =	sadd.s32 s3, s9;
	s6 =	sadd.s32 @!p0 $0x88, s6;
	s7 =	simm.s32 @p2 $0x1082  }
0x22: {  	[simem:s7], [sflag:s8] =	dma.local @!p0 [hbm:s6], $0xF7A  }
0x23: {  	s9 =	sor.u32 $0xD0000000, s2;
	s6 =	simm.s32 $0x108;
	_ =	swait.ge @!p0 [sflag:s8], $0x0  }
0x24: {  	s3 =	sadd.s32 $0x88, s3;
	s6 =	simm.s32 @!p1 $0x1082;
	[sflag:s4] =	ssyncset.s32 $0xFFFFF086  }
0x25: {  	[simem:s6], [sflag:s4] =	dma.local [hbm:s3], $0xF7A  }
0x26: {  	[smem:$0x3F98] =	sst s1;
	(tag) =	ssettag s2;
	_ =	strace s9  }
0x27: {  	s1 =	sld [smem:$0x3FA8]  }
0x28: {  	s2 =	sld [smem:$0x3FA9]  }
0x29: {  	s4 =	sld [smem:$0x3FAB]  }
0x2a: {  	p0 =	seq.s32 s5, $0x0;
	s5 =	sld [smem:$0x3FAC]  }
0x2b: {  	s6 =	sld [smem:$0x3FAD]  }
0x2c: {  	s7 =	sld [smem:$0x3FAE]  }
0x2d: {  	s3 =	simm.s32 $0x108;
	s8 =	sld [smem:$0x3FAF]  }
0x2e: {  	s3 =	simm.s32 @!p0 $0x1082;
	s9 =	sld [smem:$0x3FB0]  }
0x2f: {  	lr =	sadd.s32 s0, s3;
	s0 =	sld [smem:$0x3FA7]  }
0x30: {  	s3 =	sld [smem:$0x3FAA]  }
0x31: {  	[smem:$0x3FB3] =	sst s10  }
0x32: {  	s10 =	sld [smem:$0x3FB1];
	_ =	sdelay $0x3  }
0x33: {  	p0 =	seq.s32 s10, $0x1;
	s10 =	sld [smem:$0x3FB3];
	_ =	sdelay $0x3  }
0x34: {  	[smem:$0x3FB3] =	sst s10  }
0x35: {  	s10 =	sld [smem:$0x3FB2];
	_ =	sdelay $0x3  }
0x36: {  	p1 =	seq.s32 s10, $0x1;
	s10 =	sld [smem:$0x3FB3];
	_ =	sdelay $0x3  }
0x37: {  	[smem:$0x3FB3] =	sst s10  }
0x38: {  	s10 =	sld [smem:$0x3FB4]  }
0x39: {  	_ = 	snop;
	(pc) =	sbr.ind lr, $3  }
0x3a: {  	_ = 	snop  }
0x3b: {  	_ = 	snop  }
0x3c: {  	p2 =	seq.s32 s10, $0x1;
	s10 =	sld [smem:$0x3FB3]  }
0x3d: {  	_ =	shalt  }
0x3e: {  	_ =	shalt  }
0x3f: {  	_ =	shalt  }
0x40: {  	_ =	shalt  }
0x41: {  	_ =	shalt  }
0x42: {  	_ =	shalt  }
0x43: {  	_ =	shalt  }
0x44: {  	_ =	shalt  }
0x45: {  	_ =	shalt  }
0x46: {  	_ =	shalt  }
0x47: {  	_ =	shalt  }
0x48: {  	_ =	shalt  }
0x49: {  	_ =	shalt  }
0x4a: {  	_ =	shalt  }
0x4b: {  	_ =	shalt  }
0x4c: {  	_ =	shalt  }
0x4d: {  	_ =	shalt  }
0x4e: {  	_ =	shalt  }
0x4f: {  	_ =	shalt  }
0x50: {  	_ =	shalt  }
0x51: {  	_ =	shalt  }
0x52: {  	_ =	shalt  }
0x53: {  	_ =	shalt  }
0x54: {  	_ =	shalt  }
0x55: {  	_ =	shalt  }
0x56: {  	_ =	shalt  }
0x57: {  	_ =	shalt  }
0x58: {  	_ =	shalt  }
0x59: {  	_ =	shalt  }
0x5a: {  	_ =	shalt  }
0x5b: {  	_ =	shalt  }
0x5c: {  	_ =	shalt  }
0x5d: {  	_ =	shalt  }
0x5e: {  	_ =	shalt  }
0x5f: {  	_ =	shalt  }
0x60: {  	_ =	shalt  }
0x61: {  	_ =	shalt  }
0x62: {  	_ =	shalt  }
0x63: {  	_ =	shalt  }
0x64: {  	_ =	shalt  }
0x65: {  	_ =	shalt  }
0x66: {  	_ =	shalt  }
0x67: {  	_ =	shalt  }
0x68: {  	_ =	shalt  }
0x69: {  	_ =	shalt  }
0x6a: {  	_ =	shalt  }
0x6b: {  	_ =	shalt  }
0x6c: {  	_ =	shalt  }
0x6d: {  	_ =	shalt  }
0x6e: {  	_ =	shalt  }
0x6f: {  	_ =	shalt  }
0x70: {  	_ =	shalt  }
0x71: {  	_ =	shalt  }
0x72: {  	_ =	shalt  }
0x73: {  	_ =	shalt  }
0x74: {  	_ =	shalt  }
0x75: {  	_ =	shalt  }
0x76: {  	_ =	shalt  }
0x77: {  	_ =	shalt  }
0x78: {  	_ =	shalt  }
0x79: {  	_ =	shalt  }
0x7a: {  	_ =	shalt  }
0x7b: {  	_ =	shalt  }
0x7c: {  	_ =	shalt  }
0x7d: {  	_ =	shalt  }
0x7e: {  	_ =	shalt  }
0x7f: {  	_ =	shalt  }
0x80: {  	_ =	shalt  }
0x81: {  	_ =	shalt  }
0x82: {  	_ =	shalt  }
0x83: {  	_ =	shalt  }
0x84: {  	_ =	shalt  }
0x85: {  	_ =	shalt  }
0x86: {  	_ =	shalt  }
0x87: {  	_ =	shalt  }
.Lfunc_end0:
.L_simem_size_0:
called_computation.2_lowered:
.L_overlay_start_0:
0x88: {  	s2 =	sld [smem:$0x3FD9]  }
0x89: {  	s3 =	sld [smem:$0x3FFE];
	_ =	sdelay $0x1  }
0x8a: {  	s1 =	srdreg.scid  }
0x8b: {  	s0 =	sand.u32 $0x1, s1  }
0x8c: {  	s16 =	sshll.u32 s0, $0xA;
	s2 =	sadd.s32 s3, s2  }
0x8d: {  	s2 =	sadd.s32 s2, s16  }
0x8e: {  	[smem:$0x3FBF] =	sst s2  }
0x8f: {  	_ = 	snop  }
0x90: {  	(tm) =	ssettm $0x1  }
0x91: {  	s17 =	sld [smem:$0x3FFB];
	_ =	sdelay $0x3  }
0x92: {  	_ =	strace s17  }
0x93: {  	s2 =	sld [smem:$0x3FFC];
	_ =	sdelay $0x3  }
0x94: {  	_ =	strace s2  }
0x95: {  	s2 =	sld [smem:$0x3FFD];
	_ =	sdelay $0x3  }
0x96: {  	_ =	strace s2  }
0x97: {  	_ =	strace $0x8FFFFFFF  }
0x98: {  	s18 =	sld [smem:$0x3FDB];
	_ =	sdelay $0x1  }
0x99: {  	s19 =	simm.s32 $_scs_section_size  }
0x9a: {  	s4 =	simm.s32 $_size__tile_overlayer_lowered;
	s5 =	simm.s32 $_tile_overlayer_lowered  }
0x9b: {  	s22 =	simm.s32 $0x1BFF;
	s21 =	sshll.u32 s5, $0x1;
	s2 =	sadd.s32 s19, s18  }
0x9c: {  	s6 =	simm.s32 $0x0;
	s20 =	sshll.u32 s4, $0x1;
	s4 =	sadd.s32 s21, s2  }
0x9d: {  	[timem:s6], [sflag:s22] =	dma.local [hbm:s4], s20  }
0x9e: {  	_ =	swait.ge [sflag:s22], s20  }
0x9f: {  	s3 =	ssub.s32 $0x0, s20;
	[sflag:s22] =	ssyncset.done $0x0  }
0xa0: {  	[sflag:s22] =	ssyncadd.s32 s3;
	_ =	sdelay $0x1  }
0xa1: {  	s23 =	simm.s32 $0x1B8B  }
0xa2: {  	_ =	swait.ge [sflag:s23], $0x1  }
0xa3: {  	[sflag:s23] =	ssyncset.done $0x0  }
0xa4: {  	s25 =	simm.s32 $0x1B8E;
	s24 =	sld [smem:$0x3FFE];
	[sflag:s23] =	ssyncadd.s32 $0xFFFFFFFF  }
0xa5: {  	s26 =	simm.s32 $execute0_lowered;
	[smem:$0x3FD2] =	sst s25  }
0xa6: {  	s4 =	sshll.u32 s26, $0x1;
	_ =	strace $0x8000004C;
	[dreg:$0x1] =	wrdreg $0xFFFFFFFF  }
0xa7: {  	s28 =	simm.s32 $_size_execute0_lowered;
	s2 =	sadd.s32 s2, s4;
	[dreg:$0x0] =	wrdreg $0x0  }
0xa8: {  	s4 =	sshll.u32 s28, $0x1;
	[dreg:$0x2] =	wrdreg s2  }
0xa9: {  	[dreg:$0x3] =	wrdreg s4  }
0xaa: {  	[dreg:$0x4] =	wrdreg $0xC0  }
0xab: {  	_ =	task [dreg:s6], $0x5FFFF  }
0xac: {  	[dreg:$0x1] =	wrdreg $0xFFFFFFFF  }
0xad: {  	[dreg:$0x0] =	wrdreg $0x60  }
0xae: {  	[dreg:$0x2] =	wrdreg s24  }
0xaf: {  	[dreg:$0x3] =	wrdreg $0xB8000  }
0xb0: {  	[dreg:$0x4] =	wrdreg $0x9  }
0xb1: {  	_ =	task.clear_ibuf [dreg:s6], $0x5FFFF;
	_ =	strace $0x9000004C  }
0xb2: {  	s29 =	simm.s32 $0x9;
	_ =	strace $0x8000004E  }
0xb3: {  	_ =	swait.ge [sflag:s29], $0x1  }
0xb4: {  	[sflag:s29] =	ssyncadd.s32 $0xFFFFFFFF  }
0xb5: {  	_ =	strace $0x9000004E  }
0xb6: {  	_ =	sfence  }
0xb7: {  	s30 =	sld [smem:$0x0];
	_ =	sdelay $0x2  }
0xb8: {  	s31 =	sshll.u32 s1, $0xD;
	s1 =	sshrl.u32 s1, $0x2  }
0xb9: {  	s3 =	sand.u32 $0x4000, s31;
	s1 =	sadd.s32 s1, s30  }
0xba: {  	s0 =	sor.u32 s3, s0;
	s1 =	sshll.u32 s1, $0x11  }
0xbb: {  	s0 =	sor.u32 s1, s0  }
0xbc: {  	s0 =	sadd.s32 $0x8F2B, s0  }
0xbd: {  	[sflag:s0] =	ssyncadd.remote.s32 $0x1  }
0xbe: {  	_ =	sfence.sel $0xFFFF  }
0xbf: {  	[dreg:$0x0] =	wrdreg $0xFFFFFFFF;
	(pc) =	sbr.abs _section_cstart, $3  }
0xc0: {  	[dreg:$0x1] =	wrdreg $0xFFFFFFFF  }
0xc1: {  	_ =	task.clear_ibuf [dreg:s6], $0x2FFFF;
	_ =	strace $0x9FFFFFFF  }
0xc2: {  	(tm) =	ssettm $0x7FFFFFFF  }
0xc3: {  	_ =	shalt  }
tec
execute0_lowered:
.L_overlay_start_1:
0x0: {  	(tag) =	ssettag $0x1  }
0x1: {  	s0 =	srdreg.scid  }
0x2: {  	s4 =	stileid.u32;
	s3 =	rddreg [dreg:$0x0]  }
0x3: {  	s2 =	rddreg [dreg:$0x1];
	s11 =	simm.s32 $0x0;
	s12 =	simm.s32 $0x9000  }
0x4: {  	s14 =	simm.s32 $0x80;
	s15 =	simm.s32 $0x5000;
	s16 =	simm.s32 $0x5800  }
0x5: {  	s18 =	simm.s32 $0x6000;
	s20 =	simm.s32 $0x6800;
	s22 =	simm.s32 $0x7000  }
0x6: {  	s24 =	simm.s32 $0x7800;
	s29 =	simm.s32 $0x8800;
	s30 =	simm.s32 $0x1  }
0x7: {  	s31 =	simm.s32 $0x2;
	s13 =	simm.s32 $0x5;
	s17 =	simm.s32 $0x6  }
0x8: {  	s19 =	simm.s32 $0x7;
	s21 =	simm.s32 $0x8;
	s23 =	simm.s32 $0x9  }
0x9: {  	s28 =	simm.s32 $0xB;
	s9 =	simm.s32 $0xF;
	s0 =	sand.u32 $0x1, s0  }
0xa: {  	s5 =	smul.u32 $0x2800, s4;
	[smem:$0x7FF] =	sst s11;
	s1 =	sshll.u32 s0, $0x4  }
0xb: {  	s6 =	smul.u32 $0x28000, s0;
	_ =	strace $0x8000004D;
	s0 =	ssub.s32 $0x2, s0  }
0xc: {  	s1 =	sor.u32 s4, s1;
	s4 =	sadd.s32 $0x16200, s3;
	s7 =	sshrl.u32 s5, $0x3  }
0xd: {  	s8 =	sshrl.u32 s0, $0x1;
	s1 =	smul.u32 $0x500, s1;
	s6 =	sadd.s32 s5, s6  }
0xe: {  	s7 =	sadd.s32 s7, s3;
	s0 =	ssub.s32 s0, s8;
	s5 =	sadd.s32 s5, s2  }
0xf: {  	s6 =	sshrl.u32 s6, $0x3;
	s25 =	sadd.s32 $0x1B200, s7;
	[dreg:$0x4] =	wrdreg s5  }
0x10: {  	s0 =	smax.u32 s0, $0x1;
	s1 =	sadd.s32 s1, s3;
	[dreg:$0x3] =	wrdreg s25  }
0x11: {  	s3 =	sadd.s32 s6, s3;
	[dreg:$0x8] =	wrdreg s0;
	s6 =	simm.s32 $0x0  }
0x12: {  	s10 =	simm.s32 $0x10;
	s26 =	sadd.s32 $0xC200, s1;
	[dreg:$0x9] =	wrdreg s6  }
0x13: {  	s8 =	simm.s32 $0xE;
	s1 =	sadd.s32 $0x2200, s1;
	[dreg:$0x5] =	wrdreg s26  }
0x14: {  	s7 =	simm.s32 $0xD;
	s5 =	sadd.s32 $0x20200, s3;
	[dreg:$0x6] =	wrdreg s1  }
0x15: {  	s0 =	simm.s32 $0x4;
	s25 =	simm.s32 $0xA;
	[dreg:$0x7] =	wrdreg s5  }
0x16: {  	s26 =	simm.s32 $0x8000;
	s1 =	simm.s32 $0x3;
	s5 =	simm.s32 $0xC  }
.LBB2_1:
0x17: {  	s6 =	simm.s32 $0x11;
	s3 =	rddreg [dreg:$0x3]  }
0x18: {  	[tilespmem:s12], [sflag:$0x11] =	stream.linear.gather [hbm4b:s3+s11], $0x2800, $0x38;
	[tilespmem:$0xE000] =	vst v63  }
0x19: {  	_ =	swait.ge [sflag:s6], $0x2800  }
0x1a: {  	[sflag:s6] =	ssyncset.done $0x0  }
0x1b: {  	s3 =	rddreg [dreg:$0x4];
	[sflag:s6] =	ssyncadd.s32 $0xFFFFD800  }
0x1c: {  	[spmem:s3] =	stream.linear.scatter [tilespmem:s12], [sflag:$0x11], $0x2800, $0x38;
	[tilespmem:$0xE000] =	vst v63  }
0x1d: {  	_ =	swait.ge [sflag:s6], $0x2800  }
0x1e: {  	[sflag:s6] =	ssyncset.done $0x0  }
0x1f: {  	s12 =	rddreg [dreg:$0x5];
	[sflag:s6] =	ssyncadd.s32 $0xFFFFD800  }
0x20: {  	[tilespmem:s11], [sflag:$0x11] =	stream.linear.gather [hbm4b:s12+s11], $0x2800, $0x38;
	[tilespmem:$0xE000] =	vst v63  }
0x21: {  	_ =	swait.ge [sflag:s6], $0x2800  }
0x22: {  	[sflag:s6] =	ssyncset.done $0x0  }
0x23: {  	s12 =	simm.s32 $0x2800;
	s3 =	rddreg [dreg:$0x6];
	[sflag:s6] =	ssyncadd.s32 $0xFFFFD800  }
0x24: {  	[tilespmem:s12], [sflag:$0x11] =	stream.linear.gather [hbm4b:s3+s11], $0x2800, $0x38;
	[tilespmem:$0xE000] =	vst v63  }
0x25: {  	_ =	swait.ge [sflag:s6], $0x2800  }
0x26: {  	[sflag:s6] =	ssyncset.done $0x0  }
0x27: {  	[sflag:s6] =	ssyncadd.s32 $0xFFFFD800  }
0x28: {  	[bflag:$0x0] =	sbarrier.arrive $0xFFFF  }
0x29: {  	[tilespmem:s15], [sflag:$0x1] =	stream.indirect.gather [hbm4b:s4+s14], $0x10, s11, s14, $0xb8;
	[tilespmem:$0xE000] =	vst v63  }
0x2a: {  	_ = 	snop  }
0x2b: {  	[tilespmem:s16], [sflag:$0x2] =	stream.indirect.gather [hbm4b:s4+s14], $0x10, s14, s14, $0xb8;
	[tilespmem:$0xE000] =	vst v63  }
0x2c: {  	s6 =	simm.s32 $0x100  }
0x2d: {  	[tilespmem:s18], [sflag:$0x3] =	stream.indirect.gather [hbm4b:s4+s14], $0x10, s6, s14, $0xb8;
	[tilespmem:$0xE000] =	vst v63  }
0x2e: {  	s11 =	simm.s32 $0x180  }
0x2f: {  	[tilespmem:s20], [sflag:$0x4] =	stream.indirect.gather [hbm4b:s4+s14], $0x10, s11, s14, $0xb8;
	[tilespmem:$0xE000] =	vst v63  }
0x30: {  	s12 =	simm.s32 $0x200  }
0x31: {  	[tilespmem:s22], [sflag:$0x5] =	stream.indirect.gather [hbm4b:s4+s14], $0x10, s12, s14, $0xb8;
	[tilespmem:$0xE000] =	vst v63  }
0x32: {  	s6 =	simm.s32 $0x280  }
0x33: {  	[tilespmem:s24], [sflag:$0x6] =	stream.indirect.gather [hbm4b:s4+s14], $0x10, s6, s14, $0xb8;
	[tilespmem:$0xE000] =	vst v63  }
0x34: {  	s11 =	simm.s32 $0x300  }
0x35: {  	[tilespmem:s26], [sflag:$0x7] =	stream.indirect.gather [hbm4b:s4+s14], $0x10, s11, s14, $0xb8;
	[tilespmem:$0xE000] =	vst v63  }
0x36: {  	s12 =	simm.s32 $0x380  }
0x37: {  	[tilespmem:s29], [sflag:$0x8] =	stream.indirect.gather [hbm4b:s4+s14], $0x10, s12, s14, $0xb8;
	[tilespmem:$0xE000] =	vst v63  }
0x38: {  	_ =	swait.ge [sflag:s30], $0x800  }
0x39: {  	[sflag:s30] =	ssyncset.done $0x0  }
0x3a: {  	s6 =	simm.s32 $0x2800;
	[sflag:s30] =	ssyncadd.s32 $0xFFFFF800  }
0x3b: {  	[spmem:s2] =	stream.indirect.scatter.add.f32 [tilespmem:s15], [sflag:$0x9], $0x10, s6, s14, $0xb8;
	[tilespmem:$0xE000] =	vst v63  }
0x3c: {  	_ =	swait.ge [sflag:s31], $0x800  }
0x3d: {  	[sflag:s31] =	ssyncset.done $0x0  }
0x3e: {  	s11 =	simm.s32 $0x2880;
	[sflag:s31] =	ssyncadd.s32 $0xFFFFF800  }
0x3f: {  	[spmem:s2] =	stream.indirect.scatter.add.f32 [tilespmem:s16], [sflag:$0xA], $0x10, s11, s14, $0xb8;
	[tilespmem:$0xE000] =	vst v63  }
0x40: {  	_ =	swait.ge [sflag:s1], $0x800  }
0x41: {  	[sflag:s1] =	ssyncset.done $0x0  }
0x42: {  	s12 =	simm.s32 $0x2900;
	[sflag:s1] =	ssyncadd.s32 $0xFFFFF800  }
0x43: {  	[spmem:s2] =	stream.indirect.scatter.add.f32 [tilespmem:s18], [sflag:$0xB], $0x10, s12, s14, $0xb8;
	[tilespmem:$0xE000] =	vst v63  }
0x44: {  	_ =	swait.ge [sflag:s0], $0x800  }
0x45: {  	[sflag:s0] =	ssyncset.done $0x0  }
0x46: {  	s6 =	simm.s32 $0x2980;
	[sflag:s0] =	ssyncadd.s32 $0xFFFFF800  }
0x47: {  	[spmem:s2] =	stream.indirect.scatter.add.f32 [tilespmem:s20], [sflag:$0xC], $0x10, s6, s14, $0xb8;
	[tilespmem:$0xE000] =	vst v63  }
0x48: {  	_ =	swait.ge [sflag:s13], $0x800  }
0x49: {  	[sflag:s13] =	ssyncset.done $0x0  }
0x4a: {  	s11 =	simm.s32 $0x2A00;
	[sflag:s13] =	ssyncadd.s32 $0xFFFFF800  }
0x4b: {  	[spmem:s2] =	stream.indirect.scatter.add.f32 [tilespmem:s22], [sflag:$0xD], $0x10, s11, s14, $0xb8;
	[tilespmem:$0xE000] =	vst v63  }
0x4c: {  	_ =	swait.ge [sflag:s17], $0x800  }
0x4d: {  	[sflag:s17] =	ssyncset.done $0x0  }
0x4e: {  	s12 =	simm.s32 $0x2A80;
	[sflag:s17] =	ssyncadd.s32 $0xFFFFF800  }
0x4f: {  	[spmem:s2] =	stream.indirect.scatter.add.f32 [tilespmem:s24], [sflag:$0xE], $0x10, s12, s14, $0xb8;
	[tilespmem:$0xE000] =	vst v63  }
0x50: {  	_ =	swait.ge [sflag:s19], $0x800  }
0x51: {  	[sflag:s19] =	ssyncset.done $0x0  }
0x52: {  	s6 =	simm.s32 $0x2B00;
	[sflag:s19] =	ssyncadd.s32 $0xFFFFF800  }
0x53: {  	[spmem:s2] =	stream.indirect.scatter.add.f32 [tilespmem:s26], [sflag:$0xF], $0x10, s6, s14, $0xb8;
	[tilespmem:$0xE000] =	vst v63  }
0x54: {  	_ =	swait.ge [sflag:s21], $0x800  }
0x55: {  	[sflag:s21] =	ssyncset.done $0x0  }
0x56: {  	s11 =	simm.s32 $0x2B80;
	[sflag:s21] =	ssyncadd.s32 $0xFFFFF800  }
0x57: {  	[spmem:s2] =	stream.indirect.scatter.add.f32 [tilespmem:s29], [sflag:$0x10], $0x10, s11, s14, $0xb8;
	[tilespmem:$0xE000] =	vst v63  }
0x58: {  	_ =	swait.ge [sflag:s23], $0x800  }
0x59: {  	[sflag:s23] =	ssyncset.done $0x0  }
0x5a: {  	s12 =	simm.s32 $0x400;
	[sflag:s23] =	ssyncadd.s32 $0xFFFFF800  }
0x5b: {  	[tilespmem:s15], [sflag:$0x1] =	stream.indirect.gather [hbm4b:s4+s14], $0x10, s12, s14, $0xb8;
	[tilespmem:$0xE000] =	vst v63  }
0x5c: {  	_ =	swait.ge [sflag:s25], $0x800  }
0x5d: {  	[sflag:s25] =	ssyncset.done $0x0  }
0x5e: {  	s6 =	simm.s32 $0x480;
	[sflag:s25] =	ssyncadd.s32 $0xFFFFF800  }
0x5f: {  	[tilespmem:s16], [sflag:$0x2] =	stream.indirect.gather [hbm4b:s4+s14], $0x10, s6, s14, $0xb8;
	[tilespmem:$0xE000] =	vst v63  }
0x60: {  	_ =	swait.ge [sflag:s28], $0x800  }
0x61: {  	[sflag:s28] =	ssyncset.done $0x0  }
0x62: {  	s11 =	simm.s32 $0x500;
	[sflag:s28] =	ssyncadd.s32 $0xFFFFF800  }
0x63: {  	[tilespmem:s18], [sflag:$0x3] =	stream.indirect.gather [hbm4b:s4+s14], $0x10, s11, s14, $0xb8;
	[tilespmem:$0xE000] =	vst v63  }
0x64: {  	_ =	swait.ge [sflag:s5], $0x800  }
0x65: {  	[sflag:s5] =	ssyncset.done $0x0  }
0x66: {  	s12 =	simm.s32 $0x580;
	[sflag:s5] =	ssyncadd.s32 $0xFFFFF800  }
0x67: {  	[tilespmem:s20], [sflag:$0x4] =	stream.indirect.gather [hbm4b:s4+s14], $0x10, s12, s14, $0xb8;
	[tilespmem:$0xE000] =	vst v63  }
0x68: {  	_ =	swait.ge [sflag:s7], $0x800  }
0x69: {  	[sflag:s7] =	ssyncset.done $0x0  }
0x6a: {  	s6 =	simm.s32 $0x600;
	[sflag:s7] =	ssyncadd.s32 $0xFFFFF800  }
0x6b: {  	[tilespmem:s22], [sflag:$0x5] =	stream.indirect.gather [hbm4b:s4+s14], $0x10, s6, s14, $0xb8;
	[tilespmem:$0xE000] =	vst v63  }
0x6c: {  	_ =	swait.ge [sflag:s8], $0x800  }
0x6d: {  	[sflag:s8] =	ssyncset.done $0x0  }
0x6e: {  	s11 =	simm.s32 $0x680;
	[sflag:s8] =	ssyncadd.s32 $0xFFFFF800  }
0x6f: {  	[tilespmem:s24], [sflag:$0x6] =	stream.indirect.gather [hbm4b:s4+s14], $0x10, s11, s14, $0xb8;
	[tilespmem:$0xE000] =	vst v63  }
0x70: {  	_ =	swait.ge [sflag:s9], $0x800  }
0x71: {  	[sflag:s9] =	ssyncset.done $0x0  }
0x72: {  	s12 =	simm.s32 $0x700;
	[sflag:s9] =	ssyncadd.s32 $0xFFFFF800  }
0x73: {  	[tilespmem:s26], [sflag:$0x7] =	stream.indirect.gather [hbm4b:s4+s14], $0x10, s12, s14, $0xb8;
	[tilespmem:$0xE000] =	vst v63  }
0x74: {  	_ =	swait.ge [sflag:s10], $0x800  }
0x75: {  	[sflag:s10] =	ssyncset.done $0x0  }
0x76: {  	s3 =	simm.s32 $0x780;
	s11 =	simm.s32 $0x1000;
	[sflag:s10] =	ssyncadd.s32 $0xFFFFF800  }
.LBB2_2:
0x77: {  	[tilespmem:s29], [sflag:$0x8] =	stream.indirect.gather [hbm4b:s4+s14], $0x10, s3, s14, $0xb8;
	[tilespmem:$0xE000] =	vst v63  }
0x78: {  	s3 =	smov.u32 s11  }
0x79: {  	p0 =	sne.s32 s11, $0x8000;
	s11 =	sadd.s32 $0x1000, s11;
	_ =	swait.ge [sflag:s30], $0x800  }
0x7a: {  	s3 =	sshra.s32 s3, $0x2;
	[sflag:s30] =	ssyncset.done $0x0  }
0x7b: {  	s6 =	sadd.s32 $0x2800, s3;
	[sflag:s30] =	ssyncadd.s32 $0xFFFFF800  }
0x7c: {  	[spmem:s2] =	stream.indirect.scatter.add.f32 [tilespmem:s15], [sflag:$0x9], $0x10, s6, s14, $0xb8;
	[tilespmem:$0xE000] =	vst v63  }
0x7d: {  	_ =	swait.ge [sflag:s31], $0x800  }
0x7e: {  	[sflag:s31] =	ssyncset.done $0x0  }
0x7f: {  	s6 =	sadd.s32 $0x2880, s3;
	[sflag:s31] =	ssyncadd.s32 $0xFFFFF800  }
0x80: {  	[spmem:s2] =	stream.indirect.scatter.add.f32 [tilespmem:s16], [sflag:$0xA], $0x10, s6, s14, $0xb8;
	[tilespmem:$0xE000] =	vst v63  }
0x81: {  	_ =	swait.ge [sflag:s1], $0x800  }
0x82: {  	[sflag:s1] =	ssyncset.done $0x0  }
0x83: {  	s6 =	sadd.s32 $0x2900, s3;
	[sflag:s1] =	ssyncadd.s32 $0xFFFFF800  }
0x84: {  	[spmem:s2] =	stream.indirect.scatter.add.f32 [tilespmem:s18], [sflag:$0xB], $0x10, s6, s14, $0xb8;
	[tilespmem:$0xE000] =	vst v63  }
0x85: {  	_ =	swait.ge [sflag:s0], $0x800  }
0x86: {  	[sflag:s0] =	ssyncset.done $0x0  }
0x87: {  	s6 =	sadd.s32 $0x2980, s3;
	[sflag:s0] =	ssyncadd.s32 $0xFFFFF800  }
0x88: {  	[spmem:s2] =	stream.indirect.scatter.add.f32 [tilespmem:s20], [sflag:$0xC], $0x10, s6, s14, $0xb8;
	[tilespmem:$0xE000] =	vst v63  }
0x89: {  	_ =	swait.ge [sflag:s13], $0x800  }
0x8a: {  	[sflag:s13] =	ssyncset.done $0x0  }
0x8b: {  	s6 =	sadd.s32 $0x2A00, s3;
	[sflag:s13] =	ssyncadd.s32 $0xFFFFF800  }
0x8c: {  	[spmem:s2] =	stream.indirect.scatter.add.f32 [tilespmem:s22], [sflag:$0xD], $0x10, s6, s14, $0xb8;
	[tilespmem:$0xE000] =	vst v63  }
0x8d: {  	_ =	swait.ge [sflag:s17], $0x800  }
0x8e: {  	[sflag:s17] =	ssyncset.done $0x0  }
0x8f: {  	s6 =	sadd.s32 $0x2A80, s3;
	[sflag:s17] =	ssyncadd.s32 $0xFFFFF800  }
0x90: {  	[spmem:s2] =	stream.indirect.scatter.add.f32 [tilespmem:s24], [sflag:$0xE], $0x10, s6, s14, $0xb8;
	[tilespmem:$0xE000] =	vst v63  }
0x91: {  	_ =	swait.ge [sflag:s19], $0x800  }
0x92: {  	[sflag:s19] =	ssyncset.done $0x0  }
0x93: {  	s6 =	sadd.s32 $0x2B00, s3;
	[sflag:s19] =	ssyncadd.s32 $0xFFFFF800  }
0x94: {  	[spmem:s2] =	stream.indirect.scatter.add.f32 [tilespmem:s26], [sflag:$0xF], $0x10, s6, s14, $0xb8;
	[tilespmem:$0xE000] =	vst v63  }
0x95: {  	_ =	swait.ge [sflag:s21], $0x800  }
0x96: {  	[sflag:s21] =	ssyncset.done $0x0  }
0x97: {  	s6 =	sadd.s32 $0x2B80, s3;
	[sflag:s21] =	ssyncadd.s32 $0xFFFFF800  }
0x98: {  	[spmem:s2] =	stream.indirect.scatter.add.f32 [tilespmem:s29], [sflag:$0x10], $0x10, s6, s14, $0xb8;
	[tilespmem:$0xE000] =	vst v63  }
0x99: {  	_ =	swait.ge [sflag:s23], $0x800  }
0x9a: {  	[sflag:s23] =	ssyncset.done $0x0  }
0x9b: {  	s6 =	sadd.s32 $0x400, s3;
	[sflag:s23] =	ssyncadd.s32 $0xFFFFF800  }
0x9c: {  	[tilespmem:s15], [sflag:$0x1] =	stream.indirect.gather [hbm4b:s4+s14], $0x10, s6, s14, $0xb8;
	[tilespmem:$0xE000] =	vst v63  }
0x9d: {  	_ =	swait.ge [sflag:s25], $0x800  }
0x9e: {  	[sflag:s25] =	ssyncset.done $0x0  }
0x9f: {  	s6 =	sadd.s32 $0x480, s3;
	[sflag:s25] =	ssyncadd.s32 $0xFFFFF800  }
0xa0: {  	[tilespmem:s16], [sflag:$0x2] =	stream.indirect.gather [hbm4b:s4+s14], $0x10, s6, s14, $0xb8;
	[tilespmem:$0xE000] =	vst v63  }
0xa1: {  	_ =	swait.ge [sflag:s28], $0x800  }
0xa2: {  	[sflag:s28] =	ssyncset.done $0x0  }
0xa3: {  	s6 =	sadd.s32 $0x500, s3;
	[sflag:s28] =	ssyncadd.s32 $0xFFFFF800  }
0xa4: {  	[tilespmem:s18], [sflag:$0x3] =	stream.indirect.gather [hbm4b:s4+s14], $0x10, s6, s14, $0xb8;
	[tilespmem:$0xE000] =	vst v63  }
0xa5: {  	_ =	swait.ge [sflag:s5], $0x800  }
0xa6: {  	[sflag:s5] =	ssyncset.done $0x0  }
0xa7: {  	s6 =	sadd.s32 $0x580, s3;
	[sflag:s5] =	ssyncadd.s32 $0xFFFFF800  }
0xa8: {  	[tilespmem:s20], [sflag:$0x4] =	stream.indirect.gather [hbm4b:s4+s14], $0x10, s6, s14, $0xb8;
	[tilespmem:$0xE000] =	vst v63  }
0xa9: {  	_ =	swait.ge [sflag:s7], $0x800  }
0xaa: {  	[sflag:s7] =	ssyncset.done $0x0  }
0xab: {  	s6 =	sadd.s32 $0x600, s3;
	[sflag:s7] =	ssyncadd.s32 $0xFFFFF800  }
0xac: {  	[tilespmem:s22], [sflag:$0x5] =	stream.indirect.gather [hbm4b:s4+s14], $0x10, s6, s14, $0xb8;
	[tilespmem:$0xE000] =	vst v63  }
0xad: {  	_ =	swait.ge [sflag:s8], $0x800  }
0xae: {  	[sflag:s8] =	ssyncset.done $0x0  }
0xaf: {  	s6 =	sadd.s32 $0x680, s3;
	[sflag:s8] =	ssyncadd.s32 $0xFFFFF800  }
0xb0: {  	[tilespmem:s24], [sflag:$0x6] =	stream.indirect.gather [hbm4b:s4+s14], $0x10, s6, s14, $0xb8;
	[tilespmem:$0xE000] =	vst v63  }
0xb1: {  	_ =	swait.ge [sflag:s9], $0x800  }
0xb2: {  	[sflag:s9] =	ssyncset.done $0x0  }
.Ltmp0:
0xb3: {  	s6 =	sadd.s32 $0x700, s3;
	[sflag:s9] =	ssyncadd.s32 $0xFFFFF800;
	(pc) =	sbr.rel @p0 .LBB2_2-.Ltmp0, $4  }
0xb4: {  	[tilespmem:s26], [sflag:$0x7] =	stream.indirect.gather [hbm4b:s4+s14], $0x10, s6, s14, $0xb8;
	[tilespmem:$0xE000] =	vst v63  }
0xb5: {  	_ =	swait.ge [sflag:s10], $0x800  }
0xb6: {  	[sflag:s10] =	ssyncset.done $0x0  }
0xb7: {  	s3 =	sadd.s32 $0x780, s3;
	[sflag:s10] =	ssyncadd.s32 $0xFFFFF800  }
0xb8: {  	[tilespmem:s29], [sflag:$0x8] =	stream.indirect.gather [hbm4b:s4+s14], $0x10, s3, s14, $0xb8;
	[tilespmem:$0xE000] =	vst v63  }
0xb9: {  	_ =	swait.ge [sflag:s30], $0x800  }
0xba: {  	[sflag:s30] =	ssyncset.done $0x0  }
0xbb: {  	s12 =	simm.s32 $0x4C00;
	[sflag:s30] =	ssyncadd.s32 $0xFFFFF800  }
0xbc: {  	[spmem:s2] =	stream.indirect.scatter.add.f32 [tilespmem:s15], [sflag:$0x9], $0x10, s12, s14, $0xb8;
	[tilespmem:$0xE000] =	vst v63  }
0xbd: {  	_ =	swait.ge [sflag:s31], $0x800  }
0xbe: {  	[sflag:s31] =	ssyncset.done $0x0  }
0xbf: {  	s6 =	simm.s32 $0x4C80;
	[sflag:s31] =	ssyncadd.s32 $0xFFFFF800  }
0xc0: {  	[spmem:s2] =	stream.indirect.scatter.add.f32 [tilespmem:s16], [sflag:$0xA], $0x10, s6, s14, $0xb8;
	[tilespmem:$0xE000] =	vst v63  }
0xc1: {  	_ =	swait.ge [sflag:s1], $0x800  }
0xc2: {  	[sflag:s1] =	ssyncset.done $0x0  }
0xc3: {  	s11 =	simm.s32 $0x4D00;
	[sflag:s1] =	ssyncadd.s32 $0xFFFFF800  }
0xc4: {  	[spmem:s2] =	stream.indirect.scatter.add.f32 [tilespmem:s18], [sflag:$0xB], $0x10, s11, s14, $0xb8;
	[tilespmem:$0xE000] =	vst v63  }
0xc5: {  	_ =	swait.ge [sflag:s0], $0x800  }
0xc6: {  	[sflag:s0] =	ssyncset.done $0x0  }
0xc7: {  	s12 =	simm.s32 $0x4D80;
	[sflag:s0] =	ssyncadd.s32 $0xFFFFF800  }
0xc8: {  	[spmem:s2] =	stream.indirect.scatter.add.f32 [tilespmem:s20], [sflag:$0xC], $0x10, s12, s14, $0xb8;
	[tilespmem:$0xE000] =	vst v63  }
0xc9: {  	_ =	swait.ge [sflag:s13], $0x800  }
0xca: {  	[sflag:s13] =	ssyncset.done $0x0  }
0xcb: {  	s6 =	simm.s32 $0x4E00;
	[sflag:s13] =	ssyncadd.s32 $0xFFFFF800  }
0xcc: {  	[spmem:s2] =	stream.indirect.scatter.add.f32 [tilespmem:s22], [sflag:$0xD], $0x10, s6, s14, $0xb8;
	[tilespmem:$0xE000] =	vst v63  }
0xcd: {  	_ =	swait.ge [sflag:s17], $0x800  }
0xce: {  	[sflag:s17] =	ssyncset.done $0x0  }
0xcf: {  	s11 =	simm.s32 $0x4E80;
	[sflag:s17] =	ssyncadd.s32 $0xFFFFF800  }
0xd0: {  	[spmem:s2] =	stream.indirect.scatter.add.f32 [tilespmem:s24], [sflag:$0xE], $0x10, s11, s14, $0xb8;
	[tilespmem:$0xE000] =	vst v63  }
0xd1: {  	_ =	swait.ge [sflag:s19], $0x800  }
0xd2: {  	[sflag:s19] =	ssyncset.done $0x0  }
0xd3: {  	s12 =	simm.s32 $0x4F00;
	[sflag:s19] =	ssyncadd.s32 $0xFFFFF800  }
0xd4: {  	[spmem:s2] =	stream.indirect.scatter.add.f32 [tilespmem:s26], [sflag:$0xF], $0x10, s12, s14, $0xb8;
	[tilespmem:$0xE000] =	vst v63  }
0xd5: {  	_ =	swait.ge [sflag:s21], $0x800  }
0xd6: {  	[sflag:s21] =	ssyncset.done $0x0  }
0xd7: {  	s6 =	simm.s32 $0x4F80;
	[sflag:s21] =	ssyncadd.s32 $0xFFFFF800  }
0xd8: {  	[spmem:s2] =	stream.indirect.scatter.add.f32 [tilespmem:s29], [sflag:$0x10], $0x10, s6, s14, $0xb8;
	[tilespmem:$0xE000] =	vst v63  }
0xd9: {  	_ =	swait.ge [sflag:s23], $0x800  }
0xda: {  	[sflag:s23] =	ssyncset.done $0x0  }
0xdb: {  	[sflag:s23] =	ssyncadd.s32 $0xFFFFF800  }
0xdc: {  	_ =	swait.ge [sflag:s25], $0x800  }
0xdd: {  	[sflag:s25] =	ssyncset.done $0x0  }
0xde: {  	[sflag:s25] =	ssyncadd.s32 $0xFFFFF800  }
0xdf: {  	_ =	swait.ge [sflag:s28], $0x800  }
0xe0: {  	[sflag:s28] =	ssyncset.done $0x0  }
0xe1: {  	[sflag:s28] =	ssyncadd.s32 $0xFFFFF800  }
0xe2: {  	_ =	swait.ge [sflag:s5], $0x800  }
0xe3: {  	[sflag:s5] =	ssyncset.done $0x0  }
0xe4: {  	[sflag:s5] =	ssyncadd.s32 $0xFFFFF800  }
0xe5: {  	_ =	swait.ge [sflag:s7], $0x800  }
0xe6: {  	[sflag:s7] =	ssyncset.done $0x0  }
0xe7: {  	[sflag:s7] =	ssyncadd.s32 $0xFFFFF800  }
0xe8: {  	_ =	swait.ge [sflag:s8], $0x800  }
0xe9: {  	[sflag:s8] =	ssyncset.done $0x0  }
0xea: {  	[sflag:s8] =	ssyncadd.s32 $0xFFFFF800  }
0xeb: {  	_ =	swait.ge [sflag:s9], $0x800  }
0xec: {  	[sflag:s9] =	ssyncset.done $0x0  }
0xed: {  	[sflag:s9] =	ssyncadd.s32 $0xFFFFF800  }
0xee: {  	_ =	swait.ge [sflag:s10], $0x800  }
0xef: {  	[sflag:s10] =	ssyncset.done $0x0  }
0xf0: {  	[sflag:s10] =	ssyncadd.s32 $0xFFFFF800  }
0xf1: {  	[bflag:$0x0] =	sbarrier.arrive $0xFFFF  }
0xf2: {  	s12 =	simm.s32 $0x9000;
	s6 =	simm.s32 $0x11;
	s11 =	rddreg [dreg:$0x4]  }
0xf3: {  	[tilespmem:s12], [sflag:$0x11] =	stream.linear.gather [spmem:s11], $0x2800, $0x38;
	[tilespmem:$0xE000] =	vst v63  }
0xf4: {  	_ =	swait.ge [sflag:s6], $0x2800  }
0xf5: {  	[sflag:s6] =	ssyncset.done $0x0  }
0xf6: {  	s11 =	simm.s32 $0x0;
	s3 =	rddreg [dreg:$0x7];
	[sflag:s6] =	ssyncadd.s32 $0xFFFFD800  }
0xf7: {  	[hbm4b:s3+s11] =	stream.linear.scatter [tilespmem:s12], [sflag:$0x11], $0x2800, $0x38;
	[tilespmem:$0xE000] =	vst v63  }
0xf8: {  	_ =	swait.ge [sflag:s6], $0x2800  }
0xf9: {  	s3 =	rddreg [dreg:$0x9]  }
0xfa: {  	[sflag:s6] =	ssyncset.done $0x0;
	s6 =	rddreg [dreg:$0x8];
	s11 =	sadd.s32 $0x1, s3  }
0xfb: {  	p0 =	sne.s32 s11, s6  }
.Ltmp1:
0xfc: {  	_ = 	snop;
	(pc) =	sbr.rel @p0 .LBB2_1-.Ltmp1, $3  }
0xfd: {  	_ =	sdelay $0x1  }
0xfe: {  	s6 =	simm.s32 $0x11  }
0xff: {  	[dreg:$0x9] =	wrdreg s11;
	s11 =	simm.s32 $0x0;
	[sflag:s6] =	ssyncadd.s32 $0xFFFFD800  }
0x100: {  	_ =	sfence.sel $0x180000  }
0x101: {  	[bflag:$0x0] =	sbarrier.arrive $0xFFFF  }
0x102: {  	_ =	strace $0x9000004D  }
0x103: {  	s0 =	stileid.u32;
	[bflag:$0x2] =	sbarrier.arrive $0xFFFF  }
0x104: {  	p0 =	sne.s32 s0, $0x0;
	s0 =	rddreg [dreg:$0x2]  }
0x105: {  	s0 =	sadd.s32 @!p0 $0x100000, s0  }
0x106: {  	[sflag:s0] =	ssyncadd.tile.s32 @!p0 $0x1;
	_ =	shalt  }
.Lfunc_end2:
_tile_overlayer_lowered:
.L_overlay_start_2:
0x107: {  	(tag) =	ssettag $0x2  }
0x108: {  	s0 =	rddreg [dreg:$0x0];
	s2 =	stileid.u32  }
0x109: {  	s1 =	rddreg [dreg:$0x1];
	p0 =	sne.s32 s2, $0x0  }
0x10a: {  	s3 =	rddreg [dreg:$0x2];
	[bflag:$0x3] =	sbarrier.arrive $0xFFFF;
	s2 =	simm.s32 @!p0 $0x1C11  }
0x10b: {  	[timem:s3], [sflag:s2] =	dma.local @!p0 [hbm:s0], s1  }
0x10c: {  	s0 =	simm.s32 @!p0 $0x11  }
0x10d: {  	_ =	swait.ge @!p0 [sflag:s0], s1  }
0x10e: {  	s1 =	ssub.s32 @!p0 $0x0, s1;
	[sflag:s0] =	ssyncset.done @!p0 $0x0  }
0x10f: {  	[sflag:s0] =	ssyncadd.s32 @!p0 s1  }
0x110: {  	[bflag:$0x3] =	sbarrier.arrive $0xFFFF  }
0x111: {  	_ =	shalt  }

// kernel: kernel.8.cloned.1.call-start
scs
__scs_entry_jumppad:
0x0: {  	(pc) =	sbr.rel $0x88, $3  }
0x1: {  	(tag) =	ssettag $0x0;
	lr =	simm.s32 $0x1  }
0x2: {  	[smem:$0x3F98] =	sst lr;
	_ =	strace $0xD0000000  }
0x3: {  	_ = 	snop  }
0x4: {  	_ = 	snop  }
0x5: {  	_ = 	snop  }
0x6: {  	_ = 	snop  }
0x7: {  	_ = 	snop  }
__scs_overlays_trampoline_lowered:
0x8: {  	[smem:$0x3FA7] =	sst s0  }
0x9: {  	[smem:$0x3FA8] =	sst s1  }
0xa: {  	[smem:$0x3FA9] =	sst s2  }
0xb: {  	[smem:$0x3FAA] =	sst s3  }
0xc: {  	[smem:$0x3FAB] =	sst s4  }
0xd: {  	[smem:$0x3FAC] =	sst s5  }
0xe: {  	[smem:$0x3FAD] =	sst s6  }
0xf: {  	[smem:$0x3FAE] =	sst s7  }
0x10: {  	[smem:$0x3FAF] =	sst s8  }
0x11: {  	[smem:$0x3FB0] =	sst s9;
	s0 =	simm.s32 @!p0 $0x0  }
0x12: {  	s1 =	sld [smem:$0x3F96];
	s0 =	simm.s32 @p0 $0x1  }
0x13: {  	[smem:$0x3FB1] =	sst s0;
	s0 =	simm.s32 @!p1 $0x0  }
0x14: {  	s2 =	sld [smem:$0x3F95];
	s0 =	simm.s32 @p1 $0x1  }
0x15: {  	[smem:$0x3FB2] =	sst s0;
	s0 =	simm.s32 @!p2 $0x0  }
0x16: {  	s3 =	sld [smem:$0x3FDB];
	s0 =	simm.s32 @p2 $0x1  }
0x17: {  	s4 =	simm.s32 $0x1BF5;
	[smem:$0x3FB4] =	sst s0  }
0x18: {  	s0 =	sld [smem:$0x3F97];
	_ =	swait.ge [sflag:s4], $0x0  }
0x19: {  	s7 =	sld [smem:$0x3F98]  }
0x1a: {  	s8 =	sadd.s32 $0xFFFFE003, lr  }
0x1b: {  	s9 =	sadd.s32 $0xFFFFFEF7, lr;
	s5 =	simm.s32 $0xFFFFFFFF;
	p2 =	slt.u32 s8, $0xFFFFF086  }
0x1c: {  	p1 =	slt.u32 s9, $0xF7A;
	s5 =	simm.s32 @!p2 $0x0  }
0x1d: {  	s5 =	simm.s32 @p1 $0x1;
	p0 =	seq.s32 s7, s2  }
0x1e: {  	s7 =	smul.u32 @!p0 $0xF7A, s2;
	p2 =	seq.s32 @!p0 s5, $0x0  }
0x1f: {  	s9 =	smul.u32 $0xF7A, s1;
	s8 =	simm.s32 @!p0 $0x1BF5;
	p2 =	por !p2, p0  }
0x20: {  	[sflag:s8] =	ssyncset.s32 @!p0 $0xFFFFF086;
	s6 =	sadd.s32 @!p0 s3, s7;
	s7 =	simm.s32 @!p0 $0x108  }
0x21: {  	s3 =	sadd.s32 s3, s9;
	s6 =	sadd.s32 @!p0 $0x88, s6;
	s7 =	simm.s32 @p2 $0x1082  }
0x22: {  	[simem:s7], [sflag:s8] =	dma.local @!p0 [hbm:s6], $0xF7A  }
0x23: {  	s9 =	sor.u32 $0xD0000000, s2;
	s6 =	simm.s32 $0x108;
	_ =	swait.ge @!p0 [sflag:s8], $0x0  }
0x24: {  	s3 =	sadd.s32 $0x88, s3;
	s6 =	simm.s32 @!p1 $0x1082;
	[sflag:s4] =	ssyncset.s32 $0xFFFFF086  }
0x25: {  	[simem:s6], [sflag:s4] =	dma.local [hbm:s3], $0xF7A  }
0x26: {  	[smem:$0x3F98] =	sst s1;
	(tag) =	ssettag s2;
	_ =	strace s9  }
0x27: {  	s1 =	sld [smem:$0x3FA8]  }
0x28: {  	s2 =	sld [smem:$0x3FA9]  }
0x29: {  	s4 =	sld [smem:$0x3FAB]  }
0x2a: {  	p0 =	seq.s32 s5, $0x0;
	s5 =	sld [smem:$0x3FAC]  }
0x2b: {  	s6 =	sld [smem:$0x3FAD]  }
0x2c: {  	s7 =	sld [smem:$0x3FAE]  }
0x2d: {  	s3 =	simm.s32 $0x108;
	s8 =	sld [smem:$0x3FAF]  }
0x2e: {  	s3 =	simm.s32 @!p0 $0x1082;
	s9 =	sld [smem:$0x3FB0]  }
0x2f: {  	lr =	sadd.s32 s0, s3;
	s0 =	sld [smem:$0x3FA7]  }
0x30: {  	s3 =	sld [smem:$0x3FAA]  }
0x31: {  	[smem:$0x3FB3] =	sst s10  }
0x32: {  	s10 =	sld [smem:$0x3FB1];
	_ =	sdelay $0x3  }
0x33: {  	p0 =	seq.s32 s10, $0x1;
	s10 =	sld [smem:$0x3FB3];
	_ =	sdelay $0x3  }
0x34: {  	[smem:$0x3FB3] =	sst s10  }
0x35: {  	s10 =	sld [smem:$0x3FB2];
	_ =	sdelay $0x3  }
0x36: {  	p1 =	seq.s32 s10, $0x1;
	s10 =	sld [smem:$0x3FB3];
	_ =	sdelay $0x3  }
0x37: {  	[smem:$0x3FB3] =	sst s10  }
0x38: {  	s10 =	sld [smem:$0x3FB4]  }
0x39: {  	_ = 	snop;
	(pc) =	sbr.ind lr, $3  }
0x3a: {  	_ = 	snop  }
0x3b: {  	_ = 	snop  }
0x3c: {  	p2 =	seq.s32 s10, $0x1;
	s10 =	sld [smem:$0x3FB3]  }
0x3d: {  	_ =	shalt  }
0x3e: {  	_ =	shalt  }
0x3f: {  	_ =	shalt  }
0x40: {  	_ =	shalt  }
0x41: {  	_ =	shalt  }
0x42: {  	_ =	shalt  }
0x43: {  	_ =	shalt  }
0x44: {  	_ =	shalt  }
0x45: {  	_ =	shalt  }
0x46: {  	_ =	shalt  }
0x47: {  	_ =	shalt  }
0x48: {  	_ =	shalt  }
0x49: {  	_ =	shalt  }
0x4a: {  	_ =	shalt  }
0x4b: {  	_ =	shalt  }
0x4c: {  	_ =	shalt  }
0x4d: {  	_ =	shalt  }
0x4e: {  	_ =	shalt  }
0x4f: {  	_ =	shalt  }
0x50: {  	_ =	shalt  }
0x51: {  	_ =	shalt  }
0x52: {  	_ =	shalt  }
0x53: {  	_ =	shalt  }
0x54: {  	_ =	shalt  }
0x55: {  	_ =	shalt  }
0x56: {  	_ =	shalt  }
0x57: {  	_ =	shalt  }
0x58: {  	_ =	shalt  }
0x59: {  	_ =	shalt  }
0x5a: {  	_ =	shalt  }
0x5b: {  	_ =	shalt  }
0x5c: {  	_ =	shalt  }
0x5d: {  	_ =	shalt  }
0x5e: {  	_ =	shalt  }
0x5f: {  	_ =	shalt  }
0x60: {  	_ =	shalt  }
0x61: {  	_ =	shalt  }
0x62: {  	_ =	shalt  }
0x63: {  	_ =	shalt  }
0x64: {  	_ =	shalt  }
0x65: {  	_ =	shalt  }
0x66: {  	_ =	shalt  }
0x67: {  	_ =	shalt  }
0x68: {  	_ =	shalt  }
0x69: {  	_ =	shalt  }
0x6a: {  	_ =	shalt  }
0x6b: {  	_ =	shalt  }
0x6c: {  	_ =	shalt  }
0x6d: {  	_ =	shalt  }
0x6e: {  	_ =	shalt  }
0x6f: {  	_ =	shalt  }
0x70: {  	_ =	shalt  }
0x71: {  	_ =	shalt  }
0x72: {  	_ =	shalt  }
0x73: {  	_ =	shalt  }
0x74: {  	_ =	shalt  }
0x75: {  	_ =	shalt  }
0x76: {  	_ =	shalt  }
0x77: {  	_ =	shalt  }
0x78: {  	_ =	shalt  }
0x79: {  	_ =	shalt  }
0x7a: {  	_ =	shalt  }
0x7b: {  	_ =	shalt  }
0x7c: {  	_ =	shalt  }
0x7d: {  	_ =	shalt  }
0x7e: {  	_ =	shalt  }
0x7f: {  	_ =	shalt  }
0x80: {  	_ =	shalt  }
0x81: {  	_ =	shalt  }
0x82: {  	_ =	shalt  }
0x83: {  	_ =	shalt  }
0x84: {  	_ =	shalt  }
0x85: {  	_ =	shalt  }
0x86: {  	_ =	shalt  }
0x87: {  	_ =	shalt  }
.Lfunc_end0:
.L_simem_size_0:
called_computation_lowered:
.L_overlay_start_0:
0x88: {  	s2 =	sld [smem:$0x3FD9]  }
0x89: {  	s3 =	sld [smem:$0x3FFE];
	_ =	sdelay $0x1  }
0x8a: {  	s1 =	srdreg.scid  }
0x8b: {  	s0 =	sand.u32 $0x1, s1  }
0x8c: {  	s16 =	sshll.u32 s0, $0xA;
	s2 =	sadd.s32 s3, s2  }
0x8d: {  	s2 =	sadd.s32 s2, s16  }
0x8e: {  	[smem:$0x3FBF] =	sst s2  }
0x8f: {  	_ = 	snop  }
0x90: {  	(tm) =	ssettm $0x1  }
0x91: {  	s17 =	sld [smem:$0x3FFB];
	_ =	sdelay $0x3  }
0x92: {  	_ =	strace s17  }
0x93: {  	s2 =	sld [smem:$0x3FFC];
	_ =	sdelay $0x3  }
0x94: {  	_ =	strace s2  }
0x95: {  	s2 =	sld [smem:$0x3FFD];
	_ =	sdelay $0x3  }
0x96: {  	_ =	strace s2  }
0x97: {  	_ =	strace $0x8FFFFFFF  }
0x98: {  	s18 =	sld [smem:$0x3FDB];
	_ =	sdelay $0x1  }
0x99: {  	s19 =	simm.s32 $_scs_section_size  }
0x9a: {  	s4 =	simm.s32 $_size__tile_overlayer_lowered;
	s5 =	simm.s32 $_tile_overlayer_lowered  }
0x9b: {  	s22 =	simm.s32 $0x1BFF;
	s21 =	sshll.u32 s5, $0x1;
	s2 =	sadd.s32 s19, s18  }
0x9c: {  	s6 =	simm.s32 $0x0;
	s20 =	sshll.u32 s4, $0x1;
	s4 =	sadd.s32 s21, s2  }
0x9d: {  	[timem:s6], [sflag:s22] =	dma.local [hbm:s4], s20  }
0x9e: {  	_ =	swait.ge [sflag:s22], s20  }
0x9f: {  	s3 =	ssub.s32 $0x0, s20;
	[sflag:s22] =	ssyncset.done $0x0  }
0xa0: {  	[sflag:s22] =	ssyncadd.s32 s3;
	_ =	sdelay $0x1  }
0xa1: {  	s23 =	simm.s32 $0x1B8B  }
0xa2: {  	_ =	swait.ge [sflag:s23], $0x1  }
0xa3: {  	[sflag:s23] =	ssyncset.done $0x0  }
0xa4: {  	s25 =	simm.s32 $0x1B8E;
	s24 =	sld [smem:$0x3FFE];
	[sflag:s23] =	ssyncadd.s32 $0xFFFFFFFF  }
0xa5: {  	s26 =	simm.s32 $execute0_lowered;
	[smem:$0x3FD2] =	sst s25  }
0xa6: {  	s4 =	sshll.u32 s26, $0x1;
	_ =	strace $0x80000046;
	[dreg:$0x1] =	wrdreg $0xFFFFFFFF  }
0xa7: {  	s28 =	simm.s32 $_size_execute0_lowered;
	s2 =	sadd.s32 s2, s4;
	[dreg:$0x0] =	wrdreg $0x0  }
0xa8: {  	s4 =	sshll.u32 s28, $0x1;
	[dreg:$0x2] =	wrdreg s2  }
0xa9: {  	[dreg:$0x3] =	wrdreg s4  }
0xaa: {  	[dreg:$0x4] =	wrdreg $0xC0  }
0xab: {  	_ =	task [dreg:s6], $0x5FFFF  }
0xac: {  	[dreg:$0x1] =	wrdreg $0xFFFFFFFF  }
0xad: {  	[dreg:$0x0] =	wrdreg $0x60  }
0xae: {  	[dreg:$0x2] =	wrdreg s24  }
0xaf: {  	[dreg:$0x3] =	wrdreg $0x2B000  }
0xb0: {  	[dreg:$0x4] =	wrdreg $0x9  }
0xb1: {  	_ =	task.clear_ibuf [dreg:s6], $0x5FFFF;
	_ =	strace $0x90000046  }
0xb2: {  	s29 =	simm.s32 $0x9;
	_ =	strace $0x80000048  }
0xb3: {  	_ =	swait.ge [sflag:s29], $0x1  }
0xb4: {  	[sflag:s29] =	ssyncadd.s32 $0xFFFFFFFF  }
0xb5: {  	_ =	strace $0x90000048  }
0xb6: {  	_ =	sfence  }
0xb7: {  	s30 =	sld [smem:$0x0];
	_ =	sdelay $0x2  }
0xb8: {  	s31 =	sshll.u32 s1, $0xD;
	s1 =	sshrl.u32 s1, $0x2  }
0xb9: {  	s3 =	sand.u32 $0x4000, s31;
	s1 =	sadd.s32 s1, s30  }
0xba: {  	s0 =	sor.u32 s3, s0;
	s1 =	sshll.u32 s1, $0x11  }
0xbb: {  	s0 =	sor.u32 s1, s0  }
0xbc: {  	s0 =	sadd.s32 $0x8F2B, s0  }
0xbd: {  	[sflag:s0] =	ssyncadd.remote.s32 $0x1  }
0xbe: {  	_ =	sfence.sel $0xFFFF  }
0xbf: {  	[dreg:$0x0] =	wrdreg $0xFFFFFFFF;
	(pc) =	sbr.abs _section_cstart, $3  }
0xc0: {  	[dreg:$0x1] =	wrdreg $0xFFFFFFFF  }
0xc1: {  	_ =	task.clear_ibuf [dreg:s6], $0x2FFFF;
	_ =	strace $0x9FFFFFFF  }
0xc2: {  	(tm) =	ssettm $0x7FFFFFFF  }
0xc3: {  	_ =	shalt  }
tec
execute0_lowered:
.L_overlay_start_1:
0x0: {  	(tag) =	ssettag $0x1  }
0x1: {  	s5 =	rddreg [dreg:$0x0]  }
0x2: {  	s0 =	srdreg.scid;
	s2 =	rddreg [dreg:$0x1];
	s3 =	simm.s32 $0x0  }
0x3: {  	s11 =	simm.s32 $0x80;
	s12 =	simm.s32 $0x2800;
	s13 =	simm.s32 $0x1  }
0x4: {  	s14 =	simm.s32 $0x0;
	s4 =	sand.u32 $0x1, s0;
	s0 =	stileid.u32  }
0x5: {  	[smem:$0x7FF] =	sst s3;
	s1 =	sshll.u32 s4, $0x4;
	s7 =	smul.u32 $0x280, s0  }
0x6: {  	s8 =	smul.u32 $0x2800, s4;
	s4 =	ssub.s32 $0x2, s4;
	s1 =	sor.u32 s0, s1  }
0x7: {  	s31 =	sshrl.u32 s4, $0x1;
	s6 =	smul.u32 $0x500, s1;
	s1 =	rddreg [dreg:$0x2]  }
0x8: {  	_ =	strace $0x80000047;
	s8 =	sadd.s32 s7, s8;
	s9 =	sshrl.u32 s7, $0x3  }
0x9: {  	s10 =	ssub.s32 s4, s31;
	s8 =	sshrl.u32 s8, $0x3;
	s9 =	sadd.s32 s9, s5  }
0xa: {  	s6 =	sadd.s32 s6, s5;
	s8 =	sadd.s32 s8, s5;
	s4 =	sadd.s32 $0x16200, s9  }
0xb: {  	s5 =	sadd.s32 s7, s2;
	s9 =	simm.s32 $0x2880;
	s6 =	sadd.s32 $0x2200, s6  }
0xc: {  	v0 =	vimm.f32 $1.000000000e+00;
	s7 =	sadd.s32 $0x16800, s8;
	s8 =	smax.u32 s10, $0x1;
	s10 =	simm.s32 $0x2  }
.LBB2_1:
0xd: {  	[tilespmem:$0x2800] =	vst v0  }
0xe: {  	[tilespmem:$0x2810] =	vst v0  }
0xf: {  	[tilespmem:$0x2820] =	vst v0  }
0x10: {  	[tilespmem:$0x2830] =	vst v0  }
0x11: {  	[tilespmem:$0x2840] =	vst v0  }
0x12: {  	[tilespmem:$0x2850] =	vst v0  }
0x13: {  	[tilespmem:$0x2860] =	vst v0  }
0x14: {  	[tilespmem:$0x2870] =	vst v0  }
0x15: {  	[tilespmem:s9], [sflag:$0x2] =	stream.linear.gather [hbm4b:s4+s3], $0x280, $0x38;
	[tilespmem:$0x2D80] =	vst v63  }
0x16: {  	_ =	swait.ge [sflag:s10], $0x280  }
0x17: {  	[sflag:s10] =	ssyncset.done $0x0  }
0x18: {  	[sflag:s10] =	ssyncadd.s32 $0xFFFFFD80  }
0x19: {  	[spmem:s5] =	stream.linear.scatter [tilespmem:s9], [sflag:$0x2], $0x280, $0x38;
	[tilespmem:$0x2D80] =	vst v63  }
0x1a: {  	_ =	swait.ge [sflag:s10], $0x280  }
0x1b: {  	[sflag:s10] =	ssyncset.done $0x0  }
0x1c: {  	[sflag:s10] =	ssyncadd.s32 $0xFFFFFD80  }
0x1d: {  	[tilespmem:s3], [sflag:$0x2] =	stream.linear.gather [hbm4b:s6+s3], $0x2800, $0x38;
	[tilespmem:$0x2D80] =	vst v63  }
0x1e: {  	_ =	swait.ge [sflag:s10], $0x2800  }
0x1f: {  	[sflag:s10] =	ssyncset.done $0x0  }
0x20: {  	[sflag:s10] =	ssyncadd.s32 $0xFFFFD800  }
0x21: {  	s15 =	simm.s32 $0x0;
	[bflag:$0x0] =	sbarrier.arrive $0xFFFF  }
.LBB2_2:
0x22: {  	p0 =	sne.s32 s15, $0x9E00  }
.Ltmp0:
0x23: {  	_ = 	snop;
	(pc) =	sbr.rel @p0 .LBB2_2-.Ltmp0, $3  }
0x24: {  	_ =	sdelay $0x1  }
0x25: {  	s16 =	sshra.s32 s15, $0x2;
	s15 =	sadd.s32 $0x200, s15  }
0x26: {  	[spmem:s2] =	stream.indirect.scatter.add.f32 [tilespmem:s12], [sflag:$0x1], $0x1, s16, s11, $0xb8;
	[tilespmem:$0x2D80] =	vst v63  }
0x27: {  	_ =	swait.ge [sflag:s13], $0x80  }
0x28: {  	s15 =	simm.s32 $0x4F;
	[sflag:s13] =	ssyncset.done $0x0  }
.LBB2_4:
0x29: {  	p0 =	sne.s32 s15, $0x1;
	s15 =	sadd.s32 $0xFFFFFFFF, s15;
	[sflag:s13] =	ssyncadd.s32 $0xFFFFFF80  }
.Ltmp1:
0x2a: {  	(pc) =	sbr.rel @p0 .LBB2_4-.Ltmp1, $3  }
0x2b: {  	_ =	sdelay $0x1  }
0x2c: {  	_ =	swait.ge [sflag:s13], $0x80  }
0x2d: {  	[sflag:s13] =	ssyncset.done $0x0  }
0x2e: {  	[sflag:s13] =	ssyncadd.s32 $0xFFFFFF80  }
0x2f: {  	[bflag:$0x0] =	sbarrier.arrive $0xFFFF  }
0x30: {  	[tilespmem:s9], [sflag:$0x2] =	stream.linear.gather [spmem:s5], $0x280, $0x38;
	[tilespmem:$0x2D80] =	vst v63  }
0x31: {  	s14 =	sadd.s32 $0x1, s14;
	_ =	swait.ge [sflag:s10], $0x280  }
0x32: {  	p0 =	sne.s32 s14, s8;
	[sflag:s10] =	ssyncset.done $0x0  }
.Ltmp2:
0x33: {  	[sflag:s10] =	ssyncadd.s32 $0xFFFFFD80;
	(pc) =	sbr.rel @p0 .LBB2_1-.Ltmp2, $4  }
0x34: {  	[hbm4b:s7+s3] =	stream.linear.scatter [tilespmem:s9], [sflag:$0x2], $0x280, $0x38;
	[tilespmem:$0x2D80] =	vst v63  }
0x35: {  	_ =	swait.ge [sflag:s10], $0x280  }
0x36: {  	[sflag:s10] =	ssyncset.done $0x0  }
0x37: {  	[sflag:s10] =	ssyncadd.s32 $0xFFFFFD80  }
0x38: {  	_ =	sfence.sel $0x180000  }
0x39: {  	[bflag:$0x0] =	sbarrier.arrive $0xFFFF  }
0x3a: {  	p0 =	sne.s32 s0, $0x0;
	_ =	strace $0x90000047  }
0x3b: {  	s0 =	sadd.s32 @!p0 $0x100000, s1;
	[bflag:$0x2] =	sbarrier.arrive $0xFFFF  }
0x3c: {  	[sflag:s0] =	ssyncadd.tile.s32 @!p0 $0x1;
	_ =	shalt  }
.Lfunc_end2:
_tile_overlayer_lowered:
.L_overlay_start_2:
0x3d: {  	(tag) =	ssettag $0x2  }
0x3e: {  	s0 =	rddreg [dreg:$0x0];
	s2 =	stileid.u32  }
0x3f: {  	s1 =	rddreg [dreg:$0x1];
	p0 =	sne.s32 s2, $0x0  }
0x40: {  	s3 =	rddreg [dreg:$0x2];
	[bflag:$0x3] =	sbarrier.arrive $0xFFFF;
	s2 =	simm.s32 @!p0 $0x1C02  }
0x41: {  	[timem:s3], [sflag:s2] =	dma.local @!p0 [hbm:s0], s1  }
0x42: {  	s0 =	simm.s32 @!p0 $0x2  }
0x43: {  	_ =	swait.ge @!p0 [sflag:s0], s1  }
0x44: {  	s1 =	ssub.s32 @!p0 $0x0, s1;
	[sflag:s0] =	ssyncset.done @!p0 $0x0  }
0x45: {  	[sflag:s0] =	ssyncadd.s32 @!p0 s1  }
0x46: {  	[bflag:$0x3] =	sbarrier.arrive $0xFFFF  }
0x47: {  	_ =	shalt  }

</sc_bundles>
